<compile_context>
chip_gen: v7x
topology: tpu7x:2x2x1
jax: 0.10.2.dev20260603
libtpu: 0.0.44.dev20260713+nightly
codegen_flags: <defaults>
</compile_context>

<pallas_src>
import functools

import jax
import jax.numpy as jnp
from jax import lax
from jax.experimental import pallas as pl
from jax.experimental.pallas import tpu as pltpu
from jax.experimental.pallas import tpu_sc as plsc

N = 10000
E = 320000
C = 1000
H = 128
NCLS = 40

NSC = 2
NTILE = 16
NP = 10240
SHALF = NP // 2
SACC = SHALF + 128
TRASH = SHALF
SRPT = SHALF // NTILE
EPT = E // NTILE
KE = 128
KT = 32
NFULL = (EPT - KT) // KE
NCHUNK = NFULL
BN = 1000
GRID = N // BN

_MESH = plsc.VectorSubcoreMesh(core_axis_name="c", subcore_axis_name="s",
                               num_cores=NSC, num_subcores=NTILE)


def _localize(dst_v, loc_v, lo, trash, n=KE):
    for j in range(n // 16):
        d = dst_v[pl.ds(j * 16, 16)]
        rel = d - lo
        owned = (rel >= 0) & (rel < SHALF)
        loc_v[pl.ds(j * 16, 16)] = jnp.where(owned, rel, trash + (j % 8))


EB = 3200
EGRID = E // EB


def _deg_tc_body(dst_ref, out_ref):
    i = pl.program_id(0)
    d = dst_ref[0, 0, :]
    hi = lax.shift_right_logical(d * 41944, 22)
    lo = d - hi * 100
    cols = lax.broadcasted_iota(jnp.int32, (1, 100), 1)
    oh_hi = (hi[:, None] == cols).astype(jnp.float32)
    oh_lo = (lo[:, None] == cols).astype(jnp.float32)
    delta = lax.dot_general(oh_hi, oh_lo, (((0,), (0,)), ((), ())),
                            preferred_element_type=jnp.float32)

    @pl.when(i == 0)
    def _():
        out_ref[...] = jnp.zeros_like(out_ref)

    out_ref[...] += delta


_deg_tc = pl.pallas_call(
    _deg_tc_body,
    grid=(EGRID,),
    in_specs=[pl.BlockSpec((1, 1, EB), lambda i: (i, 0, 0))],
    out_specs=pl.BlockSpec((100, 100), lambda i: (0, 0)),
    out_shape=jax.ShapeDtypeStruct((100, 100), jnp.float32),
)


@functools.partial(
    pl.kernel,
    out_type=jax.ShapeDtypeStruct((NP, H), jnp.float32),
    mesh=_MESH,
    scratch_types=[
        pltpu.VMEM((KE,), jnp.int32),
        pltpu.VMEM((KE,), jnp.int32),
        pltpu.VMEM((KE,), jnp.int32),
        pltpu.VMEM((KE,), jnp.int32),
        pltpu.VMEM((KE,), jnp.int32),
        pltpu.VMEM((KE,), jnp.int32),
        pltpu.VMEM((KT,), jnp.int32),
        pltpu.VMEM((KE, H), jnp.float32),
        pltpu.VMEM((KE, H), jnp.float32),
        pltpu.VMEM((SRPT, H), jnp.float32),
        pltpu.VMEM_SHARED((SACC, H), jnp.float32),
        pltpu.SemaphoreType.DMA,
        pltpu.SemaphoreType.DMA,
        pltpu.SemaphoreType.DMA,
        pltpu.SemaphoreType.DMA,
    ],
)
def _segsum_kernel(xs_hbm, src_hbm, dst_hbm, out_hbm,
                   src_a, src_b, dst_a, dst_b, loc_a, loc_b, loc_t,
                   rows_a, rows_b, strip_v, acc_sh,
                   sem_ia, sem_ib, sem_a, sem_b):
    cid = lax.axis_index("c")
    sid = lax.axis_index("s")
    lo = cid * SHALF
    trash = TRASH + sid * 8
    r0 = sid * SRPT
    pltpu.sync_copy(xs_hbm.at[pl.ds(lo + r0, SRPT)], strip_v)
    pltpu.sync_copy(strip_v, acc_sh.at[pl.ds(r0, SRPT)])
    plsc.subcore_barrier()
    ebase = sid * EPT

    def idx_load(b, sv, dv, sem):
        pltpu.async_copy(src_hbm.at[pl.ds(b, KE)], sv, sem)
        pltpu.async_copy(dst_hbm.at[pl.ds(b, KE)], dv, sem)

    def idx_wait(sv, dv, sem):
        pltpu.make_async_copy(src_hbm.at[pl.ds(0, KE)], sv, sem).wait()
        pltpu.make_async_copy(dst_hbm.at[pl.ds(0, KE)], dv, sem).wait()

    idx_load(ebase, src_a, dst_a, sem_ia)
    idx_wait(src_a, dst_a, sem_ia)
    pltpu.async_copy(xs_hbm.at[src_a], rows_a, sem_a)
    idx_load(ebase + KE, src_b, dst_b, sem_ib)

    def body(t, carry):
        b0 = ebase + 2 * t * KE

        idx_wait(src_b, dst_b, sem_ib)
        cp_b = pltpu.async_copy(xs_hbm.at[src_b], rows_b, sem_b)
        _localize(dst_a, loc_a, lo, trash)
        pltpu.make_async_copy(xs_hbm.at[src_a], rows_a, sem_a).wait()
        pltpu.sync_copy(rows_a, acc_sh.at[loc_a], add=True)

        @pl.when(t < NCHUNK // 2 - 1)
        def _():
            idx_load(b0 + 2 * KE, src_a, dst_a, sem_ia)

        _localize(dst_b, loc_b, lo, trash)
        cp_b.wait()

        @pl.when(t < NCHUNK // 2 - 1)
        def _():
            idx_wait(src_a, dst_a, sem_ia)
            pltpu.async_copy(xs_hbm.at[src_a], rows_a, sem_a)
            idx_load(b0 + 3 * KE, src_b, dst_b, sem_ib)

        pltpu.sync_copy(rows_b, acc_sh.at[loc_b], add=True)
        return carry

    lax.fori_loop(0, NCHUNK // 2, body, 0)

    bt = ebase + NFULL * KE
    pltpu.sync_copy(src_hbm.at[pl.ds(bt, KT)], src_a.at[pl.ds(0, KT)])
    pltpu.sync_copy(dst_hbm.at[pl.ds(bt, KT)], dst_a.at[pl.ds(0, KT)])
    _localize(dst_a, loc_t, lo, trash, n=KT)
    pltpu.async_copy(xs_hbm.at[src_a.at[pl.ds(0, KT)]],
                     rows_a.at[pl.ds(0, KT)], sem_a).wait()
    pltpu.sync_copy(rows_a.at[pl.ds(0, KT)], acc_sh.at[loc_t], add=True)

    plsc.subcore_barrier()
    pltpu.sync_copy(acc_sh.at[pl.ds(r0, SRPT)], strip_v)
    pltpu.sync_copy(strip_v, out_hbm.at[pl.ds(lo + r0, SRPT)])


def _tcA_body(x_ref, w1_ref, deg_ref, xs1_ref, dinv8_ref):
    deg = deg_ref[...] + 1.0
    dinv = lax.rsqrt(deg)
    xw = jnp.dot(x_ref[...], w1_ref[...], preferred_element_type=jnp.float32)
    xs1_ref[...] = dinv * xw
    dinv8_ref[...] = jnp.broadcast_to(dinv, (BN, 8))


_tcA = pl.pallas_call(
    _tcA_body,
    grid=(GRID,),
    in_specs=[
        pl.BlockSpec((BN, H), lambda i: (i, 0)),
        pl.BlockSpec((H, H), lambda i: (0, 0)),
        pl.BlockSpec((BN, 1), lambda i: (i, 0)),
    ],
    out_specs=[
        pl.BlockSpec((BN, H), lambda i: (i, 0)),
        pl.BlockSpec((BN, 8), lambda i: (i, 0)),
    ],
    out_shape=[
        jax.ShapeDtypeStruct((NP, H), jnp.float32),
        jax.ShapeDtypeStruct((N, 8), jnp.float32),
    ],
)


def _tcB_body(acc_ref, dinv8_ref, b1_ref, w2_ref, xs2_ref):
    dinv = dinv8_ref[:, 0:1]
    h1 = jnp.maximum(dinv * acc_ref[...] + b1_ref[...], 0.0)
    xw2 = jnp.dot(h1, w2_ref[...], preferred_element_type=jnp.float32)
    xs2_ref[...] = dinv * xw2


_tcB = pl.pallas_call(
    _tcB_body,
    grid=(GRID,),
    in_specs=[
        pl.BlockSpec((BN, H), lambda i: (i, 0)),
        pl.BlockSpec((BN, 8), lambda i: (i, 0)),
        pl.BlockSpec((H,), lambda i: (0,)),
        pl.BlockSpec((H, H), lambda i: (0, 0)),
    ],
    out_specs=pl.BlockSpec((BN, H), lambda i: (i, 0)),
    out_shape=jax.ShapeDtypeStruct((NP, H), jnp.float32),
)


def _tcC_body(acc_ref, dinv8_ref, b2_ref, comm_ref, map_ref,
              gw_ref, gb_ref, cw_ref, cb_ref, out_ref):
    dinv = dinv8_ref[:, 0:1]
    h2 = jnp.maximum(dinv * acc_ref[...] + b2_ref[...], 0.0)
    m = map_ref[0, 0, :]
    onehot = (m[:, None] == lax.broadcasted_iota(jnp.int32, (1, C), 1)
              ).astype(jnp.float32)
    hc = jnp.dot(onehot, comm_ref[...], preferred_element_type=jnp.float32)
    gate = jax.nn.sigmoid(
        jnp.dot(h2, gw_ref[0:H, :], preferred_element_type=jnp.float32)
        + jnp.dot(hc, gw_ref[H:2 * H, :], preferred_element_type=jnp.float32)
        + gb_ref[...])
    hf = gate * h2 + (1.0 - gate) * hc
    logits = jnp.dot(hf, cw_ref[...], preferred_element_type=jnp.float32) \
        + cb_ref[...]
    mx = jnp.max(logits, axis=-1, keepdims=True)
    z = logits - mx
    lse = jnp.log(jnp.sum(jnp.exp(z), axis=-1, keepdims=True))
    out_ref[...] = z - lse


_tcC = pl.pallas_call(
    _tcC_body,
    grid=(GRID,),
    in_specs=[
        pl.BlockSpec((BN, H), lambda i: (i, 0)),
        pl.BlockSpec((BN, 8), lambda i: (i, 0)),
        pl.BlockSpec((H,), lambda i: (0,)),
        pl.BlockSpec((C, H), lambda i: (0, 0)),
        pl.BlockSpec((1, 1, BN), lambda i: (i, 0, 0)),
        pl.BlockSpec((2 * H, 1), lambda i: (0, 0)),
        pl.BlockSpec((1,), lambda i: (0,)),
        pl.BlockSpec((H, NCLS), lambda i: (0, 0)),
        pl.BlockSpec((NCLS,), lambda i: (0,)),
    ],
    out_specs=pl.BlockSpec((BN, NCLS), lambda i: (i, 0)),
    out_shape=jax.ShapeDtypeStruct((N, NCLS), jnp.float32),
)


def kernel(node_features, node_adj, comm_features, comm_adj, node_to_comm_map,
           W1, b1, W2, b2, gate_W, gate_b, cls_W, cls_b):
    del comm_adj
    map3 = node_to_comm_map.reshape(GRID, 1, BN)
    src = node_adj[0]
    dst = node_adj[1]

    deg_col = _deg_tc(dst.reshape(EGRID, 1, EB)).reshape(N, 1)
    xs1, dinv8 = _tcA(node_features, W1, deg_col)
    acc1 = _segsum_kernel(xs1, src, dst)
    xs2 = _tcB(acc1, dinv8, b1, W2)
    acc2 = _segsum_kernel(xs2, src, dst)
    out = _tcC(acc2, dinv8, b2, comm_features, map3,
               gate_W, gate_b, cls_W, cls_b)
    return out

# --- scband reference (transcript-rebuilt; emitter-appended) ---
"""Pipeline reference for scband-cross-scale-gnn-89300960018889 (READ-ONLY COPY).

The authoritative reference and input builder live on the scoring server;
editing this copy changes nothing except your own understanding.
"""

import jax, jax.numpy as jnp
import numpy as np

N = 10000
E = 320000
C = 1000
E_COMM = 16000
F_IN = 128
H = 128
NC = 40


def gcn_conv(x, edge_index, W, b, num_nodes):
    # PyG GCNConv with normalize=True, add_self_loops=True:
    # x' = D^{-1/2} (A + I) D^{-1/2} (X W) + b
    x = x @ W
    loop = jnp.arange(num_nodes, dtype=edge_index.dtype)
    src = jnp.concatenate([edge_index[0], loop])
    dst = jnp.concatenate([edge_index[1], loop])
    deg = jnp.zeros((num_nodes,), dtype=x.dtype).at[dst].add(1.0)
    deg_inv_sqrt = jnp.where(deg > 0, deg ** -0.5, 0.0)
    norm = deg_inv_sqrt[src] * deg_inv_sqrt[dst]
    msgs = norm[:, None] * x[src]
    out = jnp.zeros((num_nodes, x.shape[1]), dtype=x.dtype).at[dst].add(msgs)
    return out + b


def setup_inputs(seed: int = 0):
    key = jax.random.key(seed)
    ks = jax.random.split(key, 16)
    node_features = jax.random.normal(ks[0], (N, F_IN), dtype=jnp.float32)
    node_adj = jax.random.randint(ks[1], (2, E), 0, N, dtype=jnp.int32)
    comm_features = jax.random.normal(ks[2], (C, H), dtype=jnp.float32)
    comm_adj = jax.random.randint(ks[3], (2, E_COMM), 0, C, dtype=jnp.int32)
    node_to_comm_map = jax.random.randint(ks[4], (N,), 0, C, dtype=jnp.int32)
    W1 = jax.random.normal(ks[5], (F_IN, H), dtype=jnp.float32) * 0.05
    b1 = jnp.zeros((H,), dtype=jnp.float32)
    W2 = jax.random.normal(ks[6], (H, H), dtype=jnp.float32) * 0.05
    b2 = jnp.zeros((H,), dtype=jnp.float32)
    gate_W = jax.random.normal(ks[7], (2 * H, 1), dtype=jnp.float32) * 0.05
    gate_b = jnp.zeros((1,), dtype=jnp.float32)
    cls_W = jax.random.normal(ks[8], (H, NC), dtype=jnp.float32) * 0.05
    cls_b = jnp.zeros((NC,), dtype=jnp.float32)
    return {
        'node_features': node_features,
        'node_adj': node_adj,
        'comm_features': comm_features,
        'comm_adj': comm_adj,
        'node_to_comm_map': node_to_comm_map,
        'W1': W1, 'b1': b1, 'W2': W2, 'b2': b2,
        'gate_W': gate_W, 'gate_b': gate_b,
        'cls_W': cls_W, 'cls_b': cls_b,
    }


def reference(node_features, node_adj, comm_features, comm_adj, node_to_comm_map,
              W1, b1, W2, b2, gate_W, gate_b, cls_W, cls_b):
    # node-level GCN stack (dropout inactive in eval mode)
    h = gcn_conv(node_features, node_adj, W1, b1, N)
    h = jax.nn.relu(h)
    h = gcn_conv(h, node_adj, W2, b2, N)
    h = jax.nn.relu(h)
    # cross-scale gating: gather community embedding per node
    h_comm_expanded = comm_features[node_to_comm_map]
    gate_input = jnp.concatenate([h, h_comm_expanded], axis=1)
    w = jax.nn.sigmoid(gate_input @ gate_W + gate_b)
    h_final = w * h + (1.0 - w) * h_comm_expanded
    output = h_final @ cls_W + cls_b
    return jax.nn.log_softmax(output, axis=-1)

if __name__ == "__main__":
    import jax
    _d = setup_inputs()
    print(jax.jit(kernel)(*tuple(_d.values())))

</pallas_src>

<mosaic_0001>
#map = affine_map<(d0, d1) -> (0, 0)>
#map1 = affine_map<(d0, d1) -> (0)>
module attributes {stable_mosaic.version = 14 : i64} {
  func.func @_segsum_kernel(%arg0: i32, %arg1: i32, %arg2: memref<10240x128xf32, #tpu.memory_space<hbm>>, %arg3: memref<320000xi32, #tpu.memory_space<hbm>>, %arg4: memref<320000xi32, #tpu.memory_space<hbm>>, %arg5: memref<10240x128xf32, #tpu.memory_space<hbm>>, %arg6: memref<128xi32, #tpu.memory_space<vmem>>, %arg7: memref<128xi32, #tpu.memory_space<vmem>>, %arg8: memref<128xi32, #tpu.memory_space<vmem>>, %arg9: memref<128xi32, #tpu.memory_space<vmem>>, %arg10: memref<128xi32, #tpu.memory_space<vmem>>, %arg11: memref<128xi32, #tpu.memory_space<vmem>>, %arg12: memref<32xi32, #tpu.memory_space<vmem>>, %arg13: memref<128x128xf32, #tpu.memory_space<vmem>>, %arg14: memref<128x128xf32, #tpu.memory_space<vmem>>, %arg15: memref<320x128xf32, #tpu.memory_space<vmem>>, %arg16: memref<5248x128xf32, #tpu.memory_space<vmem_shared>>, %arg17: memref<!tpu.dma_semaphore, #tpu.memory_space<semaphore_mem>>, %arg18: memref<!tpu.dma_semaphore, #tpu.memory_space<semaphore_mem>>, %arg19: memref<!tpu.dma_semaphore, #tpu.memory_space<semaphore_mem>>, %arg20: memref<!tpu.dma_semaphore, #tpu.memory_space<semaphore_mem>>) attributes {dimension_semantics = [#tpu.dimension_semantics<core_parallel>, #tpu.dimension_semantics<subcore_parallel>], iteration_bounds = array<i64: 2, 16>, scalar_prefetch = 0 : i64, scratch_operands = 15 : i64, tpu.core_type = #tpu.core_type<sc_vector_subcore>, window_params = [{transform_indices = #map}, {transform_indices = #map1}, {transform_indices = #map1}, {transform_indices = #map}]} {
    %mul3A = arith.constant 5120 : i32
    %mul3A_0 = arith.muli %arg0, %mul3A : i32
    %mul3A_1 = arith.constant 8 : i32
    %mul3A_2 = arith.muli %arg1, %mul3A_1 : i32
    %add3A = arith.constant 5120 : i32
    %add3A_3 = arith.addi %add3A, %mul3A_2 : i32
    %mul3A_4 = arith.constant 320 : i32
    %mul3A_5 = arith.muli %arg1, %mul3A_4 : i32
    %add3A_6 = arith.addi %mul3A_0, %mul3A_5 : i32
    "tpu.region"() ({
      %run_scoped3A = tpu.sem_alloc : memref<!tpu.dma_semaphore, #tpu.memory_space<semaphore_mem>>
      %dma_start3A_85 = arith.constant 0 : i32
      %dma_start3A_86 = tpu.memref_slice %arg2[%add3A_6, %dma_start3A_85] : memref<10240x128xf32, #tpu.memory_space<hbm>> -> memref<320x128xf32, #tpu.memory_space<hbm>>
      %dma_start3A_87 = arith.constant 0 : i32
      %dma_start3A_88 = tpu.memref_slice %arg2[%add3A_6, %dma_start3A_87] : memref<10240x128xf32, #tpu.memory_space<hbm>> -> memref<320x128xf32, #tpu.memory_space<hbm>>
      tpu.enqueue_dma source(%dma_start3A_88 : memref<320x128xf32, #tpu.memory_space<hbm>>) target(%arg15 : memref<320x128xf32, #tpu.memory_space<vmem>>) target_semaphore(%run_scoped3A : memref<!tpu.dma_semaphore, #tpu.memory_space<semaphore_mem>>)
      %dma_wait3A_89 = arith.constant 0 : i32
      %dma_wait3A_90 = tpu.memref_slice %arg2[%add3A_6, %dma_wait3A_89] : memref<10240x128xf32, #tpu.memory_space<hbm>> -> memref<320x128xf32, #tpu.memory_space<hbm>>
      %dma_wait3A_91 = arith.constant 0 : i32
      %dma_wait3A_92 = tpu.memref_slice %arg2[%add3A_6, %dma_wait3A_91] : memref<10240x128xf32, #tpu.memory_space<hbm>> -> memref<320x128xf32, #tpu.memory_space<hbm>>
      tpu.wait_dma2 semaphore(%run_scoped3A : memref<!tpu.dma_semaphore, #tpu.memory_space<semaphore_mem>>) src(%dma_wait3A_92 : memref<320x128xf32, #tpu.memory_space<hbm>>) dst(%arg15 : memref<320x128xf32, #tpu.memory_space<vmem>>)
      tpu.yield
    }) : () -> ()
    "tpu.region"() ({
      %run_scoped3A = tpu.sem_alloc : memref<!tpu.dma_semaphore, #tpu.memory_space<semaphore_mem>>
      %dma_start3A_85 = arith.constant 0 : i32
      %dma_start3A_86 = tpu.memref_slice %arg16[%mul3A_5, %dma_start3A_85] : memref<5248x128xf32, #tpu.memory_space<vmem_shared>> -> memref<320x128xf32, #tpu.memory_space<vmem_shared>>
      %dma_start3A_87 = arith.constant 0 : i32
      %dma_start3A_88 = tpu.memref_slice %arg16[%mul3A_5, %dma_start3A_87] : memref<5248x128xf32, #tpu.memory_space<vmem_shared>> -> memref<320x128xf32, #tpu.memory_space<vmem_shared>>
      tpu.enqueue_dma source(%arg15 : memref<320x128xf32, #tpu.memory_space<vmem>>) target(%dma_start3A_88 : memref<320x128xf32, #tpu.memory_space<vmem_shared>>) target_semaphore(%run_scoped3A : memref<!tpu.dma_semaphore, #tpu.memory_space<semaphore_mem>>)
      %dma_wait3A_89 = arith.constant 0 : i32
      %dma_wait3A_90 = tpu.memref_slice %arg16[%mul3A_5, %dma_wait3A_89] : memref<5248x128xf32, #tpu.memory_space<vmem_shared>> -> memref<320x128xf32, #tpu.memory_space<vmem_shared>>
      %dma_wait3A_91 = arith.constant 0 : i32
      %dma_wait3A_92 = tpu.memref_slice %arg16[%mul3A_5, %dma_wait3A_91] : memref<5248x128xf32, #tpu.memory_space<vmem_shared>> -> memref<320x128xf32, #tpu.memory_space<vmem_shared>>
      tpu.wait_dma2 semaphore(%run_scoped3A : memref<!tpu.dma_semaphore, #tpu.memory_space<semaphore_mem>>) src(%arg15 : memref<320x128xf32, #tpu.memory_space<vmem>>) dst(%dma_wait3A_92 : memref<320x128xf32, #tpu.memory_space<vmem_shared>>)
      tpu.yield
    }) : () -> ()
    %barrier3A = arith.constant 0 : index
    tpu.barrier barrier_id(%barrier3A)
    %mul3A_7 = arith.constant 20000 : i32
    %mul3A_8 = arith.muli %arg1, %mul3A_7 : i32
    %dma_start3A = tpu.memref_slice %arg3[%mul3A_8] : memref<320000xi32, #tpu.memory_space<hbm>> -> memref<128xi32, #tpu.memory_space<hbm>>
    %dma_start3A_9 = tpu.memref_slice %arg3[%mul3A_8] : memref<320000xi32, #tpu.memory_space<hbm>> -> memref<128xi32, #tpu.memory_space<hbm>>
    tpu.enqueue_dma source(%dma_start3A_9 : memref<128xi32, #tpu.memory_space<hbm>>) target(%arg6 : memref<128xi32, #tpu.memory_space<vmem>>) target_semaphore(%arg17 : memref<!tpu.dma_semaphore, #tpu.memory_space<semaphore_mem>>)
    %dma_start3A_10 = tpu.memref_slice %arg4[%mul3A_8] : memref<320000xi32, #tpu.memory_space<hbm>> -> memref<128xi32, #tpu.memory_space<hbm>>
    %dma_start3A_11 = tpu.memref_slice %arg4[%mul3A_8] : memref<320000xi32, #tpu.memory_space<hbm>> -> memref<128xi32, #tpu.memory_space<hbm>>
    tpu.enqueue_dma source(%dma_start3A_11 : memref<128xi32, #tpu.memory_space<hbm>>) target(%arg8 : memref<128xi32, #tpu.memory_space<vmem>>) target_semaphore(%arg17 : memref<!tpu.dma_semaphore, #tpu.memory_space<semaphore_mem>>)
    %dma_wait3A = arith.constant 0 : i32
    %dma_wait3A_12 = tpu.memref_slice %arg3[%dma_wait3A] : memref<320000xi32, #tpu.memory_space<hbm>> -> memref<128xi32, #tpu.memory_space<hbm>>
    %dma_wait3A_13 = arith.constant 0 : i32
    %dma_wait3A_14 = tpu.memref_slice %arg3[%dma_wait3A_13] : memref<320000xi32, #tpu.memory_space<hbm>> -> memref<128xi32, #tpu.memory_space<hbm>>
    tpu.wait_dma2 semaphore(%arg17 : memref<!tpu.dma_semaphore, #tpu.memory_space<semaphore_mem>>) src(%dma_wait3A_14 : memref<128xi32, #tpu.memory_space<hbm>>) dst(%arg6 : memref<128xi32, #tpu.memory_space<vmem>>)
    %dma_wait3A_15 = arith.constant 0 : i32
    %dma_wait3A_16 = tpu.memref_slice %arg4[%dma_wait3A_15] : memref<320000xi32, #tpu.memory_space<hbm>> -> memref<128xi32, #tpu.memory_space<hbm>>
    %dma_wait3A_17 = arith.constant 0 : i32
    %dma_wait3A_18 = tpu.memref_slice %arg4[%dma_wait3A_17] : memref<320000xi32, #tpu.memory_space<hbm>> -> memref<128xi32, #tpu.memory_space<hbm>>
    tpu.wait_dma2 semaphore(%arg17 : memref<!tpu.dma_semaphore, #tpu.memory_space<semaphore_mem>>) src(%dma_wait3A_18 : memref<128xi32, #tpu.memory_space<hbm>>) dst(%arg8 : memref<128xi32, #tpu.memory_space<vmem>>)
    %dma_start3A_19 = arith.constant 0 : i32
    %dma_start3A_20 = arith.constant 0 : i32
    %dma_start3A_21 = tpu.memref_slice %arg2[%dma_start3A_19, %dma_start3A_20] : memref<10240x128xf32, #tpu.memory_space<hbm>> -> memref<10240x128xf32, #tpu.memory_space<hbm>>
    tpu.enqueue_indirect_dma source(%dma_start3A_21 : memref<10240x128xf32, #tpu.memory_space<hbm>>) target(%arg13 : memref<128x128xf32, #tpu.memory_space<vmem>>) offsets(%arg6 : memref<128xi32, #tpu.memory_space<vmem>>) semaphore(%arg19 : memref<!tpu.dma_semaphore, #tpu.memory_space<semaphore_mem>>)
    %add3A_22 = arith.constant 128 : i32
    %add3A_23 = arith.addi %mul3A_8, %add3A_22 : i32
    %dma_start3A_24 = tpu.memref_slice %arg3[%add3A_23] : memref<320000xi32, #tpu.memory_space<hbm>> -> memref<128xi32, #tpu.memory_space<hbm>>
    %dma_start3A_25 = tpu.memref_slice %arg3[%add3A_23] : memref<320000xi32, #tpu.memory_space<hbm>> -> memref<128xi32, #tpu.memory_space<hbm>>
    tpu.enqueue_dma source(%dma_start3A_25 : memref<128xi32, #tpu.memory_space<hbm>>) target(%arg7 : memref<128xi32, #tpu.memory_space<vmem>>) target_semaphore(%arg18 : memref<!tpu.dma_semaphore, #tpu.memory_space<semaphore_mem>>)
    %dma_start3A_26 = tpu.memref_slice %arg4[%add3A_23] : memref<320000xi32, #tpu.memory_space<hbm>> -> memref<128xi32, #tpu.memory_space<hbm>>
    %dma_start3A_27 = tpu.memref_slice %arg4[%add3A_23] : memref<320000xi32, #tpu.memory_space<hbm>> -> memref<128xi32, #tpu.memory_space<hbm>>
    tpu.enqueue_dma source(%dma_start3A_27 : memref<128xi32, #tpu.memory_space<hbm>>) target(%arg9 : memref<128xi32, #tpu.memory_space<vmem>>) target_semaphore(%arg18 : memref<!tpu.dma_semaphore, #tpu.memory_space<semaphore_mem>>)
    %scan3A = arith.constant 0 : i32
    %scan3A_28 = arith.constant 0 : i32
    %scan3A_29 = arith.constant 78 : i32
    %scan3A_30 = arith.addi %scan3A_28, %scan3A_29 : i32
    %scan3A_31 = arith.constant 1 : i32
    scf.for %scan3A_85 = %scan3A_28 to %scan3A_30 step %scan3A_31  : i32 {
      %mul3A_86 = arith.constant 2 : i32
      %mul3A_87 = arith.muli %mul3A_86, %scan3A_85 : i32
      %mul3A_88 = arith.constant 128 : i32
      %mul3A_89 = arith.muli %mul3A_87, %mul3A_88 : i32
      %add3A_90 = arith.addi %mul3A_8, %mul3A_89 : i32
      %dma_wait3A_91 = arith.constant 0 : i32
      %dma_wait3A_92 = tpu.memref_slice %arg3[%dma_wait3A_91] : memref<320000xi32, #tpu.memory_space<hbm>> -> memref<128xi32, #tpu.memory_space<hbm>>
      %dma_wait3A_93 = arith.constant 0 : i32
      %dma_wait3A_94 = tpu.memref_slice %arg3[%dma_wait3A_93] : memref<320000xi32, #tpu.memory_space<hbm>> -> memref<128xi32, #tpu.memory_space<hbm>>
      tpu.wait_dma2 semaphore(%arg18 : memref<!tpu.dma_semaphore, #tpu.memory_space<semaphore_mem>>) src(%dma_wait3A_94 : memref<128xi32, #tpu.memory_space<hbm>>) dst(%arg7 : memref<128xi32, #tpu.memory_space<vmem>>)
      %dma_wait3A_95 = arith.constant 0 : i32
      %dma_wait3A_96 = tpu.memref_slice %arg4[%dma_wait3A_95] : memref<320000xi32, #tpu.memory_space<hbm>> -> memref<128xi32, #tpu.memory_space<hbm>>
      %dma_wait3A_97 = arith.constant 0 : i32
      %dma_wait3A_98 = tpu.memref_slice %arg4[%dma_wait3A_97] : memref<320000xi32, #tpu.memory_space<hbm>> -> memref<128xi32, #tpu.memory_space<hbm>>
      tpu.wait_dma2 semaphore(%arg18 : memref<!tpu.dma_semaphore, #tpu.memory_space<semaphore_mem>>) src(%dma_wait3A_98 : memref<128xi32, #tpu.memory_space<hbm>>) dst(%arg9 : memref<128xi32, #tpu.memory_space<vmem>>)
      %dma_start3A_99 = arith.constant 0 : i32
      %dma_start3A_100 = arith.constant 0 : i32
      %dma_start3A_101 = tpu.memref_slice %arg2[%dma_start3A_99, %dma_start3A_100] : memref<10240x128xf32, #tpu.memory_space<hbm>> -> memref<10240x128xf32, #tpu.memory_space<hbm>>
      tpu.enqueue_indirect_dma source(%dma_start3A_101 : memref<10240x128xf32, #tpu.memory_space<hbm>>) target(%arg14 : memref<128x128xf32, #tpu.memory_space<vmem>>) offsets(%arg7 : memref<128xi32, #tpu.memory_space<vmem>>) semaphore(%arg20 : memref<!tpu.dma_semaphore, #tpu.memory_space<semaphore_mem>>)
      %get3A_102 = arith.constant 0 : index
      %get3A_103 = tpu.vector_load %arg8[%get3A_102] {strides = array<i32>} : memref<128xi32, #tpu.memory_space<vmem>>, vector<16xi32>,
      %get3A_104 = vector.shape_cast %get3A_103 : vector<16xi32> to vector<16xi32>
      %sub3A_105 = vector.broadcast %mul3A_0 : i32 to vector<16xi32>
      %sub3A_106 = arith.subi %get3A_104, %sub3A_105 : vector<16xi32>
      %ge3A_107 = arith.constant 0 : i32
      %ge3A_108 = vector.broadcast %ge3A_107 : i32 to vector<16xi32>
      %ge3A_109 = arith.cmpi sge, %sub3A_106, %ge3A_108 : vector<16xi32>
      %lt3A_110 = arith.constant 5120 : i32
      %lt3A_111 = vector.broadcast %lt3A_110 : i32 to vector<16xi32>
      %lt3A_112 = arith.cmpi slt, %sub3A_106, %lt3A_111 : vector<16xi32>
      %and3A_113 = arith.andi %ge3A_109, %lt3A_112 : vector<16xi1>
      %add3A_114 = arith.constant 0 : i32
      %add3A_115 = arith.addi %add3A_3, %add3A_114 : i32
      %broadcast_in_dim3A_116 = vector.broadcast %add3A_115 : i32 to vector<16xi32>
      %select_n3A_117 = arith.select %and3A_113, %sub3A_106, %broadcast_in_dim3A_116 : vector<16xi1>, vector<16xi32>
      %swap3A_118 = arith.constant 0 : index
      %swap3A_119 = tpu.vector_load %arg10[%swap3A_118] {strides = array<i32>} : memref<128xi32, #tpu.memory_space<vmem>>, vector<16xi32>,
      %swap3A_120 = vector.shape_cast %swap3A_119 : vector<16xi32> to vector<16xi32>
      %swap3A_121 = vector.shape_cast %select_n3A_117 : vector<16xi32> to vector<16xi32>
      tpu.vector_store %arg10[%swap3A_118], %swap3A_121 {strides = array<i32>} : memref<128xi32, #tpu.memory_space<vmem>>, vector<16xi32>,
      %get3A_122 = arith.constant 16 : index
      %get3A_123 = tpu.vector_load %arg8[%get3A_122] {strides = array<i32>} : memref<128xi32, #tpu.memory_space<vmem>>, vector<16xi32>,
      %get3A_124 = vector.shape_cast %get3A_123 : vector<16xi32> to vector<16xi32>
      %sub3A_125 = vector.broadcast %mul3A_0 : i32 to vector<16xi32>
      %sub3A_126 = arith.subi %get3A_124, %sub3A_125 : vector<16xi32>
      %ge3A_127 = arith.constant 0 : i32
      %ge3A_128 = vector.broadcast %ge3A_127 : i32 to vector<16xi32>
      %ge3A_129 = arith.cmpi sge, %sub3A_126, %ge3A_128 : vector<16xi32>
      %lt3A_130 = arith.constant 5120 : i32
      %lt3A_131 = vector.broadcast %lt3A_130 : i32 to vector<16xi32>
      %lt3A_132 = arith.cmpi slt, %sub3A_126, %lt3A_131 : vector<16xi32>
      %and3A_133 = arith.andi %ge3A_129, %lt3A_132 : vector<16xi1>
      %add3A_134 = arith.constant 1 : i32
      %add3A_135 = arith.addi %add3A_3, %add3A_134 : i32
      %broadcast_in_dim3A_136 = vector.broadcast %add3A_135 : i32 to vector<16xi32>
      %select_n3A_137 = arith.select %and3A_133, %sub3A_126, %broadcast_in_dim3A_136 : vector<16xi1>, vector<16xi32>
      %swap3A_138 = arith.constant 16 : index
      %swap3A_139 = tpu.vector_load %arg10[%swap3A_138] {strides = array<i32>} : memref<128xi32, #tpu.memory_space<vmem>>, vector<16xi32>,
      %swap3A_140 = vector.shape_cast %swap3A_139 : vector<16xi32> to vector<16xi32>
      %swap3A_141 = vector.shape_cast %select_n3A_137 : vector<16xi32> to vector<16xi32>
      tpu.vector_store %arg10[%swap3A_138], %swap3A_141 {strides = array<i32>} : memref<128xi32, #tpu.memory_space<vmem>>, vector<16xi32>,
      %get3A_142 = arith.constant 32 : index
      %get3A_143 = tpu.vector_load %arg8[%get3A_142] {strides = array<i32>} : memref<128xi32, #tpu.memory_space<vmem>>, vector<16xi32>,
      %get3A_144 = vector.shape_cast %get3A_143 : vector<16xi32> to vector<16xi32>
      %sub3A_145 = vector.broadcast %mul3A_0 : i32 to vector<16xi32>
      %sub3A_146 = arith.subi %get3A_144, %sub3A_145 : vector<16xi32>
      %ge3A_147 = arith.constant 0 : i32
      %ge3A_148 = vector.broadcast %ge3A_147 : i32 to vector<16xi32>
      %ge3A_149 = arith.cmpi sge, %sub3A_146, %ge3A_148 : vector<16xi32>
      %lt3A_150 = arith.constant 5120 : i32
      %lt3A_151 = vector.broadcast %lt3A_150 : i32 to vector<16xi32>
      %lt3A_152 = arith.cmpi slt, %sub3A_146, %lt3A_151 : vector<16xi32>
      %and3A_153 = arith.andi %ge3A_149, %lt3A_152 : vector<16xi1>
      %add3A_154 = arith.constant 2 : i32
      %add3A_155 = arith.addi %add3A_3, %add3A_154 : i32
      %broadcast_in_dim3A_156 = vector.broadcast %add3A_155 : i32 to vector<16xi32>
      %select_n3A_157 = arith.select %and3A_153, %sub3A_146, %broadcast_in_dim3A_156 : vector<16xi1>, vector<16xi32>
      %swap3A_158 = arith.constant 32 : index
      %swap3A_159 = tpu.vector_load %arg10[%swap3A_158] {strides = array<i32>} : memref<128xi32, #tpu.memory_space<vmem>>, vector<16xi32>,
      %swap3A_160 = vector.shape_cast %swap3A_159 : vector<16xi32> to vector<16xi32>
      %swap3A_161 = vector.shape_cast %select_n3A_157 : vector<16xi32> to vector<16xi32>
      tpu.vector_store %arg10[%swap3A_158], %swap3A_161 {strides = array<i32>} : memref<128xi32, #tpu.memory_space<vmem>>, vector<16xi32>,
      %get3A_162 = arith.constant 48 : index
      %get3A_163 = tpu.vector_load %arg8[%get3A_162] {strides = array<i32>} : memref<128xi32, #tpu.memory_space<vmem>>, vector<16xi32>,
      %get3A_164 = vector.shape_cast %get3A_163 : vector<16xi32> to vector<16xi32>
      %sub3A_165 = vector.broadcast %mul3A_0 : i32 to vector<16xi32>
      %sub3A_166 = arith.subi %get3A_164, %sub3A_165 : vector<16xi32>
      %ge3A_167 = arith.constant 0 : i32
      %ge3A_168 = vector.broadcast %ge3A_167 : i32 to vector<16xi32>
      %ge3A_169 = arith.cmpi sge, %sub3A_166, %ge3A_168 : vector<16xi32>
      %lt3A_170 = arith.constant 5120 : i32
      %lt3A_171 = vector.broadcast %lt3A_170 : i32 to vector<16xi32>
      %lt3A_172 = arith.cmpi slt, %sub3A_166, %lt3A_171 : vector<16xi32>
      %and3A_173 = arith.andi %ge3A_169, %lt3A_172 : vector<16xi1>
      %add3A_174 = arith.constant 3 : i32
      %add3A_175 = arith.addi %add3A_3, %add3A_174 : i32
      %broadcast_in_dim3A_176 = vector.broadcast %add3A_175 : i32 to vector<16xi32>
      %select_n3A_177 = arith.select %and3A_173, %sub3A_166, %broadcast_in_dim3A_176 : vector<16xi1>, vector<16xi32>
      %swap3A_178 = arith.constant 48 : index
      %swap3A_179 = tpu.vector_load %arg10[%swap3A_178] {strides = array<i32>} : memref<128xi32, #tpu.memory_space<vmem>>, vector<16xi32>,
      %swap3A_180 = vector.shape_cast %swap3A_179 : vector<16xi32> to vector<16xi32>
      %swap3A_181 = vector.shape_cast %select_n3A_177 : vector<16xi32> to vector<16xi32>
      tpu.vector_store %arg10[%swap3A_178], %swap3A_181 {strides = array<i32>} : memref<128xi32, #tpu.memory_space<vmem>>, vector<16xi32>,
      %get3A_182 = arith.constant 64 : index
      %get3A_183 = tpu.vector_load %arg8[%get3A_182] {strides = array<i32>} : memref<128xi32, #tpu.memory_space<vmem>>, vector<16xi32>,
      %get3A_184 = vector.shape_cast %get3A_183 : vector<16xi32> to vector<16xi32>
      %sub3A_185 = vector.broadcast %mul3A_0 : i32 to vector<16xi32>
      %sub3A_186 = arith.subi %get3A_184, %sub3A_185 : vector<16xi32>
      %ge3A_187 = arith.constant 0 : i32
      %ge3A_188 = vector.broadcast %ge3A_187 : i32 to vector<16xi32>
      %ge3A_189 = arith.cmpi sge, %sub3A_186, %ge3A_188 : vector<16xi32>
      %lt3A_190 = arith.constant 5120 : i32
      %lt3A_191 = vector.broadcast %lt3A_190 : i32 to vector<16xi32>
      %lt3A_192 = arith.cmpi slt, %sub3A_186, %lt3A_191 : vector<16xi32>
      %and3A_193 = arith.andi %ge3A_189, %lt3A_192 : vector<16xi1>
      %add3A_194 = arith.constant 4 : i32
      %add3A_195 = arith.addi %add3A_3, %add3A_194 : i32
      %broadcast_in_dim3A_196 = vector.broadcast %add3A_195 : i32 to vector<16xi32>
      %select_n3A_197 = arith.select %and3A_193, %sub3A_186, %broadcast_in_dim3A_196 : vector<16xi1>, vector<16xi32>
      %swap3A_198 = arith.constant 64 : index
      %swap3A_199 = tpu.vector_load %arg10[%swap3A_198] {strides = array<i32>} : memref<128xi32, #tpu.memory_space<vmem>>, vector<16xi32>,
      %swap3A_200 = vector.shape_cast %swap3A_199 : vector<16xi32> to vector<16xi32>
      %swap3A_201 = vector.shape_cast %select_n3A_197 : vector<16xi32> to vector<16xi32>
      tpu.vector_store %arg10[%swap3A_198], %swap3A_201 {strides = array<i32>} : memref<128xi32, #tpu.memory_space<vmem>>, vector<16xi32>,
      %get3A_202 = arith.constant 80 : index
      %get3A_203 = tpu.vector_load %arg8[%get3A_202] {strides = array<i32>} : memref<128xi32, #tpu.memory_space<vmem>>, vector<16xi32>,
      %get3A_204 = vector.shape_cast %get3A_203 : vector<16xi32> to vector<16xi32>
      %sub3A_205 = vector.broadcast %mul3A_0 : i32 to vector<16xi32>
      %sub3A_206 = arith.subi %get3A_204, %sub3A_205 : vector<16xi32>
      %ge3A_207 = arith.constant 0 : i32
      %ge3A_208 = vector.broadcast %ge3A_207 : i32 to vector<16xi32>
      %ge3A_209 = arith.cmpi sge, %sub3A_206, %ge3A_208 : vector<16xi32>
      %lt3A_210 = arith.constant 5120 : i32
      %lt3A_211 = vector.broadcast %lt3A_210 : i32 to vector<16xi32>
      %lt3A_212 = arith.cmpi slt, %sub3A_206, %lt3A_211 : vector<16xi32>
      %and3A_213 = arith.andi %ge3A_209, %lt3A_212 : vector<16xi1>
      %add3A_214 = arith.constant 5 : i32
      %add3A_215 = arith.addi %add3A_3, %add3A_214 : i32
      %broadcast_in_dim3A_216 = vector.broadcast %add3A_215 : i32 to vector<16xi32>
      %select_n3A_217 = arith.select %and3A_213, %sub3A_206, %broadcast_in_dim3A_216 : vector<16xi1>, vector<16xi32>
      %swap3A_218 = arith.constant 80 : index
      %swap3A_219 = tpu.vector_load %arg10[%swap3A_218] {strides = array<i32>} : memref<128xi32, #tpu.memory_space<vmem>>, vector<16xi32>,
      %swap3A_220 = vector.shape_cast %swap3A_219 : vector<16xi32> to vector<16xi32>
      %swap3A_221 = vector.shape_cast %select_n3A_217 : vector<16xi32> to vector<16xi32>
      tpu.vector_store %arg10[%swap3A_218], %swap3A_221 {strides = array<i32>} : memref<128xi32, #tpu.memory_space<vmem>>, vector<16xi32>,
      %get3A_222 = arith.constant 96 : index
      %get3A_223 = tpu.vector_load %arg8[%get3A_222] {strides = array<i32>} : memref<128xi32, #tpu.memory_space<vmem>>, vector<16xi32>,
      %get3A_224 = vector.shape_cast %get3A_223 : vector<16xi32> to vector<16xi32>
      %sub3A_225 = vector.broadcast %mul3A_0 : i32 to vector<16xi32>
      %sub3A_226 = arith.subi %get3A_224, %sub3A_225 : vector<16xi32>
      %ge3A_227 = arith.constant 0 : i32
      %ge3A_228 = vector.broadcast %ge3A_227 : i32 to vector<16xi32>
      %ge3A_229 = arith.cmpi sge, %sub3A_226, %ge3A_228 : vector<16xi32>
      %lt3A_230 = arith.constant 5120 : i32
      %lt3A_231 = vector.broadcast %lt3A_230 : i32 to vector<16xi32>
      %lt3A_232 = arith.cmpi slt, %sub3A_226, %lt3A_231 : vector<16xi32>
      %and3A_233 = arith.andi %ge3A_229, %lt3A_232 : vector<16xi1>
      %add3A_234 = arith.constant 6 : i32
      %add3A_235 = arith.addi %add3A_3, %add3A_234 : i32
      %broadcast_in_dim3A_236 = vector.broadcast %add3A_235 : i32 to vector<16xi32>
      %select_n3A_237 = arith.select %and3A_233, %sub3A_226, %broadcast_in_dim3A_236 : vector<16xi1>, vector<16xi32>
      %swap3A_238 = arith.constant 96 : index
      %swap3A_239 = tpu.vector_load %arg10[%swap3A_238] {strides = array<i32>} : memref<128xi32, #tpu.memory_space<vmem>>, vector<16xi32>,
      %swap3A_240 = vector.shape_cast %swap3A_239 : vector<16xi32> to vector<16xi32>
      %swap3A_241 = vector.shape_cast %select_n3A_237 : vector<16xi32> to vector<16xi32>
      tpu.vector_store %arg10[%swap3A_238], %swap3A_241 {strides = array<i32>} : memref<128xi32, #tpu.memory_space<vmem>>, vector<16xi32>,
      %get3A_242 = arith.constant 112 : index
      %get3A_243 = tpu.vector_load %arg8[%get3A_242] {strides = array<i32>} : memref<128xi32, #tpu.memory_space<vmem>>, vector<16xi32>,
      %get3A_244 = vector.shape_cast %get3A_243 : vector<16xi32> to vector<16xi32>
      %sub3A_245 = vector.broadcast %mul3A_0 : i32 to vector<16xi32>
      %sub3A_246 = arith.subi %get3A_244, %sub3A_245 : vector<16xi32>
      %ge3A_247 = arith.constant 0 : i32
      %ge3A_248 = vector.broadcast %ge3A_247 : i32 to vector<16xi32>
      %ge3A_249 = arith.cmpi sge, %sub3A_246, %ge3A_248 : vector<16xi32>
      %lt3A_250 = arith.constant 5120 : i32
      %lt3A_251 = vector.broadcast %lt3A_250 : i32 to vector<16xi32>
      %lt3A_252 = arith.cmpi slt, %sub3A_246, %lt3A_251 : vector<16xi32>
      %and3A_253 = arith.andi %ge3A_249, %lt3A_252 : vector<16xi1>
      %add3A_254 = arith.constant 7 : i32
      %add3A_255 = arith.addi %add3A_3, %add3A_254 : i32
      %broadcast_in_dim3A_256 = vector.broadcast %add3A_255 : i32 to vector<16xi32>
      %select_n3A_257 = arith.select %and3A_253, %sub3A_246, %broadcast_in_dim3A_256 : vector<16xi1>, vector<16xi32>
      %swap3A_258 = arith.constant 112 : index
      %swap3A_259 = tpu.vector_load %arg10[%swap3A_258] {strides = array<i32>} : memref<128xi32, #tpu.memory_space<vmem>>, vector<16xi32>,
      %swap3A_260 = vector.shape_cast %swap3A_259 : vector<16xi32> to vector<16xi32>
      %swap3A_261 = vector.shape_cast %select_n3A_257 : vector<16xi32> to vector<16xi32>
      tpu.vector_store %arg10[%swap3A_258], %swap3A_261 {strides = array<i32>} : memref<128xi32, #tpu.memory_space<vmem>>, vector<16xi32>,
      %dma_wait3A_262 = arith.constant 0 : i32
      %dma_wait3A_263 = arith.constant 0 : i32
      %dma_wait3A_264 = tpu.memref_slice %arg2[%dma_wait3A_262, %dma_wait3A_263] : memref<10240x128xf32, #tpu.memory_space<hbm>> -> memref<10240x128xf32, #tpu.memory_space<hbm>>
      tpu.wait_indirect_dma semaphore(%arg19 : memref<!tpu.dma_semaphore, #tpu.memory_space<semaphore_mem>>) src(%dma_wait3A_264 : memref<10240x128xf32, #tpu.memory_space<hbm>>) dst(%arg13 : memref<128x128xf32, #tpu.memory_space<vmem>>)
      "tpu.region"() ({
        %run_scoped3A = tpu.sem_alloc : memref<!tpu.dma_semaphore, #tpu.memory_space<semaphore_mem>>
        %dma_start3A_436 = arith.constant 0 : i32
        %dma_start3A_437 = arith.constant 0 : i32
        %dma_start3A_438 = tpu.memref_slice %arg16[%dma_start3A_436, %dma_start3A_437] : memref<5248x128xf32, #tpu.memory_space<vmem_shared>> -> memref<5248x128xf32, #tpu.memory_space<vmem_shared>>
        tpu.enqueue_indirect_dma source(%arg13 : memref<128x128xf32, #tpu.memory_space<vmem>>) target(%dma_start3A_438 : memref<5248x128xf32, #tpu.memory_space<vmem_shared>>) offsets(%arg10 : memref<128xi32, #tpu.memory_space<vmem>>) semaphore(%run_scoped3A : memref<!tpu.dma_semaphore, #tpu.memory_space<semaphore_mem>>) {add = true}
        %dma_wait3A_439 = arith.constant 0 : i32
        %dma_wait3A_440 = arith.constant 0 : i32
        %dma_wait3A_441 = tpu.memref_slice %arg16[%dma_wait3A_439, %dma_wait3A_440] : memref<5248x128xf32, #tpu.memory_space<vmem_shared>> -> memref<5248x128xf32, #tpu.memory_space<vmem_shared>>
        tpu.wait_indirect_dma semaphore(%run_scoped3A : memref<!tpu.dma_semaphore, #tpu.memory_space<semaphore_mem>>) src(%arg13 : memref<128x128xf32, #tpu.memory_space<vmem>>) dst(%dma_wait3A_441 : memref<5248x128xf32, #tpu.memory_space<vmem_shared>>)
        tpu.yield
      }) : () -> ()
      %lt3A_265 = arith.constant 77 : i32
      %lt3A_266 = arith.cmpi slt, %scan3A_85, %lt3A_265 : i32
      %convert_element_type3A = arith.extui %lt3A_266 : i1 to i32
      %cond3A = arith.constant 0 : i32
      %cond3A_267 = arith.cmpi ne, %convert_element_type3A, %cond3A : i32
      scf.if %cond3A_267 {
        %add3A_436 = arith.constant 256 : i32
        %add3A_437 = arith.addi %add3A_90, %add3A_436 : i32
        %dma_start3A_438 = tpu.memref_slice %arg3[%add3A_437] : memref<320000xi32, #tpu.memory_space<hbm>> -> memref<128xi32, #tpu.memory_space<hbm>>
        %dma_start3A_439 = tpu.memref_slice %arg3[%add3A_437] : memref<320000xi32, #tpu.memory_space<hbm>> -> memref<128xi32, #tpu.memory_space<hbm>>
        tpu.enqueue_dma source(%dma_start3A_439 : memref<128xi32, #tpu.memory_space<hbm>>) target(%arg6 : memref<128xi32, #tpu.memory_space<vmem>>) target_semaphore(%arg17 : memref<!tpu.dma_semaphore, #tpu.memory_space<semaphore_mem>>)
        %dma_start3A_440 = tpu.memref_slice %arg4[%add3A_437] : memref<320000xi32, #tpu.memory_space<hbm>> -> memref<128xi32, #tpu.memory_space<hbm>>
        %dma_start3A_441 = tpu.memref_slice %arg4[%add3A_437] : memref<320000xi32, #tpu.memory_space<hbm>> -> memref<128xi32, #tpu.memory_space<hbm>>
        tpu.enqueue_dma source(%dma_start3A_441 : memref<128xi32, #tpu.memory_space<hbm>>) target(%arg8 : memref<128xi32, #tpu.memory_space<vmem>>) target_semaphore(%arg17 : memref<!tpu.dma_semaphore, #tpu.memory_space<semaphore_mem>>)
      } else {
      }
      %get3A_268 = arith.constant 0 : index
      %get3A_269 = tpu.vector_load %arg9[%get3A_268] {strides = array<i32>} : memref<128xi32, #tpu.memory_space<vmem>>, vector<16xi32>,
      %get3A_270 = vector.shape_cast %get3A_269 : vector<16xi32> to vector<16xi32>
      %sub3A_271 = vector.broadcast %mul3A_0 : i32 to vector<16xi32>
      %sub3A_272 = arith.subi %get3A_270, %sub3A_271 : vector<16xi32>
      %ge3A_273 = arith.constant 0 : i32
      %ge3A_274 = vector.broadcast %ge3A_273 : i32 to vector<16xi32>
      %ge3A_275 = arith.cmpi sge, %sub3A_272, %ge3A_274 : vector<16xi32>
      %lt3A_276 = arith.constant 5120 : i32
      %lt3A_277 = vector.broadcast %lt3A_276 : i32 to vector<16xi32>
      %lt3A_278 = arith.cmpi slt, %sub3A_272, %lt3A_277 : vector<16xi32>
      %and3A_279 = arith.andi %ge3A_275, %lt3A_278 : vector<16xi1>
      %add3A_280 = arith.constant 0 : i32
      %add3A_281 = arith.addi %add3A_3, %add3A_280 : i32
      %broadcast_in_dim3A_282 = vector.broadcast %add3A_281 : i32 to vector<16xi32>
      %select_n3A_283 = arith.select %and3A_279, %sub3A_272, %broadcast_in_dim3A_282 : vector<16xi1>, vector<16xi32>
      %swap3A_284 = arith.constant 0 : index
      %swap3A_285 = tpu.vector_load %arg11[%swap3A_284] {strides = array<i32>} : memref<128xi32, #tpu.memory_space<vmem>>, vector<16xi32>,
      %swap3A_286 = vector.shape_cast %swap3A_285 : vector<16xi32> to vector<16xi32>
      %swap3A_287 = vector.shape_cast %select_n3A_283 : vector<16xi32> to vector<16xi32>
      tpu.vector_store %arg11[%swap3A_284], %swap3A_287 {strides = array<i32>} : memref<128xi32, #tpu.memory_space<vmem>>, vector<16xi32>,
      %get3A_288 = arith.constant 16 : index
      %get3A_289 = tpu.vector_load %arg9[%get3A_288] {strides = array<i32>} : memref<128xi32, #tpu.memory_space<vmem>>, vector<16xi32>,
      %get3A_290 = vector.shape_cast %get3A_289 : vector<16xi32> to vector<16xi32>
      %sub3A_291 = vector.broadcast %mul3A_0 : i32 to vector<16xi32>
      %sub3A_292 = arith.subi %get3A_290, %sub3A_291 : vector<16xi32>
      %ge3A_293 = arith.constant 0 : i32
      %ge3A_294 = vector.broadcast %ge3A_293 : i32 to vector<16xi32>
      %ge3A_295 = arith.cmpi sge, %sub3A_292, %ge3A_294 : vector<16xi32>
      %lt3A_296 = arith.constant 5120 : i32
      %lt3A_297 = vector.broadcast %lt3A_296 : i32 to vector<16xi32>
      %lt3A_298 = arith.cmpi slt, %sub3A_292, %lt3A_297 : vector<16xi32>
      %and3A_299 = arith.andi %ge3A_295, %lt3A_298 : vector<16xi1>
      %add3A_300 = arith.constant 1 : i32
      %add3A_301 = arith.addi %add3A_3, %add3A_300 : i32
      %broadcast_in_dim3A_302 = vector.broadcast %add3A_301 : i32 to vector<16xi32>
      %select_n3A_303 = arith.select %and3A_299, %sub3A_292, %broadcast_in_dim3A_302 : vector<16xi1>, vector<16xi32>
      %swap3A_304 = arith.constant 16 : index
      %swap3A_305 = tpu.vector_load %arg11[%swap3A_304] {strides = array<i32>} : memref<128xi32, #tpu.memory_space<vmem>>, vector<16xi32>,
      %swap3A_306 = vector.shape_cast %swap3A_305 : vector<16xi32> to vector<16xi32>
      %swap3A_307 = vector.shape_cast %select_n3A_303 : vector<16xi32> to vector<16xi32>
      tpu.vector_store %arg11[%swap3A_304], %swap3A_307 {strides = array<i32>} : memref<128xi32, #tpu.memory_space<vmem>>, vector<16xi32>,
      %get3A_308 = arith.constant 32 : index
      %get3A_309 = tpu.vector_load %arg9[%get3A_308] {strides = array<i32>} : memref<128xi32, #tpu.memory_space<vmem>>, vector<16xi32>,
      %get3A_310 = vector.shape_cast %get3A_309 : vector<16xi32> to vector<16xi32>
      %sub3A_311 = vector.broadcast %mul3A_0 : i32 to vector<16xi32>
      %sub3A_312 = arith.subi %get3A_310, %sub3A_311 : vector<16xi32>
      %ge3A_313 = arith.constant 0 : i32
      %ge3A_314 = vector.broadcast %ge3A_313 : i32 to vector<16xi32>
      %ge3A_315 = arith.cmpi sge, %sub3A_312, %ge3A_314 : vector<16xi32>
      %lt3A_316 = arith.constant 5120 : i32
      %lt3A_317 = vector.broadcast %lt3A_316 : i32 to vector<16xi32>
      %lt3A_318 = arith.cmpi slt, %sub3A_312, %lt3A_317 : vector<16xi32>
      %and3A_319 = arith.andi %ge3A_315, %lt3A_318 : vector<16xi1>
      %add3A_320 = arith.constant 2 : i32
      %add3A_321 = arith.addi %add3A_3, %add3A_320 : i32
      %broadcast_in_dim3A_322 = vector.broadcast %add3A_321 : i32 to vector<16xi32>
      %select_n3A_323 = arith.select %and3A_319, %sub3A_312, %broadcast_in_dim3A_322 : vector<16xi1>, vector<16xi32>
      %swap3A_324 = arith.constant 32 : index
      %swap3A_325 = tpu.vector_load %arg11[%swap3A_324] {strides = array<i32>} : memref<128xi32, #tpu.memory_space<vmem>>, vector<16xi32>,
      %swap3A_326 = vector.shape_cast %swap3A_325 : vector<16xi32> to vector<16xi32>
      %swap3A_327 = vector.shape_cast %select_n3A_323 : vector<16xi32> to vector<16xi32>
      tpu.vector_store %arg11[%swap3A_324], %swap3A_327 {strides = array<i32>} : memref<128xi32, #tpu.memory_space<vmem>>, vector<16xi32>,
      %get3A_328 = arith.constant 48 : index
      %get3A_329 = tpu.vector_load %arg9[%get3A_328] {strides = array<i32>} : memref<128xi32, #tpu.memory_space<vmem>>, vector<16xi32>,
      %get3A_330 = vector.shape_cast %get3A_329 : vector<16xi32> to vector<16xi32>
      %sub3A_331 = vector.broadcast %mul3A_0 : i32 to vector<16xi32>
      %sub3A_332 = arith.subi %get3A_330, %sub3A_331 : vector<16xi32>
      %ge3A_333 = arith.constant 0 : i32
      %ge3A_334 = vector.broadcast %ge3A_333 : i32 to vector<16xi32>
      %ge3A_335 = arith.cmpi sge, %sub3A_332, %ge3A_334 : vector<16xi32>
      %lt3A_336 = arith.constant 5120 : i32
      %lt3A_337 = vector.broadcast %lt3A_336 : i32 to vector<16xi32>
      %lt3A_338 = arith.cmpi slt, %sub3A_332, %lt3A_337 : vector<16xi32>
      %and3A_339 = arith.andi %ge3A_335, %lt3A_338 : vector<16xi1>
      %add3A_340 = arith.constant 3 : i32
      %add3A_341 = arith.addi %add3A_3, %add3A_340 : i32
      %broadcast_in_dim3A_342 = vector.broadcast %add3A_341 : i32 to vector<16xi32>
      %select_n3A_343 = arith.select %and3A_339, %sub3A_332, %broadcast_in_dim3A_342 : vector<16xi1>, vector<16xi32>
      %swap3A_344 = arith.constant 48 : index
      %swap3A_345 = tpu.vector_load %arg11[%swap3A_344] {strides = array<i32>} : memref<128xi32, #tpu.memory_space<vmem>>, vector<16xi32>,
      %swap3A_346 = vector.shape_cast %swap3A_345 : vector<16xi32> to vector<16xi32>
      %swap3A_347 = vector.shape_cast %select_n3A_343 : vector<16xi32> to vector<16xi32>
      tpu.vector_store %arg11[%swap3A_344], %swap3A_347 {strides = array<i32>} : memref<128xi32, #tpu.memory_space<vmem>>, vector<16xi32>,
      %get3A_348 = arith.constant 64 : index
      %get3A_349 = tpu.vector_load %arg9[%get3A_348] {strides = array<i32>} : memref<128xi32, #tpu.memory_space<vmem>>, vector<16xi32>,
      %get3A_350 = vector.shape_cast %get3A_349 : vector<16xi32> to vector<16xi32>
      %sub3A_351 = vector.broadcast %mul3A_0 : i32 to vector<16xi32>
      %sub3A_352 = arith.subi %get3A_350, %sub3A_351 : vector<16xi32>
      %ge3A_353 = arith.constant 0 : i32
      %ge3A_354 = vector.broadcast %ge3A_353 : i32 to vector<16xi32>
      %ge3A_355 = arith.cmpi sge, %sub3A_352, %ge3A_354 : vector<16xi32>
      %lt3A_356 = arith.constant 5120 : i32
      %lt3A_357 = vector.broadcast %lt3A_356 : i32 to vector<16xi32>
      %lt3A_358 = arith.cmpi slt, %sub3A_352, %lt3A_357 : vector<16xi32>
      %and3A_359 = arith.andi %ge3A_355, %lt3A_358 : vector<16xi1>
      %add3A_360 = arith.constant 4 : i32
      %add3A_361 = arith.addi %add3A_3, %add3A_360 : i32
      %broadcast_in_dim3A_362 = vector.broadcast %add3A_361 : i32 to vector<16xi32>
      %select_n3A_363 = arith.select %and3A_359, %sub3A_352, %broadcast_in_dim3A_362 : vector<16xi1>, vector<16xi32>
      %swap3A_364 = arith.constant 64 : index
      %swap3A_365 = tpu.vector_load %arg11[%swap3A_364] {strides = array<i32>} : memref<128xi32, #tpu.memory_space<vmem>>, vector<16xi32>,
      %swap3A_366 = vector.shape_cast %swap3A_365 : vector<16xi32> to vector<16xi32>
      %swap3A_367 = vector.shape_cast %select_n3A_363 : vector<16xi32> to vector<16xi32>
      tpu.vector_store %arg11[%swap3A_364], %swap3A_367 {strides = array<i32>} : memref<128xi32, #tpu.memory_space<vmem>>, vector<16xi32>,
      %get3A_368 = arith.constant 80 : index
      %get3A_369 = tpu.vector_load %arg9[%get3A_368] {strides = array<i32>} : memref<128xi32, #tpu.memory_space<vmem>>, vector<16xi32>,
      %get3A_370 = vector.shape_cast %get3A_369 : vector<16xi32> to vector<16xi32>
      %sub3A_371 = vector.broadcast %mul3A_0 : i32 to vector<16xi32>
      %sub3A_372 = arith.subi %get3A_370, %sub3A_371 : vector<16xi32>
      %ge3A_373 = arith.constant 0 : i32
      %ge3A_374 = vector.broadcast %ge3A_373 : i32 to vector<16xi32>
      %ge3A_375 = arith.cmpi sge, %sub3A_372, %ge3A_374 : vector<16xi32>
      %lt3A_376 = arith.constant 5120 : i32
      %lt3A_377 = vector.broadcast %lt3A_376 : i32 to vector<16xi32>
      %lt3A_378 = arith.cmpi slt, %sub3A_372, %lt3A_377 : vector<16xi32>
      %and3A_379 = arith.andi %ge3A_375, %lt3A_378 : vector<16xi1>
      %add3A_380 = arith.constant 5 : i32
      %add3A_381 = arith.addi %add3A_3, %add3A_380 : i32
      %broadcast_in_dim3A_382 = vector.broadcast %add3A_381 : i32 to vector<16xi32>
      %select_n3A_383 = arith.select %and3A_379, %sub3A_372, %broadcast_in_dim3A_382 : vector<16xi1>, vector<16xi32>
      %swap3A_384 = arith.constant 80 : index
      %swap3A_385 = tpu.vector_load %arg11[%swap3A_384] {strides = array<i32>} : memref<128xi32, #tpu.memory_space<vmem>>, vector<16xi32>,
      %swap3A_386 = vector.shape_cast %swap3A_385 : vector<16xi32> to vector<16xi32>
      %swap3A_387 = vector.shape_cast %select_n3A_383 : vector<16xi32> to vector<16xi32>
      tpu.vector_store %arg11[%swap3A_384], %swap3A_387 {strides = array<i32>} : memref<128xi32, #tpu.memory_space<vmem>>, vector<16xi32>,
      %get3A_388 = arith.constant 96 : index
      %get3A_389 = tpu.vector_load %arg9[%get3A_388] {strides = array<i32>} : memref<128xi32, #tpu.memory_space<vmem>>, vector<16xi32>,
      %get3A_390 = vector.shape_cast %get3A_389 : vector<16xi32> to vector<16xi32>
      %sub3A_391 = vector.broadcast %mul3A_0 : i32 to vector<16xi32>
      %sub3A_392 = arith.subi %get3A_390, %sub3A_391 : vector<16xi32>
      %ge3A_393 = arith.constant 0 : i32
      %ge3A_394 = vector.broadcast %ge3A_393 : i32 to vector<16xi32>
      %ge3A_395 = arith.cmpi sge, %sub3A_392, %ge3A_394 : vector<16xi32>
      %lt3A_396 = arith.constant 5120 : i32
      %lt3A_397 = vector.broadcast %lt3A_396 : i32 to vector<16xi32>
      %lt3A_398 = arith.cmpi slt, %sub3A_392, %lt3A_397 : vector<16xi32>
      %and3A_399 = arith.andi %ge3A_395, %lt3A_398 : vector<16xi1>
      %add3A_400 = arith.constant 6 : i32
      %add3A_401 = arith.addi %add3A_3, %add3A_400 : i32
      %broadcast_in_dim3A_402 = vector.broadcast %add3A_401 : i32 to vector<16xi32>
      %select_n3A_403 = arith.select %and3A_399, %sub3A_392, %broadcast_in_dim3A_402 : vector<16xi1>, vector<16xi32>
      %swap3A_404 = arith.constant 96 : index
      %swap3A_405 = tpu.vector_load %arg11[%swap3A_404] {strides = array<i32>} : memref<128xi32, #tpu.memory_space<vmem>>, vector<16xi32>,
      %swap3A_406 = vector.shape_cast %swap3A_405 : vector<16xi32> to vector<16xi32>
      %swap3A_407 = vector.shape_cast %select_n3A_403 : vector<16xi32> to vector<16xi32>
      tpu.vector_store %arg11[%swap3A_404], %swap3A_407 {strides = array<i32>} : memref<128xi32, #tpu.memory_space<vmem>>, vector<16xi32>,
      %get3A_408 = arith.constant 112 : index
      %get3A_409 = tpu.vector_load %arg9[%get3A_408] {strides = array<i32>} : memref<128xi32, #tpu.memory_space<vmem>>, vector<16xi32>,
      %get3A_410 = vector.shape_cast %get3A_409 : vector<16xi32> to vector<16xi32>
      %sub3A_411 = vector.broadcast %mul3A_0 : i32 to vector<16xi32>
      %sub3A_412 = arith.subi %get3A_410, %sub3A_411 : vector<16xi32>
      %ge3A_413 = arith.constant 0 : i32
      %ge3A_414 = vector.broadcast %ge3A_413 : i32 to vector<16xi32>
      %ge3A_415 = arith.cmpi sge, %sub3A_412, %ge3A_414 : vector<16xi32>
      %lt3A_416 = arith.constant 5120 : i32
      %lt3A_417 = vector.broadcast %lt3A_416 : i32 to vector<16xi32>
      %lt3A_418 = arith.cmpi slt, %sub3A_412, %lt3A_417 : vector<16xi32>
      %and3A_419 = arith.andi %ge3A_415, %lt3A_418 : vector<16xi1>
      %add3A_420 = arith.constant 7 : i32
      %add3A_421 = arith.addi %add3A_3, %add3A_420 : i32
      %broadcast_in_dim3A_422 = vector.broadcast %add3A_421 : i32 to vector<16xi32>
      %select_n3A_423 = arith.select %and3A_419, %sub3A_412, %broadcast_in_dim3A_422 : vector<16xi1>, vector<16xi32>
      %swap3A_424 = arith.constant 112 : index
      %swap3A_425 = tpu.vector_load %arg11[%swap3A_424] {strides = array<i32>} : memref<128xi32, #tpu.memory_space<vmem>>, vector<16xi32>,
      %swap3A_426 = vector.shape_cast %swap3A_425 : vector<16xi32> to vector<16xi32>
      %swap3A_427 = vector.shape_cast %select_n3A_423 : vector<16xi32> to vector<16xi32>
      tpu.vector_store %arg11[%swap3A_424], %swap3A_427 {strides = array<i32>} : memref<128xi32, #tpu.memory_space<vmem>>, vector<16xi32>,
      %dma_wait3A_428 = arith.constant 0 : i32
      %dma_wait3A_429 = arith.constant 0 : i32
      %dma_wait3A_430 = tpu.memref_slice %arg2[%dma_wait3A_428, %dma_wait3A_429] : memref<10240x128xf32, #tpu.memory_space<hbm>> -> memref<10240x128xf32, #tpu.memory_space<hbm>>
      tpu.wait_indirect_dma semaphore(%arg20 : memref<!tpu.dma_semaphore, #tpu.memory_space<semaphore_mem>>) src(%dma_wait3A_430 : memref<10240x128xf32, #tpu.memory_space<hbm>>) dst(%arg14 : memref<128x128xf32, #tpu.memory_space<vmem>>)
      %lt3A_431 = arith.constant 77 : i32
      %lt3A_432 = arith.cmpi slt, %scan3A_85, %lt3A_431 : i32
      %convert_element_type3A_433 = arith.extui %lt3A_432 : i1 to i32
      %cond3A_434 = arith.constant 0 : i32
      %cond3A_435 = arith.cmpi ne, %convert_element_type3A_433, %cond3A_434 : i32
      scf.if %cond3A_435 {
        %dma_wait3A_436 = arith.constant 0 : i32
        %dma_wait3A_437 = tpu.memref_slice %arg3[%dma_wait3A_436] : memref<320000xi32, #tpu.memory_space<hbm>> -> memref<128xi32, #tpu.memory_space<hbm>>
        %dma_wait3A_438 = arith.constant 0 : i32
        %dma_wait3A_439 = tpu.memref_slice %arg3[%dma_wait3A_438] : memref<320000xi32, #tpu.memory_space<hbm>> -> memref<128xi32, #tpu.memory_space<hbm>>
        tpu.wait_dma2 semaphore(%arg17 : memref<!tpu.dma_semaphore, #tpu.memory_space<semaphore_mem>>) src(%dma_wait3A_439 : memref<128xi32, #tpu.memory_space<hbm>>) dst(%arg6 : memref<128xi32, #tpu.memory_space<vmem>>)
        %dma_wait3A_440 = arith.constant 0 : i32
        %dma_wait3A_441 = tpu.memref_slice %arg4[%dma_wait3A_440] : memref<320000xi32, #tpu.memory_space<hbm>> -> memref<128xi32, #tpu.memory_space<hbm>>
        %dma_wait3A_442 = arith.constant 0 : i32
        %dma_wait3A_443 = tpu.memref_slice %arg4[%dma_wait3A_442] : memref<320000xi32, #tpu.memory_space<hbm>> -> memref<128xi32, #tpu.memory_space<hbm>>
        tpu.wait_dma2 semaphore(%arg17 : memref<!tpu.dma_semaphore, #tpu.memory_space<semaphore_mem>>) src(%dma_wait3A_443 : memref<128xi32, #tpu.memory_space<hbm>>) dst(%arg8 : memref<128xi32, #tpu.memory_space<vmem>>)
        %dma_start3A_444 = arith.constant 0 : i32
        %dma_start3A_445 = arith.constant 0 : i32
        %dma_start3A_446 = tpu.memref_slice %arg2[%dma_start3A_444, %dma_start3A_445] : memref<10240x128xf32, #tpu.memory_space<hbm>> -> memref<10240x128xf32, #tpu.memory_space<hbm>>
        tpu.enqueue_indirect_dma source(%dma_start3A_446 : memref<10240x128xf32, #tpu.memory_space<hbm>>) target(%arg13 : memref<128x128xf32, #tpu.memory_space<vmem>>) offsets(%arg6 : memref<128xi32, #tpu.memory_space<vmem>>) semaphore(%arg19 : memref<!tpu.dma_semaphore, #tpu.memory_space<semaphore_mem>>)
        %add3A_447 = arith.constant 384 : i32
        %add3A_448 = arith.addi %add3A_90, %add3A_447 : i32
        %dma_start3A_449 = tpu.memref_slice %arg3[%add3A_448] : memref<320000xi32, #tpu.memory_space<hbm>> -> memref<128xi32, #tpu.memory_space<hbm>>
        %dma_start3A_450 = tpu.memref_slice %arg3[%add3A_448] : memref<320000xi32, #tpu.memory_space<hbm>> -> memref<128xi32, #tpu.memory_space<hbm>>
        tpu.enqueue_dma source(%dma_start3A_450 : memref<128xi32, #tpu.memory_space<hbm>>) target(%arg7 : memref<128xi32, #tpu.memory_space<vmem>>) target_semaphore(%arg18 : memref<!tpu.dma_semaphore, #tpu.memory_space<semaphore_mem>>)
        %dma_start3A_451 = tpu.memref_slice %arg4[%add3A_448] : memref<320000xi32, #tpu.memory_space<hbm>> -> memref<128xi32, #tpu.memory_space<hbm>>
        %dma_start3A_452 = tpu.memref_slice %arg4[%add3A_448] : memref<320000xi32, #tpu.memory_space<hbm>> -> memref<128xi32, #tpu.memory_space<hbm>>
        tpu.enqueue_dma source(%dma_start3A_452 : memref<128xi32, #tpu.memory_space<hbm>>) target(%arg9 : memref<128xi32, #tpu.memory_space<vmem>>) target_semaphore(%arg18 : memref<!tpu.dma_semaphore, #tpu.memory_space<semaphore_mem>>)
      } else {
      }
      "tpu.region"() ({
        %run_scoped3A = tpu.sem_alloc : memref<!tpu.dma_semaphore, #tpu.memory_space<semaphore_mem>>
        %dma_start3A_436 = arith.constant 0 : i32
        %dma_start3A_437 = arith.constant 0 : i32
        %dma_start3A_438 = tpu.memref_slice %arg16[%dma_start3A_436, %dma_start3A_437] : memref<5248x128xf32, #tpu.memory_space<vmem_shared>> -> memref<5248x128xf32, #tpu.memory_space<vmem_shared>>
        tpu.enqueue_indirect_dma source(%arg14 : memref<128x128xf32, #tpu.memory_space<vmem>>) target(%dma_start3A_438 : memref<5248x128xf32, #tpu.memory_space<vmem_shared>>) offsets(%arg11 : memref<128xi32, #tpu.memory_space<vmem>>) semaphore(%run_scoped3A : memref<!tpu.dma_semaphore, #tpu.memory_space<semaphore_mem>>) {add = true}
        %dma_wait3A_439 = arith.constant 0 : i32
        %dma_wait3A_440 = arith.constant 0 : i32
        %dma_wait3A_441 = tpu.memref_slice %arg16[%dma_wait3A_439, %dma_wait3A_440] : memref<5248x128xf32, #tpu.memory_space<vmem_shared>> -> memref<5248x128xf32, #tpu.memory_space<vmem_shared>>
        tpu.wait_indirect_dma semaphore(%run_scoped3A : memref<!tpu.dma_semaphore, #tpu.memory_space<semaphore_mem>>) src(%arg14 : memref<128x128xf32, #tpu.memory_space<vmem>>) dst(%dma_wait3A_441 : memref<5248x128xf32, #tpu.memory_space<vmem_shared>>)
        tpu.yield
      }) : () -> ()
    }
    %scan3A_32 = arith.constant 78 : i32
    %add3A_33 = arith.constant 19968 : i32
    %add3A_34 = arith.addi %mul3A_8, %add3A_33 : i32
    "tpu.region"() ({
      %run_scoped3A = tpu.sem_alloc : memref<!tpu.dma_semaphore, #tpu.memory_space<semaphore_mem>>
      %dma_start3A_85 = arith.constant 0 : i32
      %dma_start3A_86 = tpu.memref_slice %arg6[%dma_start3A_85] : memref<128xi32, #tpu.memory_space<vmem>> -> memref<32xi32, #tpu.memory_space<vmem>>
      %dma_start3A_87 = tpu.memref_slice %arg3[%add3A_34] : memref<320000xi32, #tpu.memory_space<hbm>> -> memref<32xi32, #tpu.memory_space<hbm>>
      %dma_start3A_88 = arith.constant 0 : i32
      %dma_start3A_89 = tpu.memref_slice %arg6[%dma_start3A_88] : memref<128xi32, #tpu.memory_space<vmem>> -> memref<32xi32, #tpu.memory_space<vmem>>
      %dma_start3A_90 = tpu.memref_slice %arg3[%add3A_34] : memref<320000xi32, #tpu.memory_space<hbm>> -> memref<32xi32, #tpu.memory_space<hbm>>
      tpu.enqueue_dma source(%dma_start3A_90 : memref<32xi32, #tpu.memory_space<hbm>>) target(%dma_start3A_89 : memref<32xi32, #tpu.memory_space<vmem>>) target_semaphore(%run_scoped3A : memref<!tpu.dma_semaphore, #tpu.memory_space<semaphore_mem>>)
      %dma_wait3A_91 = arith.constant 0 : i32
      %dma_wait3A_92 = tpu.memref_slice %arg6[%dma_wait3A_91] : memref<128xi32, #tpu.memory_space<vmem>> -> memref<32xi32, #tpu.memory_space<vmem>>
      %dma_wait3A_93 = tpu.memref_slice %arg3[%add3A_34] : memref<320000xi32, #tpu.memory_space<hbm>> -> memref<32xi32, #tpu.memory_space<hbm>>
      %dma_wait3A_94 = arith.constant 0 : i32
      %dma_wait3A_95 = tpu.memref_slice %arg6[%dma_wait3A_94] : memref<128xi32, #tpu.memory_space<vmem>> -> memref<32xi32, #tpu.memory_space<vmem>>
      %dma_wait3A_96 = tpu.memref_slice %arg3[%add3A_34] : memref<320000xi32, #tpu.memory_space<hbm>> -> memref<32xi32, #tpu.memory_space<hbm>>
      tpu.wait_dma2 semaphore(%run_scoped3A : memref<!tpu.dma_semaphore, #tpu.memory_space<semaphore_mem>>) src(%dma_wait3A_96 : memref<32xi32, #tpu.memory_space<hbm>>) dst(%dma_wait3A_95 : memref<32xi32, #tpu.memory_space<vmem>>)
      tpu.yield
    }) : () -> ()
    "tpu.region"() ({
      %run_scoped3A = tpu.sem_alloc : memref<!tpu.dma_semaphore, #tpu.memory_space<semaphore_mem>>
      %dma_start3A_85 = arith.constant 0 : i32
      %dma_start3A_86 = tpu.memref_slice %arg8[%dma_start3A_85] : memref<128xi32, #tpu.memory_space<vmem>> -> memref<32xi32, #tpu.memory_space<vmem>>
      %dma_start3A_87 = tpu.memref_slice %arg4[%add3A_34] : memref<320000xi32, #tpu.memory_space<hbm>> -> memref<32xi32, #tpu.memory_space<hbm>>
      %dma_start3A_88 = arith.constant 0 : i32
      %dma_start3A_89 = tpu.memref_slice %arg8[%dma_start3A_88] : memref<128xi32, #tpu.memory_space<vmem>> -> memref<32xi32, #tpu.memory_space<vmem>>
      %dma_start3A_90 = tpu.memref_slice %arg4[%add3A_34] : memref<320000xi32, #tpu.memory_space<hbm>> -> memref<32xi32, #tpu.memory_space<hbm>>
      tpu.enqueue_dma source(%dma_start3A_90 : memref<32xi32, #tpu.memory_space<hbm>>) target(%dma_start3A_89 : memref<32xi32, #tpu.memory_space<vmem>>) target_semaphore(%run_scoped3A : memref<!tpu.dma_semaphore, #tpu.memory_space<semaphore_mem>>)
      %dma_wait3A_91 = arith.constant 0 : i32
      %dma_wait3A_92 = tpu.memref_slice %arg8[%dma_wait3A_91] : memref<128xi32, #tpu.memory_space<vmem>> -> memref<32xi32, #tpu.memory_space<vmem>>
      %dma_wait3A_93 = tpu.memref_slice %arg4[%add3A_34] : memref<320000xi32, #tpu.memory_space<hbm>> -> memref<32xi32, #tpu.memory_space<hbm>>
      %dma_wait3A_94 = arith.constant 0 : i32
      %dma_wait3A_95 = tpu.memref_slice %arg8[%dma_wait3A_94] : memref<128xi32, #tpu.memory_space<vmem>> -> memref<32xi32, #tpu.memory_space<vmem>>
      %dma_wait3A_96 = tpu.memref_slice %arg4[%add3A_34] : memref<320000xi32, #tpu.memory_space<hbm>> -> memref<32xi32, #tpu.memory_space<hbm>>
      tpu.wait_dma2 semaphore(%run_scoped3A : memref<!tpu.dma_semaphore, #tpu.memory_space<semaphore_mem>>) src(%dma_wait3A_96 : memref<32xi32, #tpu.memory_space<hbm>>) dst(%dma_wait3A_95 : memref<32xi32, #tpu.memory_space<vmem>>)
      tpu.yield
    }) : () -> ()
    %get3A = arith.constant 0 : index
    %get3A_35 = tpu.vector_load %arg8[%get3A] {strides = array<i32>} : memref<128xi32, #tpu.memory_space<vmem>>, vector<16xi32>,
    %get3A_36 = vector.shape_cast %get3A_35 : vector<16xi32> to vector<16xi32>
    %sub3A = vector.broadcast %mul3A_0 : i32 to vector<16xi32>
    %sub3A_37 = arith.subi %get3A_36, %sub3A : vector<16xi32>
    %ge3A = arith.constant 0 : i32
    %ge3A_38 = vector.broadcast %ge3A : i32 to vector<16xi32>
    %ge3A_39 = arith.cmpi sge, %sub3A_37, %ge3A_38 : vector<16xi32>
    %lt3A = arith.constant 5120 : i32
    %lt3A_40 = vector.broadcast %lt3A : i32 to vector<16xi32>
    %lt3A_41 = arith.cmpi slt, %sub3A_37, %lt3A_40 : vector<16xi32>
    %and3A = arith.andi %ge3A_39, %lt3A_41 : vector<16xi1>
    %add3A_42 = arith.constant 0 : i32
    %add3A_43 = arith.addi %add3A_3, %add3A_42 : i32
    %broadcast_in_dim3A = vector.broadcast %add3A_43 : i32 to vector<16xi32>
    %select_n3A = arith.select %and3A, %sub3A_37, %broadcast_in_dim3A : vector<16xi1>, vector<16xi32>
    %swap3A = arith.constant 0 : index
    %swap3A_44 = tpu.vector_load %arg12[%swap3A] {strides = array<i32>} : memref<32xi32, #tpu.memory_space<vmem>>, vector<16xi32>,
    %swap3A_45 = vector.shape_cast %swap3A_44 : vector<16xi32> to vector<16xi32>
    %swap3A_46 = vector.shape_cast %select_n3A : vector<16xi32> to vector<16xi32>
    tpu.vector_store %arg12[%swap3A], %swap3A_46 {strides = array<i32>} : memref<32xi32, #tpu.memory_space<vmem>>, vector<16xi32>,
    %get3A_47 = arith.constant 16 : index
    %get3A_48 = tpu.vector_load %arg8[%get3A_47] {strides = array<i32>} : memref<128xi32, #tpu.memory_space<vmem>>, vector<16xi32>,
    %get3A_49 = vector.shape_cast %get3A_48 : vector<16xi32> to vector<16xi32>
    %sub3A_50 = vector.broadcast %mul3A_0 : i32 to vector<16xi32>
    %sub3A_51 = arith.subi %get3A_49, %sub3A_50 : vector<16xi32>
    %ge3A_52 = arith.constant 0 : i32
    %ge3A_53 = vector.broadcast %ge3A_52 : i32 to vector<16xi32>
    %ge3A_54 = arith.cmpi sge, %sub3A_51, %ge3A_53 : vector<16xi32>
    %lt3A_55 = arith.constant 5120 : i32
    %lt3A_56 = vector.broadcast %lt3A_55 : i32 to vector<16xi32>
    %lt3A_57 = arith.cmpi slt, %sub3A_51, %lt3A_56 : vector<16xi32>
    %and3A_58 = arith.andi %ge3A_54, %lt3A_57 : vector<16xi1>
    %add3A_59 = arith.constant 1 : i32
    %add3A_60 = arith.addi %add3A_3, %add3A_59 : i32
    %broadcast_in_dim3A_61 = vector.broadcast %add3A_60 : i32 to vector<16xi32>
    %select_n3A_62 = arith.select %and3A_58, %sub3A_51, %broadcast_in_dim3A_61 : vector<16xi1>, vector<16xi32>
    %swap3A_63 = arith.constant 16 : index
    %swap3A_64 = tpu.vector_load %arg12[%swap3A_63] {strides = array<i32>} : memref<32xi32, #tpu.memory_space<vmem>>, vector<16xi32>,
    %swap3A_65 = vector.shape_cast %swap3A_64 : vector<16xi32> to vector<16xi32>
    %swap3A_66 = vector.shape_cast %select_n3A_62 : vector<16xi32> to vector<16xi32>
    tpu.vector_store %arg12[%swap3A_63], %swap3A_66 {strides = array<i32>} : memref<32xi32, #tpu.memory_space<vmem>>, vector<16xi32>,
    %dma_start3A_67 = arith.constant 0 : i32
    %dma_start3A_68 = arith.constant 0 : i32
    %dma_start3A_69 = tpu.memref_slice %arg13[%dma_start3A_67, %dma_start3A_68] : memref<128x128xf32, #tpu.memory_space<vmem>> -> memref<32x128xf32, #tpu.memory_space<vmem>>
    %dma_start3A_70 = arith.constant 0 : i32
    %dma_start3A_71 = tpu.memref_slice %arg6[%dma_start3A_70] : memref<128xi32, #tpu.memory_space<vmem>> -> memref<32xi32, #tpu.memory_space<vmem>>
    %dma_start3A_72 = arith.constant 0 : i32
    %dma_start3A_73 = arith.constant 0 : i32
    %dma_start3A_74 = tpu.memref_slice %arg2[%dma_start3A_72, %dma_start3A_73] : memref<10240x128xf32, #tpu.memory_space<hbm>> -> memref<10240x128xf32, #tpu.memory_space<hbm>>
    tpu.enqueue_indirect_dma source(%dma_start3A_74 : memref<10240x128xf32, #tpu.memory_space<hbm>>) target(%dma_start3A_69 : memref<32x128xf32, #tpu.memory_space<vmem>>) offsets(%dma_start3A_71 : memref<32xi32, #tpu.memory_space<vmem>>) semaphore(%arg19 : memref<!tpu.dma_semaphore, #tpu.memory_space<semaphore_mem>>)
    %dma_wait3A_75 = arith.constant 0 : i32
    %dma_wait3A_76 = arith.constant 0 : i32
    %dma_wait3A_77 = tpu.memref_slice %arg13[%dma_wait3A_75, %dma_wait3A_76] : memref<128x128xf32, #tpu.memory_space<vmem>> -> memref<32x128xf32, #tpu.memory_space<vmem>>
    %dma_wait3A_78 = arith.constant 0 : i32
    %dma_wait3A_79 = tpu.memref_slice %arg6[%dma_wait3A_78] : memref<128xi32, #tpu.memory_space<vmem>> -> memref<32xi32, #tpu.memory_space<vmem>>
    %dma_wait3A_80 = arith.constant 0 : i32
    %dma_wait3A_81 = arith.constant 0 : i32
    %dma_wait3A_82 = tpu.memref_slice %arg2[%dma_wait3A_80, %dma_wait3A_81] : memref<10240x128xf32, #tpu.memory_space<hbm>> -> memref<10240x128xf32, #tpu.memory_space<hbm>>
    tpu.wait_indirect_dma semaphore(%arg19 : memref<!tpu.dma_semaphore, #tpu.memory_space<semaphore_mem>>) src(%dma_wait3A_82 : memref<10240x128xf32, #tpu.memory_space<hbm>>) dst(%dma_wait3A_77 : memref<32x128xf32, #tpu.memory_space<vmem>>)
    "tpu.region"() ({
      %run_scoped3A = tpu.sem_alloc : memref<!tpu.dma_semaphore, #tpu.memory_space<semaphore_mem>>
      %dma_start3A_85 = arith.constant 0 : i32
      %dma_start3A_86 = arith.constant 0 : i32
      %dma_start3A_87 = tpu.memref_slice %arg13[%dma_start3A_85, %dma_start3A_86] : memref<128x128xf32, #tpu.memory_space<vmem>> -> memref<32x128xf32, #tpu.memory_space<vmem>>
      %dma_start3A_88 = arith.constant 0 : i32
      %dma_start3A_89 = arith.constant 0 : i32
      %dma_start3A_90 = tpu.memref_slice %arg16[%dma_start3A_88, %dma_start3A_89] : memref<5248x128xf32, #tpu.memory_space<vmem_shared>> -> memref<5248x128xf32, #tpu.memory_space<vmem_shared>>
      tpu.enqueue_indirect_dma source(%dma_start3A_87 : memref<32x128xf32, #tpu.memory_space<vmem>>) target(%dma_start3A_90 : memref<5248x128xf32, #tpu.memory_space<vmem_shared>>) offsets(%arg12 : memref<32xi32, #tpu.memory_space<vmem>>) semaphore(%run_scoped3A : memref<!tpu.dma_semaphore, #tpu.memory_space<semaphore_mem>>) {add = true}
      %dma_wait3A_91 = arith.constant 0 : i32
      %dma_wait3A_92 = arith.constant 0 : i32
      %dma_wait3A_93 = tpu.memref_slice %arg13[%dma_wait3A_91, %dma_wait3A_92] : memref<128x128xf32, #tpu.memory_space<vmem>> -> memref<32x128xf32, #tpu.memory_space<vmem>>
      %dma_wait3A_94 = arith.constant 0 : i32
      %dma_wait3A_95 = arith.constant 0 : i32
      %dma_wait3A_96 = tpu.memref_slice %arg16[%dma_wait3A_94, %dma_wait3A_95] : memref<5248x128xf32, #tpu.memory_space<vmem_shared>> -> memref<5248x128xf32, #tpu.memory_space<vmem_shared>>
      tpu.wait_indirect_dma semaphore(%run_scoped3A : memref<!tpu.dma_semaphore, #tpu.memory_space<semaphore_mem>>) src(%dma_wait3A_93 : memref<32x128xf32, #tpu.memory_space<vmem>>) dst(%dma_wait3A_96 : memref<5248x128xf32, #tpu.memory_space<vmem_shared>>)
      tpu.yield
    }) : () -> ()
    %barrier3A_83 = arith.constant 0 : index
    tpu.barrier barrier_id(%barrier3A_83)
    "tpu.region"() ({
      %run_scoped3A = tpu.sem_alloc : memref<!tpu.dma_semaphore, #tpu.memory_space<semaphore_mem>>
      %dma_start3A_85 = arith.constant 0 : i32
      %dma_start3A_86 = tpu.memref_slice %arg16[%mul3A_5, %dma_start3A_85] : memref<5248x128xf32, #tpu.memory_space<vmem_shared>> -> memref<320x128xf32, #tpu.memory_space<vmem_shared>>
      %dma_start3A_87 = arith.constant 0 : i32
      %dma_start3A_88 = tpu.memref_slice %arg16[%mul3A_5, %dma_start3A_87] : memref<5248x128xf32, #tpu.memory_space<vmem_shared>> -> memref<320x128xf32, #tpu.memory_space<vmem_shared>>
      tpu.enqueue_dma source(%dma_start3A_88 : memref<320x128xf32, #tpu.memory_space<vmem_shared>>) target(%arg15 : memref<320x128xf32, #tpu.memory_space<vmem>>) target_semaphore(%run_scoped3A : memref<!tpu.dma_semaphore, #tpu.memory_space<semaphore_mem>>)
      %dma_wait3A_89 = arith.constant 0 : i32
      %dma_wait3A_90 = tpu.memref_slice %arg16[%mul3A_5, %dma_wait3A_89] : memref<5248x128xf32, #tpu.memory_space<vmem_shared>> -> memref<320x128xf32, #tpu.memory_space<vmem_shared>>
      %dma_wait3A_91 = arith.constant 0 : i32
      %dma_wait3A_92 = tpu.memref_slice %arg16[%mul3A_5, %dma_wait3A_91] : memref<5248x128xf32, #tpu.memory_space<vmem_shared>> -> memref<320x128xf32, #tpu.memory_space<vmem_shared>>
      tpu.wait_dma2 semaphore(%run_scoped3A : memref<!tpu.dma_semaphore, #tpu.memory_space<semaphore_mem>>) src(%dma_wait3A_92 : memref<320x128xf32, #tpu.memory_space<vmem_shared>>) dst(%arg15 : memref<320x128xf32, #tpu.memory_space<vmem>>)
      tpu.yield
    }) : () -> ()
    %add3A_84 = arith.addi %mul3A_0, %mul3A_5 : i32
    "tpu.region"() ({
      %run_scoped3A = tpu.sem_alloc : memref<!tpu.dma_semaphore, #tpu.memory_space<semaphore_mem>>
      %dma_start3A_85 = arith.constant 0 : i32
      %dma_start3A_86 = tpu.memref_slice %arg5[%add3A_84, %dma_start3A_85] : memref<10240x128xf32, #tpu.memory_space<hbm>> -> memref<320x128xf32, #tpu.memory_space<hbm>>
      %dma_start3A_87 = arith.constant 0 : i32
      %dma_start3A_88 = tpu.memref_slice %arg5[%add3A_84, %dma_start3A_87] : memref<10240x128xf32, #tpu.memory_space<hbm>> -> memref<320x128xf32, #tpu.memory_space<hbm>>
      tpu.enqueue_dma source(%arg15 : memref<320x128xf32, #tpu.memory_space<vmem>>) target(%dma_start3A_88 : memref<320x128xf32, #tpu.memory_space<hbm>>) target_semaphore(%run_scoped3A : memref<!tpu.dma_semaphore, #tpu.memory_space<semaphore_mem>>)
      %dma_wait3A_89 = arith.constant 0 : i32
      %dma_wait3A_90 = tpu.memref_slice %arg5[%add3A_84, %dma_wait3A_89] : memref<10240x128xf32, #tpu.memory_space<hbm>> -> memref<320x128xf32, #tpu.memory_space<hbm>>
      %dma_wait3A_91 = arith.constant 0 : i32
      %dma_wait3A_92 = tpu.memref_slice %arg5[%add3A_84, %dma_wait3A_91] : memref<10240x128xf32, #tpu.memory_space<hbm>> -> memref<320x128xf32, #tpu.memory_space<hbm>>
      tpu.wait_dma2 semaphore(%run_scoped3A : memref<!tpu.dma_semaphore, #tpu.memory_space<semaphore_mem>>) src(%arg15 : memref<320x128xf32, #tpu.memory_space<vmem>>) dst(%dma_wait3A_92 : memref<320x128xf32, #tpu.memory_space<hbm>>)
      tpu.yield
    }) : () -> ()
    return
  }
}

#map = affine_map<(d0, d1) -> (0, 0)>
#map1 = affine_map<(d0, d1) -> (0)>
module attributes {stable_mosaic.version = 14 : i64} {
  func.func @_segsum_kernel(%arg0: i32, %arg1: i32, %arg2: memref<10240x128xf32, #tpu.memory_space<hbm>>, %arg3: memref<320000xi32, #tpu.memory_space<hbm>>, %arg4: memref<320000xi32, #tpu.memory_space<hbm>>, %arg5: memref<10240x128xf32, #tpu.memory_space<hbm>>, %arg6: memref<128xi32, #tpu.memory_space<vmem>>, %arg7: memref<128xi32, #tpu.memory_space<vmem>>, %arg8: memref<128xi32, #tpu.memory_space<vmem>>, %arg9: memref<128xi32, #tpu.memory_space<vmem>>, %arg10: memref<128xi32, #tpu.memory_space<vmem>>, %arg11: memref<128xi32, #tpu.memory_space<vmem>>, %arg12: memref<32xi32, #tpu.memory_space<vmem>>, %arg13: memref<128x128xf32, #tpu.memory_space<vmem>>, %arg14: memref<128x128xf32, #tpu.memory_space<vmem>>, %arg15: memref<320x128xf32, #tpu.memory_space<vmem>>, %arg16: memref<5248x128xf32, #tpu.memory_space<vmem_shared>>, %arg17: memref<!tpu.dma_semaphore, #tpu.memory_space<semaphore_mem>>, %arg18: memref<!tpu.dma_semaphore, #tpu.memory_space<semaphore_mem>>, %arg19: memref<!tpu.dma_semaphore, #tpu.memory_space<semaphore_mem>>, %arg20: memref<!tpu.dma_semaphore, #tpu.memory_space<semaphore_mem>>) attributes {dimension_semantics = [#tpu.dimension_semantics<core_parallel>, #tpu.dimension_semantics<subcore_parallel>], iteration_bounds = array<i64: 2, 16>, scalar_prefetch = 0 : i64, scratch_operands = 15 : i64, tpu.core_type = #tpu.core_type<sc_vector_subcore>, window_params = [{transform_indices = #map}, {transform_indices = #map1}, {transform_indices = #map1}, {transform_indices = #map}]} {
    %mul3A = arith.constant 5120 : i32
    %mul3A_0 = arith.muli %arg0, %mul3A : i32
    %mul3A_1 = arith.constant 8 : i32
    %mul3A_2 = arith.muli %arg1, %mul3A_1 : i32
    %add3A = arith.constant 5120 : i32
    %add3A_3 = arith.addi %add3A, %mul3A_2 : i32
    %mul3A_4 = arith.constant 320 : i32
    %mul3A_5 = arith.muli %arg1, %mul3A_4 : i32
    %add3A_6 = arith.addi %mul3A_0, %mul3A_5 : i32
    "tpu.region"() ({
      %run_scoped3A = tpu.sem_alloc : memref<!tpu.dma_semaphore, #tpu.memory_space<semaphore_mem>>
      %dma_start3A_85 = arith.constant 0 : i32
      %dma_start3A_86 = tpu.memref_slice %arg2[%add3A_6, %dma_start3A_85] : memref<10240x128xf32, #tpu.memory_space<hbm>> -> memref<320x128xf32, #tpu.memory_space<hbm>>
      %dma_start3A_87 = arith.constant 0 : i32
      %dma_start3A_88 = tpu.memref_slice %arg2[%add3A_6, %dma_start3A_87] : memref<10240x128xf32, #tpu.memory_space<hbm>> -> memref<320x128xf32, #tpu.memory_space<hbm>>
      tpu.enqueue_dma source(%dma_start3A_88 : memref<320x128xf32, #tpu.memory_space<hbm>>) target(%arg15 : memref<320x128xf32, #tpu.memory_space<vmem>>) target_semaphore(%run_scoped3A : memref<!tpu.dma_semaphore, #tpu.memory_space<semaphore_mem>>)
      %dma_wait3A_89 = arith.constant 0 : i32
      %dma_wait3A_90 = tpu.memref_slice %arg2[%add3A_6, %dma_wait3A_89] : memref<10240x128xf32, #tpu.memory_space<hbm>> -> memref<320x128xf32, #tpu.memory_space<hbm>>
      %dma_wait3A_91 = arith.constant 0 : i32
      %dma_wait3A_92 = tpu.memref_slice %arg2[%add3A_6, %dma_wait3A_91] : memref<10240x128xf32, #tpu.memory_space<hbm>> -> memref<320x128xf32, #tpu.memory_space<hbm>>
      tpu.wait_dma2 semaphore(%run_scoped3A : memref<!tpu.dma_semaphore, #tpu.memory_space<semaphore_mem>>) src(%dma_wait3A_92 : memref<320x128xf32, #tpu.memory_space<hbm>>) dst(%arg15 : memref<320x128xf32, #tpu.memory_space<vmem>>)
      tpu.yield
    }) : () -> ()
    "tpu.region"() ({
      %run_scoped3A = tpu.sem_alloc : memref<!tpu.dma_semaphore, #tpu.memory_space<semaphore_mem>>
      %dma_start3A_85 = arith.constant 0 : i32
      %dma_start3A_86 = tpu.memref_slice %arg16[%mul3A_5, %dma_start3A_85] : memref<5248x128xf32, #tpu.memory_space<vmem_shared>> -> memref<320x128xf32, #tpu.memory_space<vmem_shared>>
      %dma_start3A_87 = arith.constant 0 : i32
      %dma_start3A_88 = tpu.memref_slice %arg16[%mul3A_5, %dma_start3A_87] : memref<5248x128xf32, #tpu.memory_space<vmem_shared>> -> memref<320x128xf32, #tpu.memory_space<vmem_shared>>
      tpu.enqueue_dma source(%arg15 : memref<320x128xf32, #tpu.memory_space<vmem>>) target(%dma_start3A_88 : memref<320x128xf32, #tpu.memory_space<vmem_shared>>) target_semaphore(%run_scoped3A : memref<!tpu.dma_semaphore, #tpu.memory_space<semaphore_mem>>)
      %dma_wait3A_89 = arith.constant 0 : i32
      %dma_wait3A_90 = tpu.memref_slice %arg16[%mul3A_5, %dma_wait3A_89] : memref<5248x128xf32, #tpu.memory_space<vmem_shared>> -> memref<320x128xf32, #tpu.memory_space<vmem_shared>>
      %dma_wait3A_91 = arith.constant 0 : i32
      %dma_wait3A_92 = tpu.memref_slice %arg16[%mul3A_5, %dma_wait3A_91] : memref<5248x128xf32, #tpu.memory_space<vmem_shared>> -> memref<320x128xf32, #tpu.memory_space<vmem_shared>>
      tpu.wait_dma2 semaphore(%run_scoped3A : memref<!tpu.dma_semaphore, #tpu.memory_space<semaphore_mem>>) src(%arg15 : memref<320x128xf32, #tpu.memory_space<vmem>>) dst(%dma_wait3A_92 : memref<320x128xf32, #tpu.memory_space<vmem_shared>>)
      tpu.yield
    }) : () -> ()
    %barrier3A = arith.constant 0 : index
    tpu.barrier barrier_id(%barrier3A)
    %mul3A_7 = arith.constant 20000 : i32
    %mul3A_8 = arith.muli %arg1, %mul3A_7 : i32
    %dma_start3A = tpu.memref_slice %arg3[%mul3A_8] : memref<320000xi32, #tpu.memory_space<hbm>> -> memref<128xi32, #tpu.memory_space<hbm>>
    %dma_start3A_9 = tpu.memref_slice %arg3[%mul3A_8] : memref<320000xi32, #tpu.memory_space<hbm>> -> memref<128xi32, #tpu.memory_space<hbm>>
    tpu.enqueue_dma source(%dma_start3A_9 : memref<128xi32, #tpu.memory_space<hbm>>) target(%arg6 : memref<128xi32, #tpu.memory_space<vmem>>) target_semaphore(%arg17 : memref<!tpu.dma_semaphore, #tpu.memory_space<semaphore_mem>>)
    %dma_start3A_10 = tpu.memref_slice %arg4[%mul3A_8] : memref<320000xi32, #tpu.memory_space<hbm>> -> memref<128xi32, #tpu.memory_space<hbm>>
    %dma_start3A_11 = tpu.memref_slice %arg4[%mul3A_8] : memref<320000xi32, #tpu.memory_space<hbm>> -> memref<128xi32, #tpu.memory_space<hbm>>
    tpu.enqueue_dma source(%dma_start3A_11 : memref<128xi32, #tpu.memory_space<hbm>>) target(%arg8 : memref<128xi32, #tpu.memory_space<vmem>>) target_semaphore(%arg17 : memref<!tpu.dma_semaphore, #tpu.memory_space<semaphore_mem>>)
    %dma_wait3A = arith.constant 0 : i32
    %dma_wait3A_12 = tpu.memref_slice %arg3[%dma_wait3A] : memref<320000xi32, #tpu.memory_space<hbm>> -> memref<128xi32, #tpu.memory_space<hbm>>
    %dma_wait3A_13 = arith.constant 0 : i32
    %dma_wait3A_14 = tpu.memref_slice %arg3[%dma_wait3A_13] : memref<320000xi32, #tpu.memory_space<hbm>> -> memref<128xi32, #tpu.memory_space<hbm>>
    tpu.wait_dma2 semaphore(%arg17 : memref<!tpu.dma_semaphore, #tpu.memory_space<semaphore_mem>>) src(%dma_wait3A_14 : memref<128xi32, #tpu.memory_space<hbm>>) dst(%arg6 : memref<128xi32, #tpu.memory_space<vmem>>)
    %dma_wait3A_15 = arith.constant 0 : i32
    %dma_wait3A_16 = tpu.memref_slice %arg4[%dma_wait3A_15] : memref<320000xi32, #tpu.memory_space<hbm>> -> memref<128xi32, #tpu.memory_space<hbm>>
    %dma_wait3A_17 = arith.constant 0 : i32
    %dma_wait3A_18 = tpu.memref_slice %arg4[%dma_wait3A_17] : memref<320000xi32, #tpu.memory_space<hbm>> -> memref<128xi32, #tpu.memory_space<hbm>>
    tpu.wait_dma2 semaphore(%arg17 : memref<!tpu.dma_semaphore, #tpu.memory_space<semaphore_mem>>) src(%dma_wait3A_18 : memref<128xi32, #tpu.memory_space<hbm>>) dst(%arg8 : memref<128xi32, #tpu.memory_space<vmem>>)
    %dma_start3A_19 = arith.constant 0 : i32
    %dma_start3A_20 = arith.constant 0 : i32
    %dma_start3A_21 = tpu.memref_slice %arg2[%dma_start3A_19, %dma_start3A_20] : memref<10240x128xf32, #tpu.memory_space<hbm>> -> memref<10240x128xf32, #tpu.memory_space<hbm>>
    tpu.enqueue_indirect_dma source(%dma_start3A_21 : memref<10240x128xf32, #tpu.memory_space<hbm>>) target(%arg13 : memref<128x128xf32, #tpu.memory_space<vmem>>) offsets(%arg6 : memref<128xi32, #tpu.memory_space<vmem>>) semaphore(%arg19 : memref<!tpu.dma_semaphore, #tpu.memory_space<semaphore_mem>>)
    %add3A_22 = arith.constant 128 : i32
    %add3A_23 = arith.addi %mul3A_8, %add3A_22 : i32
    %dma_start3A_24 = tpu.memref_slice %arg3[%add3A_23] : memref<320000xi32, #tpu.memory_space<hbm>> -> memref<128xi32, #tpu.memory_space<hbm>>
    %dma_start3A_25 = tpu.memref_slice %arg3[%add3A_23] : memref<320000xi32, #tpu.memory_space<hbm>> -> memref<128xi32, #tpu.memory_space<hbm>>
    tpu.enqueue_dma source(%dma_start3A_25 : memref<128xi32, #tpu.memory_space<hbm>>) target(%arg7 : memref<128xi32, #tpu.memory_space<vmem>>) target_semaphore(%arg18 : memref<!tpu.dma_semaphore, #tpu.memory_space<semaphore_mem>>)
    %dma_start3A_26 = tpu.memref_slice %arg4[%add3A_23] : memref<320000xi32, #tpu.memory_space<hbm>> -> memref<128xi32, #tpu.memory_space<hbm>>
    %dma_start3A_27 = tpu.memref_slice %arg4[%add3A_23] : memref<320000xi32, #tpu.memory_space<hbm>> -> memref<128xi32, #tpu.memory_space<hbm>>
    tpu.enqueue_dma source(%dma_start3A_27 : memref<128xi32, #tpu.memory_space<hbm>>) target(%arg9 : memref<128xi32, #tpu.memory_space<vmem>>) target_semaphore(%arg18 : memref<!tpu.dma_semaphore, #tpu.memory_space<semaphore_mem>>)
    %scan3A = arith.constant 0 : i32
    %scan3A_28 = arith.constant 0 : i32
    %scan3A_29 = arith.constant 78 : i32
    %scan3A_30 = arith.addi %scan3A_28, %scan3A_29 : i32
    %scan3A_31 = arith.constant 1 : i32
    scf.for %scan3A_85 = %scan3A_28 to %scan3A_30 step %scan3A_31  : i32 {
      %mul3A_86 = arith.constant 2 : i32
      %mul3A_87 = arith.muli %mul3A_86, %scan3A_85 : i32
      %mul3A_88 = arith.constant 128 : i32
      %mul3A_89 = arith.muli %mul3A_87, %mul3A_88 : i32
      %add3A_90 = arith.addi %mul3A_8, %mul3A_89 : i32
      %dma_wait3A_91 = arith.constant 0 : i32
      %dma_wait3A_92 = tpu.memref_slice %arg3[%dma_wait3A_91] : memref<320000xi32, #tpu.memory_space<hbm>> -> memref<128xi32, #tpu.memory_space<hbm>>
      %dma_wait3A_93 = arith.constant 0 : i32
      %dma_wait3A_94 = tpu.memref_slice %arg3[%dma_wait3A_93] : memref<320000xi32, #tpu.memory_space<hbm>> -> memref<128xi32, #tpu.memory_space<hbm>>
      tpu.wait_dma2 semaphore(%arg18 : memref<!tpu.dma_semaphore, #tpu.memory_space<semaphore_mem>>) src(%dma_wait3A_94 : memref<128xi32, #tpu.memory_space<hbm>>) dst(%arg7 : memref<128xi32, #tpu.memory_space<vmem>>)
      %dma_wait3A_95 = arith.constant 0 : i32
      %dma_wait3A_96 = tpu.memref_slice %arg4[%dma_wait3A_95] : memref<320000xi32, #tpu.memory_space<hbm>> -> memref<128xi32, #tpu.memory_space<hbm>>
      %dma_wait3A_97 = arith.constant 0 : i32
      %dma_wait3A_98 = tpu.memref_slice %arg4[%dma_wait3A_97] : memref<320000xi32, #tpu.memory_space<hbm>> -> memref<128xi32, #tpu.memory_space<hbm>>
      tpu.wait_dma2 semaphore(%arg18 : memref<!tpu.dma_semaphore, #tpu.memory_space<semaphore_mem>>) src(%dma_wait3A_98 : memref<128xi32, #tpu.memory_space<hbm>>) dst(%arg9 : memref<128xi32, #tpu.memory_space<vmem>>)
      %dma_start3A_99 = arith.constant 0 : i32
      %dma_start3A_100 = arith.constant 0 : i32
      %dma_start3A_101 = tpu.memref_slice %arg2[%dma_start3A_99, %dma_start3A_100] : memref<10240x128xf32, #tpu.memory_space<hbm>> -> memref<10240x128xf32, #tpu.memory_space<hbm>>
      tpu.enqueue_indirect_dma source(%dma_start3A_101 : memref<10240x128xf32, #tpu.memory_space<hbm>>) target(%arg14 : memref<128x128xf32, #tpu.memory_space<vmem>>) offsets(%arg7 : memref<128xi32, #tpu.memory_space<vmem>>) semaphore(%arg20 : memref<!tpu.dma_semaphore, #tpu.memory_space<semaphore_mem>>)
      %get3A_102 = arith.constant 0 : index
      %get3A_103 = tpu.vector_load %arg8[%get3A_102] {strides = array<i32>} : memref<128xi32, #tpu.memory_space<vmem>>, vector<16xi32>,
      %get3A_104 = vector.shape_cast %get3A_103 : vector<16xi32> to vector<16xi32>
      %sub3A_105 = vector.broadcast %mul3A_0 : i32 to vector<16xi32>
      %sub3A_106 = arith.subi %get3A_104, %sub3A_105 : vector<16xi32>
      %ge3A_107 = arith.constant 0 : i32
      %ge3A_108 = vector.broadcast %ge3A_107 : i32 to vector<16xi32>
      %ge3A_109 = arith.cmpi sge, %sub3A_106, %ge3A_108 : vector<16xi32>
      %lt3A_110 = arith.constant 5120 : i32
      %lt3A_111 = vector.broadcast %lt3A_110 : i32 to vector<16xi32>
      %lt3A_112 = arith.cmpi slt, %sub3A_106, %lt3A_111 : vector<16xi32>
      %and3A_113 = arith.andi %ge3A_109, %lt3A_112 : vector<16xi1>
      %add3A_114 = arith.constant 0 : i32
      %add3A_115 = arith.addi %add3A_3, %add3A_114 : i32
      %broadcast_in_dim3A_116 = vector.broadcast %add3A_115 : i32 to vector<16xi32>
      %select_n3A_117 = arith.select %and3A_113, %sub3A_106, %broadcast_in_dim3A_116 : vector<16xi1>, vector<16xi32>
      %swap3A_118 = arith.constant 0 : index
      %swap3A_119 = tpu.vector_load %arg10[%swap3A_118] {strides = array<i32>} : memref<128xi32, #tpu.memory_space<vmem>>, vector<16xi32>,
      %swap3A_120 = vector.shape_cast %swap3A_119 : vector<16xi32> to vector<16xi32>
      %swap3A_121 = vector.shape_cast %select_n3A_117 : vector<16xi32> to vector<16xi32>
      tpu.vector_store %arg10[%swap3A_118], %swap3A_121 {strides = array<i32>} : memref<128xi32, #tpu.memory_space<vmem>>, vector<16xi32>,
      %get3A_122 = arith.constant 16 : index
      %get3A_123 = tpu.vector_load %arg8[%get3A_122] {strides = array<i32>} : memref<128xi32, #tpu.memory_space<vmem>>, vector<16xi32>,
      %get3A_124 = vector.shape_cast %get3A_123 : vector<16xi32> to vector<16xi32>
      %sub3A_125 = vector.broadcast %mul3A_0 : i32 to vector<16xi32>
      %sub3A_126 = arith.subi %get3A_124, %sub3A_125 : vector<16xi32>
      %ge3A_127 = arith.constant 0 : i32
      %ge3A_128 = vector.broadcast %ge3A_127 : i32 to vector<16xi32>
      %ge3A_129 = arith.cmpi sge, %sub3A_126, %ge3A_128 : vector<16xi32>
      %lt3A_130 = arith.constant 5120 : i32
      %lt3A_131 = vector.broadcast %lt3A_130 : i32 to vector<16xi32>
      %lt3A_132 = arith.cmpi slt, %sub3A_126, %lt3A_131 : vector<16xi32>
      %and3A_133 = arith.andi %ge3A_129, %lt3A_132 : vector<16xi1>
      %add3A_134 = arith.constant 1 : i32
      %add3A_135 = arith.addi %add3A_3, %add3A_134 : i32
      %broadcast_in_dim3A_136 = vector.broadcast %add3A_135 : i32 to vector<16xi32>
      %select_n3A_137 = arith.select %and3A_133, %sub3A_126, %broadcast_in_dim3A_136 : vector<16xi1>, vector<16xi32>
      %swap3A_138 = arith.constant 16 : index
      %swap3A_139 = tpu.vector_load %arg10[%swap3A_138] {strides = array<i32>} : memref<128xi32, #tpu.memory_space<vmem>>, vector<16xi32>,
      %swap3A_140 = vector.shape_cast %swap3A_139 : vector<16xi32> to vector<16xi32>
      %swap3A_141 = vector.shape_cast %select_n3A_137 : vector<16xi32> to vector<16xi32>
      tpu.vector_store %arg10[%swap3A_138], %swap3A_141 {strides = array<i32>} : memref<128xi32, #tpu.memory_space<vmem>>, vector<16xi32>,
      %get3A_142 = arith.constant 32 : index
      %get3A_143 = tpu.vector_load %arg8[%get3A_142] {strides = array<i32>} : memref<128xi32, #tpu.memory_space<vmem>>, vector<16xi32>,
      %get3A_144 = vector.shape_cast %get3A_143 : vector<16xi32> to vector<16xi32>
      %sub3A_145 = vector.broadcast %mul3A_0 : i32 to vector<16xi32>
      %sub3A_146 = arith.subi %get3A_144, %sub3A_145 : vector<16xi32>
      %ge3A_147 = arith.constant 0 : i32
      %ge3A_148 = vector.broadcast %ge3A_147 : i32 to vector<16xi32>
      %ge3A_149 = arith.cmpi sge, %sub3A_146, %ge3A_148 : vector<16xi32>
      %lt3A_150 = arith.constant 5120 : i32
      %lt3A_151 = vector.broadcast %lt3A_150 : i32 to vector<16xi32>
      %lt3A_152 = arith.cmpi slt, %sub3A_146, %lt3A_151 : vector<16xi32>
      %and3A_153 = arith.andi %ge3A_149, %lt3A_152 : vector<16xi1>
      %add3A_154 = arith.constant 2 : i32
      %add3A_155 = arith.addi %add3A_3, %add3A_154 : i32
      %broadcast_in_dim3A_156 = vector.broadcast %add3A_155 : i32 to vector<16xi32>
      %select_n3A_157 = arith.select %and3A_153, %sub3A_146, %broadcast_in_dim3A_156 : vector<16xi1>, vector<16xi32>
      %swap3A_158 = arith.constant 32 : index
      %swap3A_159 = tpu.vector_load %arg10[%swap3A_158] {strides = array<i32>} : memref<128xi32, #tpu.memory_space<vmem>>, vector<16xi32>,
      %swap3A_160 = vector.shape_cast %swap3A_159 : vector<16xi32> to vector<16xi32>
      %swap3A_161 = vector.shape_cast %select_n3A_157 : vector<16xi32> to vector<16xi32>
      tpu.vector_store %arg10[%swap3A_158], %swap3A_161 {strides = array<i32>} : memref<128xi32, #tpu.memory_space<vmem>>, vector<16xi32>,
      %get3A_162 = arith.constant 48 : index
      %get3A_163 = tpu.vector_load %arg8[%get3A_162] {strides = array<i32>} : memref<128xi32, #tpu.memory_space<vmem>>, vector<16xi32>,
      %get3A_164 = vector.shape_cast %get3A_163 : vector<16xi32> to vector<16xi32>
      %sub3A_165 = vector.broadcast %mul3A_0 : i32 to vector<16xi32>
      %sub3A_166 = arith.subi %get3A_164, %sub3A_165 : vector<16xi32>
      %ge3A_167 = arith.constant 0 : i32
      %ge3A_168 = vector.broadcast %ge3A_167 : i32 to vector<16xi32>
      %ge3A_169 = arith.cmpi sge, %sub3A_166, %ge3A_168 : vector<16xi32>
      %lt3A_170 = arith.constant 5120 : i32
      %lt3A_171 = vector.broadcast %lt3A_170 : i32 to vector<16xi32>
      %lt3A_172 = arith.cmpi slt, %sub3A_166, %lt3A_171 : vector<16xi32>
      %and3A_173 = arith.andi %ge3A_169, %lt3A_172 : vector<16xi1>
      %add3A_174 = arith.constant 3 : i32
      %add3A_175 = arith.addi %add3A_3, %add3A_174 : i32
      %broadcast_in_dim3A_176 = vector.broadcast %add3A_175 : i32 to vector<16xi32>
      %select_n3A_177 = arith.select %and3A_173, %sub3A_166, %broadcast_in_dim3A_176 : vector<16xi1>, vector<16xi32>
      %swap3A_178 = arith.constant 48 : index
      %swap3A_179 = tpu.vector_load %arg10[%swap3A_178] {strides = array<i32>} : memref<128xi32, #tpu.memory_space<vmem>>, vector<16xi32>,
      %swap3A_180 = vector.shape_cast %swap3A_179 : vector<16xi32> to vector<16xi32>
      %swap3A_181 = vector.shape_cast %select_n3A_177 : vector<16xi32> to vector<16xi32>
      tpu.vector_store %arg10[%swap3A_178], %swap3A_181 {strides = array<i32>} : memref<128xi32, #tpu.memory_space<vmem>>, vector<16xi32>,
      %get3A_182 = arith.constant 64 : index
      %get3A_183 = tpu.vector_load %arg8[%get3A_182] {strides = array<i32>} : memref<128xi32, #tpu.memory_space<vmem>>, vector<16xi32>,
      %get3A_184 = vector.shape_cast %get3A_183 : vector<16xi32> to vector<16xi32>
      %sub3A_185 = vector.broadcast %mul3A_0 : i32 to vector<16xi32>
      %sub3A_186 = arith.subi %get3A_184, %sub3A_185 : vector<16xi32>
      %ge3A_187 = arith.constant 0 : i32
      %ge3A_188 = vector.broadcast %ge3A_187 : i32 to vector<16xi32>
      %ge3A_189 = arith.cmpi sge, %sub3A_186, %ge3A_188 : vector<16xi32>
      %lt3A_190 = arith.constant 5120 : i32
      %lt3A_191 = vector.broadcast %lt3A_190 : i32 to vector<16xi32>
      %lt3A_192 = arith.cmpi slt, %sub3A_186, %lt3A_191 : vector<16xi32>
      %and3A_193 = arith.andi %ge3A_189, %lt3A_192 : vector<16xi1>
      %add3A_194 = arith.constant 4 : i32
      %add3A_195 = arith.addi %add3A_3, %add3A_194 : i32
      %broadcast_in_dim3A_196 = vector.broadcast %add3A_195 : i32 to vector<16xi32>
      %select_n3A_197 = arith.select %and3A_193, %sub3A_186, %broadcast_in_dim3A_196 : vector<16xi1>, vector<16xi32>
      %swap3A_198 = arith.constant 64 : index
      %swap3A_199 = tpu.vector_load %arg10[%swap3A_198] {strides = array<i32>} : memref<128xi32, #tpu.memory_space<vmem>>, vector<16xi32>,
      %swap3A_200 = vector.shape_cast %swap3A_199 : vector<16xi32> to vector<16xi32>
      %swap3A_201 = vector.shape_cast %select_n3A_197 : vector<16xi32> to vector<16xi32>
      tpu.vector_store %arg10[%swap3A_198], %swap3A_201 {strides = array<i32>} : memref<128xi32, #tpu.memory_space<vmem>>, vector<16xi32>,
      %get3A_202 = arith.constant 80 : index
      %get3A_203 = tpu.vector_load %arg8[%get3A_202] {strides = array<i32>} : memref<128xi32, #tpu.memory_space<vmem>>, vector<16xi32>,
      %get3A_204 = vector.shape_cast %get3A_203 : vector<16xi32> to vector<16xi32>
      %sub3A_205 = vector.broadcast %mul3A_0 : i32 to vector<16xi32>
      %sub3A_206 = arith.subi %get3A_204, %sub3A_205 : vector<16xi32>
      %ge3A_207 = arith.constant 0 : i32
      %ge3A_208 = vector.broadcast %ge3A_207 : i32 to vector<16xi32>
      %ge3A_209 = arith.cmpi sge, %sub3A_206, %ge3A_208 : vector<16xi32>
      %lt3A_210 = arith.constant 5120 : i32
      %lt3A_211 = vector.broadcast %lt3A_210 : i32 to vector<16xi32>
      %lt3A_212 = arith.cmpi slt, %sub3A_206, %lt3A_211 : vector<16xi32>
      %and3A_213 = arith.andi %ge3A_209, %lt3A_212 : vector<16xi1>
      %add3A_214 = arith.constant 5 : i32
      %add3A_215 = arith.addi %add3A_3, %add3A_214 : i32
      %broadcast_in_dim3A_216 = vector.broadcast %add3A_215 : i32 to vector<16xi32>
      %select_n3A_217 = arith.select %and3A_213, %sub3A_206, %broadcast_in_dim3A_216 : vector<16xi1>, vector<16xi32>
      %swap3A_218 = arith.constant 80 : index
      %swap3A_219 = tpu.vector_load %arg10[%swap3A_218] {strides = array<i32>} : memref<128xi32, #tpu.memory_space<vmem>>, vector<16xi32>,
      %swap3A_220 = vector.shape_cast %swap3A_219 : vector<16xi32> to vector<16xi32>
      %swap3A_221 = vector.shape_cast %select_n3A_217 : vector<16xi32> to vector<16xi32>
      tpu.vector_store %arg10[%swap3A_218], %swap3A_221 {strides = array<i32>} : memref<128xi32, #tpu.memory_space<vmem>>, vector<16xi32>,
      %get3A_222 = arith.constant 96 : index
      %get3A_223 = tpu.vector_load %arg8[%get3A_222] {strides = array<i32>} : memref<128xi32, #tpu.memory_space<vmem>>, vector<16xi32>,
      %get3A_224 = vector.shape_cast %get3A_223 : vector<16xi32> to vector<16xi32>
      %sub3A_225 = vector.broadcast %mul3A_0 : i32 to vector<16xi32>
      %sub3A_226 = arith.subi %get3A_224, %sub3A_225 : vector<16xi32>
      %ge3A_227 = arith.constant 0 : i32
      %ge3A_228 = vector.broadcast %ge3A_227 : i32 to vector<16xi32>
      %ge3A_229 = arith.cmpi sge, %sub3A_226, %ge3A_228 : vector<16xi32>
      %lt3A_230 = arith.constant 5120 : i32
      %lt3A_231 = vector.broadcast %lt3A_230 : i32 to vector<16xi32>
      %lt3A_232 = arith.cmpi slt, %sub3A_226, %lt3A_231 : vector<16xi32>
      %and3A_233 = arith.andi %ge3A_229, %lt3A_232 : vector<16xi1>
      %add3A_234 = arith.constant 6 : i32
      %add3A_235 = arith.addi %add3A_3, %add3A_234 : i32
      %broadcast_in_dim3A_236 = vector.broadcast %add3A_235 : i32 to vector<16xi32>
      %select_n3A_237 = arith.select %and3A_233, %sub3A_226, %broadcast_in_dim3A_236 : vector<16xi1>, vector<16xi32>
      %swap3A_238 = arith.constant 96 : index
      %swap3A_239 = tpu.vector_load %arg10[%swap3A_238] {strides = array<i32>} : memref<128xi32, #tpu.memory_space<vmem>>, vector<16xi32>,
      %swap3A_240 = vector.shape_cast %swap3A_239 : vector<16xi32> to vector<16xi32>
      %swap3A_241 = vector.shape_cast %select_n3A_237 : vector<16xi32> to vector<16xi32>
      tpu.vector_store %arg10[%swap3A_238], %swap3A_241 {strides = array<i32>} : memref<128xi32, #tpu.memory_space<vmem>>, vector<16xi32>,
      %get3A_242 = arith.constant 112 : index
      %get3A_243 = tpu.vector_load %arg8[%get3A_242] {strides = array<i32>} : memref<128xi32, #tpu.memory_space<vmem>>, vector<16xi32>,
      %get3A_244 = vector.shape_cast %get3A_243 : vector<16xi32> to vector<16xi32>
      %sub3A_245 = vector.broadcast %mul3A_0 : i32 to vector<16xi32>
      %sub3A_246 = arith.subi %get3A_244, %sub3A_245 : vector<16xi32>
      %ge3A_247 = arith.constant 0 : i32
      %ge3A_248 = vector.broadcast %ge3A_247 : i32 to vector<16xi32>
      %ge3A_249 = arith.cmpi sge, %sub3A_246, %ge3A_248 : vector<16xi32>
      %lt3A_250 = arith.constant 5120 : i32
      %lt3A_251 = vector.broadcast %lt3A_250 : i32 to vector<16xi32>
      %lt3A_252 = arith.cmpi slt, %sub3A_246, %lt3A_251 : vector<16xi32>
      %and3A_253 = arith.andi %ge3A_249, %lt3A_252 : vector<16xi1>
      %add3A_254 = arith.constant 7 : i32
      %add3A_255 = arith.addi %add3A_3, %add3A_254 : i32
      %broadcast_in_dim3A_256 = vector.broadcast %add3A_255 : i32 to vector<16xi32>
      %select_n3A_257 = arith.select %and3A_253, %sub3A_246, %broadcast_in_dim3A_256 : vector<16xi1>, vector<16xi32>
      %swap3A_258 = arith.constant 112 : index
      %swap3A_259 = tpu.vector_load %arg10[%swap3A_258] {strides = array<i32>} : memref<128xi32, #tpu.memory_space<vmem>>, vector<16xi32>,
      %swap3A_260 = vector.shape_cast %swap3A_259 : vector<16xi32> to vector<16xi32>
      %swap3A_261 = vector.shape_cast %select_n3A_257 : vector<16xi32> to vector<16xi32>
      tpu.vector_store %arg10[%swap3A_258], %swap3A_261 {strides = array<i32>} : memref<128xi32, #tpu.memory_space<vmem>>, vector<16xi32>,
      %dma_wait3A_262 = arith.constant 0 : i32
      %dma_wait3A_263 = arith.constant 0 : i32
      %dma_wait3A_264 = tpu.memref_slice %arg2[%dma_wait3A_262, %dma_wait3A_263] : memref<10240x128xf32, #tpu.memory_space<hbm>> -> memref<10240x128xf32, #tpu.memory_space<hbm>>
      tpu.wait_indirect_dma semaphore(%arg19 : memref<!tpu.dma_semaphore, #tpu.memory_space<semaphore_mem>>) src(%dma_wait3A_264 : memref<10240x128xf32, #tpu.memory_space<hbm>>) dst(%arg13 : memref<128x128xf32, #tpu.memory_space<vmem>>)
      "tpu.region"() ({
        %run_scoped3A = tpu.sem_alloc : memref<!tpu.dma_semaphore, #tpu.memory_space<semaphore_mem>>
        %dma_start3A_436 = arith.constant 0 : i32
        %dma_start3A_437 = arith.constant 0 : i32
        %dma_start3A_438 = tpu.memref_slice %arg16[%dma_start3A_436, %dma_start3A_437] : memref<5248x128xf32, #tpu.memory_space<vmem_shared>> -> memref<5248x128xf32, #tpu.memory_space<vmem_shared>>
        tpu.enqueue_indirect_dma source(%arg13 : memref<128x128xf32, #tpu.memory_space<vmem>>) target(%dma_start3A_438 : memref<5248x128xf32, #tpu.memory_space<vmem_shared>>) offsets(%arg10 : memref<128xi32, #tpu.memory_space<vmem>>) semaphore(%run_scoped3A : memref<!tpu.dma_semaphore, #tpu.memory_space<semaphore_mem>>) {add = true}
        %dma_wait3A_439 = arith.constant 0 : i32
        %dma_wait3A_440 = arith.constant 0 : i32
        %dma_wait3A_441 = tpu.memref_slice %arg16[%dma_wait3A_439, %dma_wait3A_440] : memref<5248x128xf32, #tpu.memory_space<vmem_shared>> -> memref<5248x128xf32, #tpu.memory_space<vmem_shared>>
        tpu.wait_indirect_dma semaphore(%run_scoped3A : memref<!tpu.dma_semaphore, #tpu.memory_space<semaphore_mem>>) src(%arg13 : memref<128x128xf32, #tpu.memory_space<vmem>>) dst(%dma_wait3A_441 : memref<5248x128xf32, #tpu.memory_space<vmem_shared>>)
        tpu.yield
      }) : () -> ()
      %lt3A_265 = arith.constant 77 : i32
      %lt3A_266 = arith.cmpi slt, %scan3A_85, %lt3A_265 : i32
      %convert_element_type3A = arith.extui %lt3A_266 : i1 to i32
      %cond3A = arith.constant 0 : i32
      %cond3A_267 = arith.cmpi ne, %convert_element_type3A, %cond3A : i32
      scf.if %cond3A_267 {
        %add3A_436 = arith.constant 256 : i32
        %add3A_437 = arith.addi %add3A_90, %add3A_436 : i32
        %dma_start3A_438 = tpu.memref_slice %arg3[%add3A_437] : memref<320000xi32, #tpu.memory_space<hbm>> -> memref<128xi32, #tpu.memory_space<hbm>>
        %dma_start3A_439 = tpu.memref_slice %arg3[%add3A_437] : memref<320000xi32, #tpu.memory_space<hbm>> -> memref<128xi32, #tpu.memory_space<hbm>>
        tpu.enqueue_dma source(%dma_start3A_439 : memref<128xi32, #tpu.memory_space<hbm>>) target(%arg6 : memref<128xi32, #tpu.memory_space<vmem>>) target_semaphore(%arg17 : memref<!tpu.dma_semaphore, #tpu.memory_space<semaphore_mem>>)
        %dma_start3A_440 = tpu.memref_slice %arg4[%add3A_437] : memref<320000xi32, #tpu.memory_space<hbm>> -> memref<128xi32, #tpu.memory_space<hbm>>
        %dma_start3A_441 = tpu.memref_slice %arg4[%add3A_437] : memref<320000xi32, #tpu.memory_space<hbm>> -> memref<128xi32, #tpu.memory_space<hbm>>
        tpu.enqueue_dma source(%dma_start3A_441 : memref<128xi32, #tpu.memory_space<hbm>>) target(%arg8 : memref<128xi32, #tpu.memory_space<vmem>>) target_semaphore(%arg17 : memref<!tpu.dma_semaphore, #tpu.memory_space<semaphore_mem>>)
      } else {
      }
      %get3A_268 = arith.constant 0 : index
      %get3A_269 = tpu.vector_load %arg9[%get3A_268] {strides = array<i32>} : memref<128xi32, #tpu.memory_space<vmem>>, vector<16xi32>,
      %get3A_270 = vector.shape_cast %get3A_269 : vector<16xi32> to vector<16xi32>
      %sub3A_271 = vector.broadcast %mul3A_0 : i32 to vector<16xi32>
      %sub3A_272 = arith.subi %get3A_270, %sub3A_271 : vector<16xi32>
      %ge3A_273 = arith.constant 0 : i32
      %ge3A_274 = vector.broadcast %ge3A_273 : i32 to vector<16xi32>
      %ge3A_275 = arith.cmpi sge, %sub3A_272, %ge3A_274 : vector<16xi32>
      %lt3A_276 = arith.constant 5120 : i32
      %lt3A_277 = vector.broadcast %lt3A_276 : i32 to vector<16xi32>
      %lt3A_278 = arith.cmpi slt, %sub3A_272, %lt3A_277 : vector<16xi32>
      %and3A_279 = arith.andi %ge3A_275, %lt3A_278 : vector<16xi1>
      %add3A_280 = arith.constant 0 : i32
      %add3A_281 = arith.addi %add3A_3, %add3A_280 : i32
      %broadcast_in_dim3A_282 = vector.broadcast %add3A_281 : i32 to vector<16xi32>
      %select_n3A_283 = arith.select %and3A_279, %sub3A_272, %broadcast_in_dim3A_282 : vector<16xi1>, vector<16xi32>
      %swap3A_284 = arith.constant 0 : index
      %swap3A_285 = tpu.vector_load %arg11[%swap3A_284] {strides = array<i32>} : memref<128xi32, #tpu.memory_space<vmem>>, vector<16xi32>,
      %swap3A_286 = vector.shape_cast %swap3A_285 : vector<16xi32> to vector<16xi32>
      %swap3A_287 = vector.shape_cast %select_n3A_283 : vector<16xi32> to vector<16xi32>
      tpu.vector_store %arg11[%swap3A_284], %swap3A_287 {strides = array<i32>} : memref<128xi32, #tpu.memory_space<vmem>>, vector<16xi32>,
      %get3A_288 = arith.constant 16 : index
      %get3A_289 = tpu.vector_load %arg9[%get3A_288] {strides = array<i32>} : memref<128xi32, #tpu.memory_space<vmem>>, vector<16xi32>,
      %get3A_290 = vector.shape_cast %get3A_289 : vector<16xi32> to vector<16xi32>
      %sub3A_291 = vector.broadcast %mul3A_0 : i32 to vector<16xi32>
      %sub3A_292 = arith.subi %get3A_290, %sub3A_291 : vector<16xi32>
      %ge3A_293 = arith.constant 0 : i32
      %ge3A_294 = vector.broadcast %ge3A_293 : i32 to vector<16xi32>
      %ge3A_295 = arith.cmpi sge, %sub3A_292, %ge3A_294 : vector<16xi32>
      %lt3A_296 = arith.constant 5120 : i32
      %lt3A_297 = vector.broadcast %lt3A_296 : i32 to vector<16xi32>
      %lt3A_298 = arith.cmpi slt, %sub3A_292, %lt3A_297 : vector<16xi32>
      %and3A_299 = arith.andi %ge3A_295, %lt3A_298 : vector<16xi1>
      %add3A_300 = arith.constant 1 : i32
      %add3A_301 = arith.addi %add3A_3, %add3A_300 : i32
      %broadcast_in_dim3A_302 = vector.broadcast %add3A_301 : i32 to vector<16xi32>
      %select_n3A_303 = arith.select %and3A_299, %sub3A_292, %broadcast_in_dim3A_302 : vector<16xi1>, vector<16xi32>
      %swap3A_304 = arith.constant 16 : index
      %swap3A_305 = tpu.vector_load %arg11[%swap3A_304] {strides = array<i32>} : memref<128xi32, #tpu.memory_space<vmem>>, vector<16xi32>,
      %swap3A_306 = vector.shape_cast %swap3A_305 : vector<16xi32> to vector<16xi32>
      %swap3A_307 = vector.shape_cast %select_n3A_303 : vector<16xi32> to vector<16xi32>
      tpu.vector_store %arg11[%swap3A_304], %swap3A_307 {strides = array<i32>} : memref<128xi32, #tpu.memory_space<vmem>>, vector<16xi32>,
      %get3A_308 = arith.constant 32 : index
      %get3A_309 = tpu.vector_load %arg9[%get3A_308] {strides = array<i32>} : memref<128xi32, #tpu.memory_space<vmem>>, vector<16xi32>,
      %get3A_310 = vector.shape_cast %get3A_309 : vector<16xi32> to vector<16xi32>
      %sub3A_311 = vector.broadcast %mul3A_0 : i32 to vector<16xi32>
      %sub3A_312 = arith.subi %get3A_310, %sub3A_311 : vector<16xi32>
      %ge3A_313 = arith.constant 0 : i32
      %ge3A_314 = vector.broadcast %ge3A_313 : i32 to vector<16xi32>
      %ge3A_315 = arith.cmpi sge, %sub3A_312, %ge3A_314 : vector<16xi32>
      %lt3A_316 = arith.constant 5120 : i32
      %lt3A_317 = vector.broadcast %lt3A_316 : i32 to vector<16xi32>
      %lt3A_318 = arith.cmpi slt, %sub3A_312, %lt3A_317 : vector<16xi32>
      %and3A_319 = arith.andi %ge3A_315, %lt3A_318 : vector<16xi1>
      %add3A_320 = arith.constant 2 : i32
      %add3A_321 = arith.addi %add3A_3, %add3A_320 : i32
      %broadcast_in_dim3A_322 = vector.broadcast %add3A_321 : i32 to vector<16xi32>
      %select_n3A_323 = arith.select %and3A_319, %sub3A_312, %broadcast_in_dim3A_322 : vector<16xi1>, vector<16xi32>
      %swap3A_324 = arith.constant 32 : index
      %swap3A_325 = tpu.vector_load %arg11[%swap3A_324] {strides = array<i32>} : memref<128xi32, #tpu.memory_space<vmem>>, vector<16xi32>,
      %swap3A_326 = vector.shape_cast %swap3A_325 : vector<16xi32> to vector<16xi32>
      %swap3A_327 = vector.shape_cast %select_n3A_323 : vector<16xi32> to vector<16xi32>
      tpu.vector_store %arg11[%swap3A_324], %swap3A_327 {strides = array<i32>} : memref<128xi32, #tpu.memory_space<vmem>>, vector<16xi32>,
      %get3A_328 = arith.constant 48 : index
      %get3A_329 = tpu.vector_load %arg9[%get3A_328] {strides = array<i32>} : memref<128xi32, #tpu.memory_space<vmem>>, vector<16xi32>,
      %get3A_330 = vector.shape_cast %get3A_329 : vector<16xi32> to vector<16xi32>
      %sub3A_331 = vector.broadcast %mul3A_0 : i32 to vector<16xi32>
      %sub3A_332 = arith.subi %get3A_330, %sub3A_331 : vector<16xi32>
      %ge3A_333 = arith.constant 0 : i32
      %ge3A_334 = vector.broadcast %ge3A_333 : i32 to vector<16xi32>
      %ge3A_335 = arith.cmpi sge, %sub3A_332, %ge3A_334 : vector<16xi32>
      %lt3A_336 = arith.constant 5120 : i32
      %lt3A_337 = vector.broadcast %lt3A_336 : i32 to vector<16xi32>
      %lt3A_338 = arith.cmpi slt, %sub3A_332, %lt3A_337 : vector<16xi32>
      %and3A_339 = arith.andi %ge3A_335, %lt3A_338 : vector<16xi1>
      %add3A_340 = arith.constant 3 : i32
      %add3A_341 = arith.addi %add3A_3, %add3A_340 : i32
      %broadcast_in_dim3A_342 = vector.broadcast %add3A_341 : i32 to vector<16xi32>
      %select_n3A_343 = arith.select %and3A_339, %sub3A_332, %broadcast_in_dim3A_342 : vector<16xi1>, vector<16xi32>
      %swap3A_344 = arith.constant 48 : index
      %swap3A_345 = tpu.vector_load %arg11[%swap3A_344] {strides = array<i32>} : memref<128xi32, #tpu.memory_space<vmem>>, vector<16xi32>,
      %swap3A_346 = vector.shape_cast %swap3A_345 : vector<16xi32> to vector<16xi32>
      %swap3A_347 = vector.shape_cast %select_n3A_343 : vector<16xi32> to vector<16xi32>
      tpu.vector_store %arg11[%swap3A_344], %swap3A_347 {strides = array<i32>} : memref<128xi32, #tpu.memory_space<vmem>>, vector<16xi32>,
      %get3A_348 = arith.constant 64 : index
      %get3A_349 = tpu.vector_load %arg9[%get3A_348] {strides = array<i32>} : memref<128xi32, #tpu.memory_space<vmem>>, vector<16xi32>,
      %get3A_350 = vector.shape_cast %get3A_349 : vector<16xi32> to vector<16xi32>
      %sub3A_351 = vector.broadcast %mul3A_0 : i32 to vector<16xi32>
      %sub3A_352 = arith.subi %get3A_350, %sub3A_351 : vector<16xi32>
      %ge3A_353 = arith.constant 0 : i32
      %ge3A_354 = vector.broadcast %ge3A_353 : i32 to vector<16xi32>
      %ge3A_355 = arith.cmpi sge, %sub3A_352, %ge3A_354 : vector<16xi32>
      %lt3A_356 = arith.constant 5120 : i32
      %lt3A_357 = vector.broadcast %lt3A_356 : i32 to vector<16xi32>
      %lt3A_358 = arith.cmpi slt, %sub3A_352, %lt3A_357 : vector<16xi32>
      %and3A_359 = arith.andi %ge3A_355, %lt3A_358 : vector<16xi1>
      %add3A_360 = arith.constant 4 : i32
      %add3A_361 = arith.addi %add3A_3, %add3A_360 : i32
      %broadcast_in_dim3A_362 = vector.broadcast %add3A_361 : i32 to vector<16xi32>
      %select_n3A_363 = arith.select %and3A_359, %sub3A_352, %broadcast_in_dim3A_362 : vector<16xi1>, vector<16xi32>
      %swap3A_364 = arith.constant 64 : index
      %swap3A_365 = tpu.vector_load %arg11[%swap3A_364] {strides = array<i32>} : memref<128xi32, #tpu.memory_space<vmem>>, vector<16xi32>,
      %swap3A_366 = vector.shape_cast %swap3A_365 : vector<16xi32> to vector<16xi32>
      %swap3A_367 = vector.shape_cast %select_n3A_363 : vector<16xi32> to vector<16xi32>
      tpu.vector_store %arg11[%swap3A_364], %swap3A_367 {strides = array<i32>} : memref<128xi32, #tpu.memory_space<vmem>>, vector<16xi32>,
      %get3A_368 = arith.constant 80 : index
      %get3A_369 = tpu.vector_load %arg9[%get3A_368] {strides = array<i32>} : memref<128xi32, #tpu.memory_space<vmem>>, vector<16xi32>,
      %get3A_370 = vector.shape_cast %get3A_369 : vector<16xi32> to vector<16xi32>
      %sub3A_371 = vector.broadcast %mul3A_0 : i32 to vector<16xi32>
      %sub3A_372 = arith.subi %get3A_370, %sub3A_371 : vector<16xi32>
      %ge3A_373 = arith.constant 0 : i32
      %ge3A_374 = vector.broadcast %ge3A_373 : i32 to vector<16xi32>
      %ge3A_375 = arith.cmpi sge, %sub3A_372, %ge3A_374 : vector<16xi32>
      %lt3A_376 = arith.constant 5120 : i32
      %lt3A_377 = vector.broadcast %lt3A_376 : i32 to vector<16xi32>
      %lt3A_378 = arith.cmpi slt, %sub3A_372, %lt3A_377 : vector<16xi32>
      %and3A_379 = arith.andi %ge3A_375, %lt3A_378 : vector<16xi1>
      %add3A_380 = arith.constant 5 : i32
      %add3A_381 = arith.addi %add3A_3, %add3A_380 : i32
      %broadcast_in_dim3A_382 = vector.broadcast %add3A_381 : i32 to vector<16xi32>
      %select_n3A_383 = arith.select %and3A_379, %sub3A_372, %broadcast_in_dim3A_382 : vector<16xi1>, vector<16xi32>
      %swap3A_384 = arith.constant 80 : index
      %swap3A_385 = tpu.vector_load %arg11[%swap3A_384] {strides = array<i32>} : memref<128xi32, #tpu.memory_space<vmem>>, vector<16xi32>,
      %swap3A_386 = vector.shape_cast %swap3A_385 : vector<16xi32> to vector<16xi32>
      %swap3A_387 = vector.shape_cast %select_n3A_383 : vector<16xi32> to vector<16xi32>
      tpu.vector_store %arg11[%swap3A_384], %swap3A_387 {strides = array<i32>} : memref<128xi32, #tpu.memory_space<vmem>>, vector<16xi32>,
      %get3A_388 = arith.constant 96 : index
      %get3A_389 = tpu.vector_load %arg9[%get3A_388] {strides = array<i32>} : memref<128xi32, #tpu.memory_space<vmem>>, vector<16xi32>,
      %get3A_390 = vector.shape_cast %get3A_389 : vector<16xi32> to vector<16xi32>
      %sub3A_391 = vector.broadcast %mul3A_0 : i32 to vector<16xi32>
      %sub3A_392 = arith.subi %get3A_390, %sub3A_391 : vector<16xi32>
      %ge3A_393 = arith.constant 0 : i32
      %ge3A_394 = vector.broadcast %ge3A_393 : i32 to vector<16xi32>
      %ge3A_395 = arith.cmpi sge, %sub3A_392, %ge3A_394 : vector<16xi32>
      %lt3A_396 = arith.constant 5120 : i32
      %lt3A_397 = vector.broadcast %lt3A_396 : i32 to vector<16xi32>
      %lt3A_398 = arith.cmpi slt, %sub3A_392, %lt3A_397 : vector<16xi32>
      %and3A_399 = arith.andi %ge3A_395, %lt3A_398 : vector<16xi1>
      %add3A_400 = arith.constant 6 : i32
      %add3A_401 = arith.addi %add3A_3, %add3A_400 : i32
      %broadcast_in_dim3A_402 = vector.broadcast %add3A_401 : i32 to vector<16xi32>
      %select_n3A_403 = arith.select %and3A_399, %sub3A_392, %broadcast_in_dim3A_402 : vector<16xi1>, vector<16xi32>
      %swap3A_404 = arith.constant 96 : index
      %swap3A_405 = tpu.vector_load %arg11[%swap3A_404] {strides = array<i32>} : memref<128xi32, #tpu.memory_space<vmem>>, vector<16xi32>,
      %swap3A_406 = vector.shape_cast %swap3A_405 : vector<16xi32> to vector<16xi32>
      %swap3A_407 = vector.shape_cast %select_n3A_403 : vector<16xi32> to vector<16xi32>
      tpu.vector_store %arg11[%swap3A_404], %swap3A_407 {strides = array<i32>} : memref<128xi32, #tpu.memory_space<vmem>>, vector<16xi32>,
      %get3A_408 = arith.constant 112 : index
      %get3A_409 = tpu.vector_load %arg9[%get3A_408] {strides = array<i32>} : memref<128xi32, #tpu.memory_space<vmem>>, vector<16xi32>,
      %get3A_410 = vector.shape_cast %get3A_409 : vector<16xi32> to vector<16xi32>
      %sub3A_411 = vector.broadcast %mul3A_0 : i32 to vector<16xi32>
      %sub3A_412 = arith.subi %get3A_410, %sub3A_411 : vector<16xi32>
      %ge3A_413 = arith.constant 0 : i32
      %ge3A_414 = vector.broadcast %ge3A_413 : i32 to vector<16xi32>
      %ge3A_415 = arith.cmpi sge, %sub3A_412, %ge3A_414 : vector<16xi32>
      %lt3A_416 = arith.constant 5120 : i32
      %lt3A_417 = vector.broadcast %lt3A_416 : i32 to vector<16xi32>
      %lt3A_418 = arith.cmpi slt, %sub3A_412, %lt3A_417 : vector<16xi32>
      %and3A_419 = arith.andi %ge3A_415, %lt3A_418 : vector<16xi1>
      %add3A_420 = arith.constant 7 : i32
      %add3A_421 = arith.addi %add3A_3, %add3A_420 : i32
      %broadcast_in_dim3A_422 = vector.broadcast %add3A_421 : i32 to vector<16xi32>
      %select_n3A_423 = arith.select %and3A_419, %sub3A_412, %broadcast_in_dim3A_422 : vector<16xi1>, vector<16xi32>
      %swap3A_424 = arith.constant 112 : index
      %swap3A_425 = tpu.vector_load %arg11[%swap3A_424] {strides = array<i32>} : memref<128xi32, #tpu.memory_space<vmem>>, vector<16xi32>,
      %swap3A_426 = vector.shape_cast %swap3A_425 : vector<16xi32> to vector<16xi32>
      %swap3A_427 = vector.shape_cast %select_n3A_423 : vector<16xi32> to vector<16xi32>
      tpu.vector_store %arg11[%swap3A_424], %swap3A_427 {strides = array<i32>} : memref<128xi32, #tpu.memory_space<vmem>>, vector<16xi32>,
      %dma_wait3A_428 = arith.constant 0 : i32
      %dma_wait3A_429 = arith.constant 0 : i32
      %dma_wait3A_430 = tpu.memref_slice %arg2[%dma_wait3A_428, %dma_wait3A_429] : memref<10240x128xf32, #tpu.memory_space<hbm>> -> memref<10240x128xf32, #tpu.memory_space<hbm>>
      tpu.wait_indirect_dma semaphore(%arg20 : memref<!tpu.dma_semaphore, #tpu.memory_space<semaphore_mem>>) src(%dma_wait3A_430 : memref<10240x128xf32, #tpu.memory_space<hbm>>) dst(%arg14 : memref<128x128xf32, #tpu.memory_space<vmem>>)
      %lt3A_431 = arith.constant 77 : i32
      %lt3A_432 = arith.cmpi slt, %scan3A_85, %lt3A_431 : i32
      %convert_element_type3A_433 = arith.extui %lt3A_432 : i1 to i32
      %cond3A_434 = arith.constant 0 : i32
      %cond3A_435 = arith.cmpi ne, %convert_element_type3A_433, %cond3A_434 : i32
      scf.if %cond3A_435 {
        %dma_wait3A_436 = arith.constant 0 : i32
        %dma_wait3A_437 = tpu.memref_slice %arg3[%dma_wait3A_436] : memref<320000xi32, #tpu.memory_space<hbm>> -> memref<128xi32, #tpu.memory_space<hbm>>
        %dma_wait3A_438 = arith.constant 0 : i32
        %dma_wait3A_439 = tpu.memref_slice %arg3[%dma_wait3A_438] : memref<320000xi32, #tpu.memory_space<hbm>> -> memref<128xi32, #tpu.memory_space<hbm>>
        tpu.wait_dma2 semaphore(%arg17 : memref<!tpu.dma_semaphore, #tpu.memory_space<semaphore_mem>>) src(%dma_wait3A_439 : memref<128xi32, #tpu.memory_space<hbm>>) dst(%arg6 : memref<128xi32, #tpu.memory_space<vmem>>)
        %dma_wait3A_440 = arith.constant 0 : i32
        %dma_wait3A_441 = tpu.memref_slice %arg4[%dma_wait3A_440] : memref<320000xi32, #tpu.memory_space<hbm>> -> memref<128xi32, #tpu.memory_space<hbm>>
        %dma_wait3A_442 = arith.constant 0 : i32
        %dma_wait3A_443 = tpu.memref_slice %arg4[%dma_wait3A_442] : memref<320000xi32, #tpu.memory_space<hbm>> -> memref<128xi32, #tpu.memory_space<hbm>>
        tpu.wait_dma2 semaphore(%arg17 : memref<!tpu.dma_semaphore, #tpu.memory_space<semaphore_mem>>) src(%dma_wait3A_443 : memref<128xi32, #tpu.memory_space<hbm>>) dst(%arg8 : memref<128xi32, #tpu.memory_space<vmem>>)
        %dma_start3A_444 = arith.constant 0 : i32
        %dma_start3A_445 = arith.constant 0 : i32
        %dma_start3A_446 = tpu.memref_slice %arg2[%dma_start3A_444, %dma_start3A_445] : memref<10240x128xf32, #tpu.memory_space<hbm>> -> memref<10240x128xf32, #tpu.memory_space<hbm>>
        tpu.enqueue_indirect_dma source(%dma_start3A_446 : memref<10240x128xf32, #tpu.memory_space<hbm>>) target(%arg13 : memref<128x128xf32, #tpu.memory_space<vmem>>) offsets(%arg6 : memref<128xi32, #tpu.memory_space<vmem>>) semaphore(%arg19 : memref<!tpu.dma_semaphore, #tpu.memory_space<semaphore_mem>>)
        %add3A_447 = arith.constant 384 : i32
        %add3A_448 = arith.addi %add3A_90, %add3A_447 : i32
        %dma_start3A_449 = tpu.memref_slice %arg3[%add3A_448] : memref<320000xi32, #tpu.memory_space<hbm>> -> memref<128xi32, #tpu.memory_space<hbm>>
        %dma_start3A_450 = tpu.memref_slice %arg3[%add3A_448] : memref<320000xi32, #tpu.memory_space<hbm>> -> memref<128xi32, #tpu.memory_space<hbm>>
        tpu.enqueue_dma source(%dma_start3A_450 : memref<128xi32, #tpu.memory_space<hbm>>) target(%arg7 : memref<128xi32, #tpu.memory_space<vmem>>) target_semaphore(%arg18 : memref<!tpu.dma_semaphore, #tpu.memory_space<semaphore_mem>>)
        %dma_start3A_451 = tpu.memref_slice %arg4[%add3A_448] : memref<320000xi32, #tpu.memory_space<hbm>> -> memref<128xi32, #tpu.memory_space<hbm>>
        %dma_start3A_452 = tpu.memref_slice %arg4[%add3A_448] : memref<320000xi32, #tpu.memory_space<hbm>> -> memref<128xi32, #tpu.memory_space<hbm>>
        tpu.enqueue_dma source(%dma_start3A_452 : memref<128xi32, #tpu.memory_space<hbm>>) target(%arg9 : memref<128xi32, #tpu.memory_space<vmem>>) target_semaphore(%arg18 : memref<!tpu.dma_semaphore, #tpu.memory_space<semaphore_mem>>)
      } else {
      }
      "tpu.region"() ({
        %run_scoped3A = tpu.sem_alloc : memref<!tpu.dma_semaphore, #tpu.memory_space<semaphore_mem>>
        %dma_start3A_436 = arith.constant 0 : i32
        %dma_start3A_437 = arith.constant 0 : i32
        %dma_start3A_438 = tpu.memref_slice %arg16[%dma_start3A_436, %dma_start3A_437] : memref<5248x128xf32, #tpu.memory_space<vmem_shared>> -> memref<5248x128xf32, #tpu.memory_space<vmem_shared>>
        tpu.enqueue_indirect_dma source(%arg14 : memref<128x128xf32, #tpu.memory_space<vmem>>) target(%dma_start3A_438 : memref<5248x128xf32, #tpu.memory_space<vmem_shared>>) offsets(%arg11 : memref<128xi32, #tpu.memory_space<vmem>>) semaphore(%run_scoped3A : memref<!tpu.dma_semaphore, #tpu.memory_space<semaphore_mem>>) {add = true}
        %dma_wait3A_439 = arith.constant 0 : i32
        %dma_wait3A_440 = arith.constant 0 : i32
        %dma_wait3A_441 = tpu.memref_slice %arg16[%dma_wait3A_439, %dma_wait3A_440] : memref<5248x128xf32, #tpu.memory_space<vmem_shared>> -> memref<5248x128xf32, #tpu.memory_space<vmem_shared>>
        tpu.wait_indirect_dma semaphore(%run_scoped3A : memref<!tpu.dma_semaphore, #tpu.memory_space<semaphore_mem>>) src(%arg14 : memref<128x128xf32, #tpu.memory_space<vmem>>) dst(%dma_wait3A_441 : memref<5248x128xf32, #tpu.memory_space<vmem_shared>>)
        tpu.yield
      }) : () -> ()
    }
    %scan3A_32 = arith.constant 78 : i32
    %add3A_33 = arith.constant 19968 : i32
    %add3A_34 = arith.addi %mul3A_8, %add3A_33 : i32
    "tpu.region"() ({
      %run_scoped3A = tpu.sem_alloc : memref<!tpu.dma_semaphore, #tpu.memory_space<semaphore_mem>>
      %dma_start3A_85 = arith.constant 0 : i32
      %dma_start3A_86 = tpu.memref_slice %arg6[%dma_start3A_85] : memref<128xi32, #tpu.memory_space<vmem>> -> memref<32xi32, #tpu.memory_space<vmem>>
      %dma_start3A_87 = tpu.memref_slice %arg3[%add3A_34] : memref<320000xi32, #tpu.memory_space<hbm>> -> memref<32xi32, #tpu.memory_space<hbm>>
      %dma_start3A_88 = arith.constant 0 : i32
      %dma_start3A_89 = tpu.memref_slice %arg6[%dma_start3A_88] : memref<128xi32, #tpu.memory_space<vmem>> -> memref<32xi32, #tpu.memory_space<vmem>>
      %dma_start3A_90 = tpu.memref_slice %arg3[%add3A_34] : memref<320000xi32, #tpu.memory_space<hbm>> -> memref<32xi32, #tpu.memory_space<hbm>>
      tpu.enqueue_dma source(%dma_start3A_90 : memref<32xi32, #tpu.memory_space<hbm>>) target(%dma_start3A_89 : memref<32xi32, #tpu.memory_space<vmem>>) target_semaphore(%run_scoped3A : memref<!tpu.dma_semaphore, #tpu.memory_space<semaphore_mem>>)
      %dma_wait3A_91 = arith.constant 0 : i32
      %dma_wait3A_92 = tpu.memref_slice %arg6[%dma_wait3A_91] : memref<128xi32, #tpu.memory_space<vmem>> -> memref<32xi32, #tpu.memory_space<vmem>>
      %dma_wait3A_93 = tpu.memref_slice %arg3[%add3A_34] : memref<320000xi32, #tpu.memory_space<hbm>> -> memref<32xi32, #tpu.memory_space<hbm>>
      %dma_wait3A_94 = arith.constant 0 : i32
      %dma_wait3A_95 = tpu.memref_slice %arg6[%dma_wait3A_94] : memref<128xi32, #tpu.memory_space<vmem>> -> memref<32xi32, #tpu.memory_space<vmem>>
      %dma_wait3A_96 = tpu.memref_slice %arg3[%add3A_34] : memref<320000xi32, #tpu.memory_space<hbm>> -> memref<32xi32, #tpu.memory_space<hbm>>
      tpu.wait_dma2 semaphore(%run_scoped3A : memref<!tpu.dma_semaphore, #tpu.memory_space<semaphore_mem>>) src(%dma_wait3A_96 : memref<32xi32, #tpu.memory_space<hbm>>) dst(%dma_wait3A_95 : memref<32xi32, #tpu.memory_space<vmem>>)
      tpu.yield
    }) : () -> ()
    "tpu.region"() ({
      %run_scoped3A = tpu.sem_alloc : memref<!tpu.dma_semaphore, #tpu.memory_space<semaphore_mem>>
      %dma_start3A_85 = arith.constant 0 : i32
      %dma_start3A_86 = tpu.memref_slice %arg8[%dma_start3A_85] : memref<128xi32, #tpu.memory_space<vmem>> -> memref<32xi32, #tpu.memory_space<vmem>>
      %dma_start3A_87 = tpu.memref_slice %arg4[%add3A_34] : memref<320000xi32, #tpu.memory_space<hbm>> -> memref<32xi32, #tpu.memory_space<hbm>>
      %dma_start3A_88 = arith.constant 0 : i32
      %dma_start3A_89 = tpu.memref_slice %arg8[%dma_start3A_88] : memref<128xi32, #tpu.memory_space<vmem>> -> memref<32xi32, #tpu.memory_space<vmem>>
      %dma_start3A_90 = tpu.memref_slice %arg4[%add3A_34] : memref<320000xi32, #tpu.memory_space<hbm>> -> memref<32xi32, #tpu.memory_space<hbm>>
      tpu.enqueue_dma source(%dma_start3A_90 : memref<32xi32, #tpu.memory_space<hbm>>) target(%dma_start3A_89 : memref<32xi32, #tpu.memory_space<vmem>>) target_semaphore(%run_scoped3A : memref<!tpu.dma_semaphore, #tpu.memory_space<semaphore_mem>>)
      %dma_wait3A_91 = arith.constant 0 : i32
      %dma_wait3A_92 = tpu.memref_slice %arg8[%dma_wait3A_91] : memref<128xi32, #tpu.memory_space<vmem>> -> memref<32xi32, #tpu.memory_space<vmem>>
      %dma_wait3A_93 = tpu.memref_slice %arg4[%add3A_34] : memref<320000xi32, #tpu.memory_space<hbm>> -> memref<32xi32, #tpu.memory_space<hbm>>
      %dma_wait3A_94 = arith.constant 0 : i32
      %dma_wait3A_95 = tpu.memref_slice %arg8[%dma_wait3A_94] : memref<128xi32, #tpu.memory_space<vmem>> -> memref<32xi32, #tpu.memory_space<vmem>>
      %dma_wait3A_96 = tpu.memref_slice %arg4[%add3A_34] : memref<320000xi32, #tpu.memory_space<hbm>> -> memref<32xi32, #tpu.memory_space<hbm>>
      tpu.wait_dma2 semaphore(%run_scoped3A : memref<!tpu.dma_semaphore, #tpu.memory_space<semaphore_mem>>) src(%dma_wait3A_96 : memref<32xi32, #tpu.memory_space<hbm>>) dst(%dma_wait3A_95 : memref<32xi32, #tpu.memory_space<vmem>>)
      tpu.yield
    }) : () -> ()
    %get3A = arith.constant 0 : index
    %get3A_35 = tpu.vector_load %arg8[%get3A] {strides = array<i32>} : memref<128xi32, #tpu.memory_space<vmem>>, vector<16xi32>,
    %get3A_36 = vector.shape_cast %get3A_35 : vector<16xi32> to vector<16xi32>
    %sub3A = vector.broadcast %mul3A_0 : i32 to vector<16xi32>
    %sub3A_37 = arith.subi %get3A_36, %sub3A : vector<16xi32>
    %ge3A = arith.constant 0 : i32
    %ge3A_38 = vector.broadcast %ge3A : i32 to vector<16xi32>
    %ge3A_39 = arith.cmpi sge, %sub3A_37, %ge3A_38 : vector<16xi32>
    %lt3A = arith.constant 5120 : i32
    %lt3A_40 = vector.broadcast %lt3A : i32 to vector<16xi32>
    %lt3A_41 = arith.cmpi slt, %sub3A_37, %lt3A_40 : vector<16xi32>
    %and3A = arith.andi %ge3A_39, %lt3A_41 : vector<16xi1>
    %add3A_42 = arith.constant 0 : i32
    %add3A_43 = arith.addi %add3A_3, %add3A_42 : i32
    %broadcast_in_dim3A = vector.broadcast %add3A_43 : i32 to vector<16xi32>
    %select_n3A = arith.select %and3A, %sub3A_37, %broadcast_in_dim3A : vector<16xi1>, vector<16xi32>
    %swap3A = arith.constant 0 : index
    %swap3A_44 = tpu.vector_load %arg12[%swap3A] {strides = array<i32>} : memref<32xi32, #tpu.memory_space<vmem>>, vector<16xi32>,
    %swap3A_45 = vector.shape_cast %swap3A_44 : vector<16xi32> to vector<16xi32>
    %swap3A_46 = vector.shape_cast %select_n3A : vector<16xi32> to vector<16xi32>
    tpu.vector_store %arg12[%swap3A], %swap3A_46 {strides = array<i32>} : memref<32xi32, #tpu.memory_space<vmem>>, vector<16xi32>,
    %get3A_47 = arith.constant 16 : index
    %get3A_48 = tpu.vector_load %arg8[%get3A_47] {strides = array<i32>} : memref<128xi32, #tpu.memory_space<vmem>>, vector<16xi32>,
    %get3A_49 = vector.shape_cast %get3A_48 : vector<16xi32> to vector<16xi32>
    %sub3A_50 = vector.broadcast %mul3A_0 : i32 to vector<16xi32>
    %sub3A_51 = arith.subi %get3A_49, %sub3A_50 : vector<16xi32>
    %ge3A_52 = arith.constant 0 : i32
    %ge3A_53 = vector.broadcast %ge3A_52 : i32 to vector<16xi32>
    %ge3A_54 = arith.cmpi sge, %sub3A_51, %ge3A_53 : vector<16xi32>
    %lt3A_55 = arith.constant 5120 : i32
    %lt3A_56 = vector.broadcast %lt3A_55 : i32 to vector<16xi32>
    %lt3A_57 = arith.cmpi slt, %sub3A_51, %lt3A_56 : vector<16xi32>
    %and3A_58 = arith.andi %ge3A_54, %lt3A_57 : vector<16xi1>
    %add3A_59 = arith.constant 1 : i32
    %add3A_60 = arith.addi %add3A_3, %add3A_59 : i32
    %broadcast_in_dim3A_61 = vector.broadcast %add3A_60 : i32 to vector<16xi32>
    %select_n3A_62 = arith.select %and3A_58, %sub3A_51, %broadcast_in_dim3A_61 : vector<16xi1>, vector<16xi32>
    %swap3A_63 = arith.constant 16 : index
    %swap3A_64 = tpu.vector_load %arg12[%swap3A_63] {strides = array<i32>} : memref<32xi32, #tpu.memory_space<vmem>>, vector<16xi32>,
    %swap3A_65 = vector.shape_cast %swap3A_64 : vector<16xi32> to vector<16xi32>
    %swap3A_66 = vector.shape_cast %select_n3A_62 : vector<16xi32> to vector<16xi32>
    tpu.vector_store %arg12[%swap3A_63], %swap3A_66 {strides = array<i32>} : memref<32xi32, #tpu.memory_space<vmem>>, vector<16xi32>,
    %dma_start3A_67 = arith.constant 0 : i32
    %dma_start3A_68 = arith.constant 0 : i32
    %dma_start3A_69 = tpu.memref_slice %arg13[%dma_start3A_67, %dma_start3A_68] : memref<128x128xf32, #tpu.memory_space<vmem>> -> memref<32x128xf32, #tpu.memory_space<vmem>>
    %dma_start3A_70 = arith.constant 0 : i32
    %dma_start3A_71 = tpu.memref_slice %arg6[%dma_start3A_70] : memref<128xi32, #tpu.memory_space<vmem>> -> memref<32xi32, #tpu.memory_space<vmem>>
    %dma_start3A_72 = arith.constant 0 : i32
    %dma_start3A_73 = arith.constant 0 : i32
    %dma_start3A_74 = tpu.memref_slice %arg2[%dma_start3A_72, %dma_start3A_73] : memref<10240x128xf32, #tpu.memory_space<hbm>> -> memref<10240x128xf32, #tpu.memory_space<hbm>>
    tpu.enqueue_indirect_dma source(%dma_start3A_74 : memref<10240x128xf32, #tpu.memory_space<hbm>>) target(%dma_start3A_69 : memref<32x128xf32, #tpu.memory_space<vmem>>) offsets(%dma_start3A_71 : memref<32xi32, #tpu.memory_space<vmem>>) semaphore(%arg19 : memref<!tpu.dma_semaphore, #tpu.memory_space<semaphore_mem>>)
    %dma_wait3A_75 = arith.constant 0 : i32
    %dma_wait3A_76 = arith.constant 0 : i32
    %dma_wait3A_77 = tpu.memref_slice %arg13[%dma_wait3A_75, %dma_wait3A_76] : memref<128x128xf32, #tpu.memory_space<vmem>> -> memref<32x128xf32, #tpu.memory_space<vmem>>
    %dma_wait3A_78 = arith.constant 0 : i32
    %dma_wait3A_79 = tpu.memref_slice %arg6[%dma_wait3A_78] : memref<128xi32, #tpu.memory_space<vmem>> -> memref<32xi32, #tpu.memory_space<vmem>>
    %dma_wait3A_80 = arith.constant 0 : i32
    %dma_wait3A_81 = arith.constant 0 : i32
    %dma_wait3A_82 = tpu.memref_slice %arg2[%dma_wait3A_80, %dma_wait3A_81] : memref<10240x128xf32, #tpu.memory_space<hbm>> -> memref<10240x128xf32, #tpu.memory_space<hbm>>
    tpu.wait_indirect_dma semaphore(%arg19 : memref<!tpu.dma_semaphore, #tpu.memory_space<semaphore_mem>>) src(%dma_wait3A_82 : memref<10240x128xf32, #tpu.memory_space<hbm>>) dst(%dma_wait3A_77 : memref<32x128xf32, #tpu.memory_space<vmem>>)
    "tpu.region"() ({
      %run_scoped3A = tpu.sem_alloc : memref<!tpu.dma_semaphore, #tpu.memory_space<semaphore_mem>>
      %dma_start3A_85 = arith.constant 0 : i32
      %dma_start3A_86 = arith.constant 0 : i32
      %dma_start3A_87 = tpu.memref_slice %arg13[%dma_start3A_85, %dma_start3A_86] : memref<128x128xf32, #tpu.memory_space<vmem>> -> memref<32x128xf32, #tpu.memory_space<vmem>>
      %dma_start3A_88 = arith.constant 0 : i32
      %dma_start3A_89 = arith.constant 0 : i32
      %dma_start3A_90 = tpu.memref_slice %arg16[%dma_start3A_88, %dma_start3A_89] : memref<5248x128xf32, #tpu.memory_space<vmem_shared>> -> memref<5248x128xf32, #tpu.memory_space<vmem_shared>>
      tpu.enqueue_indirect_dma source(%dma_start3A_87 : memref<32x128xf32, #tpu.memory_space<vmem>>) target(%dma_start3A_90 : memref<5248x128xf32, #tpu.memory_space<vmem_shared>>) offsets(%arg12 : memref<32xi32, #tpu.memory_space<vmem>>) semaphore(%run_scoped3A : memref<!tpu.dma_semaphore, #tpu.memory_space<semaphore_mem>>) {add = true}
      %dma_wait3A_91 = arith.constant 0 : i32
      %dma_wait3A_92 = arith.constant 0 : i32
      %dma_wait3A_93 = tpu.memref_slice %arg13[%dma_wait3A_91, %dma_wait3A_92] : memref<128x128xf32, #tpu.memory_space<vmem>> -> memref<32x128xf32, #tpu.memory_space<vmem>>
      %dma_wait3A_94 = arith.constant 0 : i32
      %dma_wait3A_95 = arith.constant 0 : i32
      %dma_wait3A_96 = tpu.memref_slice %arg16[%dma_wait3A_94, %dma_wait3A_95] : memref<5248x128xf32, #tpu.memory_space<vmem_shared>> -> memref<5248x128xf32, #tpu.memory_space<vmem_shared>>
      tpu.wait_indirect_dma semaphore(%run_scoped3A : memref<!tpu.dma_semaphore, #tpu.memory_space<semaphore_mem>>) src(%dma_wait3A_93 : memref<32x128xf32, #tpu.memory_space<vmem>>) dst(%dma_wait3A_96 : memref<5248x128xf32, #tpu.memory_space<vmem_shared>>)
      tpu.yield
    }) : () -> ()
    %barrier3A_83 = arith.constant 0 : index
    tpu.barrier barrier_id(%barrier3A_83)
    "tpu.region"() ({
      %run_scoped3A = tpu.sem_alloc : memref<!tpu.dma_semaphore, #tpu.memory_space<semaphore_mem>>
      %dma_start3A_85 = arith.constant 0 : i32
      %dma_start3A_86 = tpu.memref_slice %arg16[%mul3A_5, %dma_start3A_85] : memref<5248x128xf32, #tpu.memory_space<vmem_shared>> -> memref<320x128xf32, #tpu.memory_space<vmem_shared>>
      %dma_start3A_87 = arith.constant 0 : i32
      %dma_start3A_88 = tpu.memref_slice %arg16[%mul3A_5, %dma_start3A_87] : memref<5248x128xf32, #tpu.memory_space<vmem_shared>> -> memref<320x128xf32, #tpu.memory_space<vmem_shared>>
      tpu.enqueue_dma source(%dma_start3A_88 : memref<320x128xf32, #tpu.memory_space<vmem_shared>>) target(%arg15 : memref<320x128xf32, #tpu.memory_space<vmem>>) target_semaphore(%run_scoped3A : memref<!tpu.dma_semaphore, #tpu.memory_space<semaphore_mem>>)
      %dma_wait3A_89 = arith.constant 0 : i32
      %dma_wait3A_90 = tpu.memref_slice %arg16[%mul3A_5, %dma_wait3A_89] : memref<5248x128xf32, #tpu.memory_space<vmem_shared>> -> memref<320x128xf32, #tpu.memory_space<vmem_shared>>
      %dma_wait3A_91 = arith.constant 0 : i32
      %dma_wait3A_92 = tpu.memref_slice %arg16[%mul3A_5, %dma_wait3A_91] : memref<5248x128xf32, #tpu.memory_space<vmem_shared>> -> memref<320x128xf32, #tpu.memory_space<vmem_shared>>
      tpu.wait_dma2 semaphore(%run_scoped3A : memref<!tpu.dma_semaphore, #tpu.memory_space<semaphore_mem>>) src(%dma_wait3A_92 : memref<320x128xf32, #tpu.memory_space<vmem_shared>>) dst(%arg15 : memref<320x128xf32, #tpu.memory_space<vmem>>)
      tpu.yield
    }) : () -> ()
    %add3A_84 = arith.addi %mul3A_0, %mul3A_5 : i32
    "tpu.region"() ({
      %run_scoped3A = tpu.sem_alloc : memref<!tpu.dma_semaphore, #tpu.memory_space<semaphore_mem>>
      %dma_start3A_85 = arith.constant 0 : i32
      %dma_start3A_86 = tpu.memref_slice %arg5[%add3A_84, %dma_start3A_85] : memref<10240x128xf32, #tpu.memory_space<hbm>> -> memref<320x128xf32, #tpu.memory_space<hbm>>
      %dma_start3A_87 = arith.constant 0 : i32
      %dma_start3A_88 = tpu.memref_slice %arg5[%add3A_84, %dma_start3A_87] : memref<10240x128xf32, #tpu.memory_space<hbm>> -> memref<320x128xf32, #tpu.memory_space<hbm>>
      tpu.enqueue_dma source(%arg15 : memref<320x128xf32, #tpu.memory_space<vmem>>) target(%dma_start3A_88 : memref<320x128xf32, #tpu.memory_space<hbm>>) target_semaphore(%run_scoped3A : memref<!tpu.dma_semaphore, #tpu.memory_space<semaphore_mem>>)
      %dma_wait3A_89 = arith.constant 0 : i32
      %dma_wait3A_90 = tpu.memref_slice %arg5[%add3A_84, %dma_wait3A_89] : memref<10240x128xf32, #tpu.memory_space<hbm>> -> memref<320x128xf32, #tpu.memory_space<hbm>>
      %dma_wait3A_91 = arith.constant 0 : i32
      %dma_wait3A_92 = tpu.memref_slice %arg5[%add3A_84, %dma_wait3A_91] : memref<10240x128xf32, #tpu.memory_space<hbm>> -> memref<320x128xf32, #tpu.memory_space<hbm>>
      tpu.wait_dma2 semaphore(%run_scoped3A : memref<!tpu.dma_semaphore, #tpu.memory_space<semaphore_mem>>) src(%arg15 : memref<320x128xf32, #tpu.memory_space<vmem>>) dst(%dma_wait3A_92 : memref<320x128xf32, #tpu.memory_space<hbm>>)
      tpu.yield
    }) : () -> ()
    return
  }
}

module attributes {stable_mosaic.version = 14 : i64} {
  func.func @_deg_tc_body(%arg0: i32, %arg1: memref<1x1x3200xi32, #tpu.memory_space<vmem>>, %arg2: memref<100x100xf32, #tpu.memory_space<vmem>>) attributes {dimension_semantics = [#tpu.dimension_semantics<arbitrary>], iteration_bounds = array<i64: 100>, scalar_prefetch = 0 : i64, scratch_operands = 0 : i64, tpu.core_type = #tpu.core_type<tc>, window_params = [{transform_indices = @transform_0, window_bounds = array<i64: 1, 1, 3200>}, {pipeline_mode = #tpu.pipeline_mode<synchronous>, transform_indices = @transform_1, window_bounds = array<i64: 100, 100>}]} {
    %get3A = arith.constant 0 : index
    %get3A_0 = arith.constant 0 : index
    %get3A_1 = arith.constant 0 : index
    %get3A_2 = vector.load %arg1[%get3A, %get3A_0, %get3A_1] : memref<1x1x3200xi32, #tpu.memory_space<vmem>>, vector<1x1x3200xi32>
    %get3A_3 = vector.shape_cast %get3A_2 : vector<1x1x3200xi32> to vector<3200xi32>
    %mul3A = arith.constant 41944 : i32
    %mul3A_4 = vector.broadcast %mul3A : i32 to vector<3200xi32>
    %mul3A_5 = arith.muli %get3A_3, %mul3A_4 : vector<3200xi32>
    %shift_right_logical3A = arith.constant 22 : i32
    %shift_right_logical3A_6 = vector.broadcast %shift_right_logical3A : i32 to vector<3200xi32>
    %shift_right_logical3A_7 = arith.shrui %mul3A_5, %shift_right_logical3A_6 : vector<3200xi32>
    %mul3A_8 = arith.constant 100 : i32
    %mul3A_9 = vector.broadcast %mul3A_8 : i32 to vector<3200xi32>
    %mul3A_10 = arith.muli %shift_right_logical3A_7, %mul3A_9 : vector<3200xi32>
    %sub3A = arith.subi %get3A_3, %mul3A_10 : vector<3200xi32>
    %iota3A = tpu.iota {dimensions = array<i32: 1>} : vector<1x100xi32>
    %broadcast_in_dim3A = vector.shape_cast %shift_right_logical3A_7 : vector<3200xi32> to vector<3200x1xi32>
    %eq3A = vector.broadcast %broadcast_in_dim3A : vector<3200x1xi32> to vector<3200x100xi32>
    %eq3A_11 = vector.broadcast %iota3A : vector<1x100xi32> to vector<3200x100xi32>
    %eq3A_12 = arith.cmpi eq, %eq3A, %eq3A_11 : vector<3200x100xi32>
    %convert_element_type3A = arith.extui %eq3A_12 : vector<3200x100xi1> to vector<3200x100xi32>
    %convert_element_type3A_13 = arith.sitofp %convert_element_type3A : vector<3200x100xi32> to vector<3200x100xf32>
    %broadcast_in_dim3A_14 = vector.shape_cast %sub3A : vector<3200xi32> to vector<3200x1xi32>
    %eq3A_15 = vector.broadcast %broadcast_in_dim3A_14 : vector<3200x1xi32> to vector<3200x100xi32>
    %eq3A_16 = vector.broadcast %iota3A : vector<1x100xi32> to vector<3200x100xi32>
    %eq3A_17 = arith.cmpi eq, %eq3A_15, %eq3A_16 : vector<3200x100xi32>
    %convert_element_type3A_18 = arith.extui %eq3A_17 : vector<3200x100xi1> to vector<3200x100xi32>
    %convert_element_type3A_19 = arith.sitofp %convert_element_type3A_18 : vector<3200x100xi32> to vector<3200x100xf32>
    %dot_general3A = arith.constant dense<0.000000e+00> : vector<100x100xf32>
    %dot_general3A_20 = tpu.matmul %convert_element_type3A_13, %convert_element_type3A_19, %dot_general3A {dimension_numbers = #tpu.dot_dimension_numbers<[0], [0], [1], [1], [0, 1, 1, 1], [], []>, transpose_lhs_hint = false} : vector<3200x100xf32>, vector<3200x100xf32>, vector<100x100xf32> -> vector<100x100xf32>
    %eq3A_21 = arith.constant 0 : i32
    %eq3A_22 = arith.cmpi eq, %arg0, %eq3A_21 : i32
    %convert_element_type3A_23 = arith.extui %eq3A_22 : i1 to i32
    %cond3A = arith.constant 0 : i32
    %cond3A_24 = arith.cmpi ne, %convert_element_type3A_23, %cond3A : i32
    scf.if %cond3A_24 {
      %broadcast_in_dim3A_30 = arith.constant 0.000000e+00 : f32
      %broadcast_in_dim3A_31 = vector.broadcast %broadcast_in_dim3A_30 : f32 to vector<100x100xf32>
      %swap3A_32 = arith.constant 0 : index
      %swap3A_33 = arith.constant 0 : index
      %swap3A_34 = vector.load %arg2[%swap3A_32, %swap3A_33] : memref<100x100xf32, #tpu.memory_space<vmem>>, vector<100x100xf32>
      tpu.vector_store %arg2[%swap3A_32, %swap3A_33], %broadcast_in_dim3A_31 {strides = array<i32>} : memref<100x100xf32, #tpu.memory_space<vmem>>, vector<100x100xf32>,
    } else {
    }
    %get3A_25 = arith.constant 0 : index
    %get3A_26 = arith.constant 0 : index
    %get3A_27 = vector.load %arg2[%get3A_25, %get3A_26] : memref<100x100xf32, #tpu.memory_space<vmem>>, vector<100x100xf32>
    %add3A = arith.addf %get3A_27, %dot_general3A_20 : vector<100x100xf32>
    %swap3A = arith.constant 0 : index
    %swap3A_28 = arith.constant 0 : index
    %swap3A_29 = vector.load %arg2[%swap3A, %swap3A_28] : memref<100x100xf32, #tpu.memory_space<vmem>>, vector<100x100xf32>
    tpu.vector_store %arg2[%swap3A, %swap3A_28], %add3A {strides = array<i32>} : memref<100x100xf32, #tpu.memory_space<vmem>>, vector<100x100xf32>,
    return
  }
  func.func @transform_0(%arg0: i32) -> (i32, i32, i32) {
    %c0_i32 = arith.constant 0 : i32
    %c0_i32_0 = arith.constant 0 : i32
    %c0_i32_1 = arith.constant 0 : i32
    return %arg0, %c0_i32, %c0_i32_0 : i32, i32, i32
  }
  func.func @transform_1(%arg0: i32) -> (i32, i32) {
    %c0_i32 = arith.constant 0 : i32
    %c0_i32_0 = arith.constant 0 : i32
    %c0_i32_1 = arith.constant 0 : i32
    return %c0_i32, %c0_i32_0 : i32, i32
  }
}

module attributes {stable_mosaic.version = 14 : i64} {
  func.func @_tcA_body(%arg0: i32, %arg1: memref<1000x128xf32, #tpu.memory_space<vmem>>, %arg2: memref<128x128xf32, #tpu.memory_space<vmem>>, %arg3: memref<1000x1xf32, #tpu.memory_space<vmem>>, %arg4: memref<1000x128xf32, #tpu.memory_space<vmem>>, %arg5: memref<1000x8xf32, #tpu.memory_space<vmem>>) attributes {dimension_semantics = [#tpu.dimension_semantics<arbitrary>], iteration_bounds = array<i64: 10>, scalar_prefetch = 0 : i64, scratch_operands = 0 : i64, tpu.core_type = #tpu.core_type<tc>, window_params = [{transform_indices = @transform_0, window_bounds = array<i64: 1000, 128>}, {pipeline_mode = #tpu.pipeline_mode<synchronous>, transform_indices = @transform_1, window_bounds = array<i64: 128, 128>}, {transform_indices = @transform_2, window_bounds = array<i64: 1000, 1>}, {transform_indices = @transform_3, window_bounds = array<i64: 1000, 128>}, {transform_indices = @transform_4, window_bounds = array<i64: 1000, 8>}]} {
    %get3A = arith.constant 0 : index
    %get3A_0 = arith.constant 0 : index
    %get3A_1 = vector.load %arg3[%get3A, %get3A_0] : memref<1000x1xf32, #tpu.memory_space<vmem>>, vector<1000x1xf32>
    %add3A = arith.constant 1.000000e+00 : f32
    %add3A_2 = vector.broadcast %add3A : f32 to vector<1000x1xf32>
    %add3A_3 = arith.addf %get3A_1, %add3A_2 : vector<1000x1xf32>
    %rsqrt3A = math.rsqrt %add3A_3 : vector<1000x1xf32>
    %get3A_4 = arith.constant 0 : index
    %get3A_5 = arith.constant 0 : index
    %get3A_6 = vector.load %arg1[%get3A_4, %get3A_5] : memref<1000x128xf32, #tpu.memory_space<vmem>>, vector<1000x128xf32>
    %get3A_7 = arith.constant 0 : index
    %get3A_8 = arith.constant 0 : index
    %get3A_9 = vector.load %arg2[%get3A_7, %get3A_8] : memref<128x128xf32, #tpu.memory_space<vmem>>, vector<128x128xf32>
    %dot_general3A = arith.constant dense<0.000000e+00> : vector<1000x128xf32>
    %dot_general3A_10 = tpu.matmul %get3A_6, %get3A_9, %dot_general3A {dimension_numbers = #tpu.dot_dimension_numbers<[1], [0], [0], [1], [0, 0, 1, 1], [], []>, transpose_lhs_hint = false} : vector<1000x128xf32>, vector<128x128xf32>, vector<1000x128xf32> -> vector<1000x128xf32>
    %mul3A = vector.broadcast %rsqrt3A : vector<1000x1xf32> to vector<1000x128xf32>
    %mul3A_11 = arith.mulf %mul3A, %dot_general3A_10 : vector<1000x128xf32>
    %swap3A = arith.constant 0 : index
    %swap3A_12 = arith.constant 0 : index
    %swap3A_13 = vector.load %arg4[%swap3A, %swap3A_12] : memref<1000x128xf32, #tpu.memory_space<vmem>>, vector<1000x128xf32>
    tpu.vector_store %arg4[%swap3A, %swap3A_12], %mul3A_11 {strides = array<i32>} : memref<1000x128xf32, #tpu.memory_space<vmem>>, vector<1000x128xf32>,
    %broadcast_in_dim3A = vector.shape_cast %rsqrt3A : vector<1000x1xf32> to vector<1000x1xf32>
    %broadcast_in_dim3A_14 = vector.broadcast %broadcast_in_dim3A : vector<1000x1xf32> to vector<1000x8xf32>
    %swap3A_15 = arith.constant 0 : index
    %swap3A_16 = arith.constant 0 : index
    %swap3A_17 = vector.load %arg5[%swap3A_15, %swap3A_16] : memref<1000x8xf32, #tpu.memory_space<vmem>>, vector<1000x8xf32>
    tpu.vector_store %arg5[%swap3A_15, %swap3A_16], %broadcast_in_dim3A_14 {strides = array<i32>} : memref<1000x8xf32, #tpu.memory_space<vmem>>, vector<1000x8xf32>,
    return
  }
  func.func @transform_0(%arg0: i32) -> (i32, i32) {
    %c0_i32 = arith.constant 0 : i32
    %c0_i32_0 = arith.constant 0 : i32
    return %arg0, %c0_i32 : i32, i32
  }
  func.func @transform_1(%arg0: i32) -> (i32, i32) {
    %c0_i32 = arith.constant 0 : i32
    %c0_i32_0 = arith.constant 0 : i32
    %c0_i32_1 = arith.constant 0 : i32
    return %c0_i32, %c0_i32_0 : i32, i32
  }
  func.func @transform_2(%arg0: i32) -> (i32, i32) {
    %c0_i32 = arith.constant 0 : i32
    %c0_i32_0 = arith.constant 0 : i32
    return %arg0, %c0_i32 : i32, i32
  }
  func.func @transform_3(%arg0: i32) -> (i32, i32) {
    %c0_i32 = arith.constant 0 : i32
    %c0_i32_0 = arith.constant 0 : i32
    return %arg0, %c0_i32 : i32, i32
  }
  func.func @transform_4(%arg0: i32) -> (i32, i32) {
    %c0_i32 = arith.constant 0 : i32
    %c0_i32_0 = arith.constant 0 : i32
    return %arg0, %c0_i32 : i32, i32
  }
}

module attributes {stable_mosaic.version = 14 : i64} {
  func.func @_tcB_body(%arg0: i32, %arg1: memref<1000x128xf32, #tpu.memory_space<vmem>>, %arg2: memref<1000x8xf32, #tpu.memory_space<vmem>>, %arg3: memref<128xf32, #tpu.memory_space<vmem>>, %arg4: memref<128x128xf32, #tpu.memory_space<vmem>>, %arg5: memref<1000x128xf32, #tpu.memory_space<vmem>>) attributes {dimension_semantics = [#tpu.dimension_semantics<arbitrary>], iteration_bounds = array<i64: 10>, scalar_prefetch = 0 : i64, scratch_operands = 0 : i64, tpu.core_type = #tpu.core_type<tc>, window_params = [{transform_indices = @transform_0, window_bounds = array<i64: 1000, 128>}, {transform_indices = @transform_1, window_bounds = array<i64: 1000, 8>}, {pipeline_mode = #tpu.pipeline_mode<synchronous>, transform_indices = @transform_2, window_bounds = array<i64: 128>}, {pipeline_mode = #tpu.pipeline_mode<synchronous>, transform_indices = @transform_3, window_bounds = array<i64: 128, 128>}, {transform_indices = @transform_4, window_bounds = array<i64: 1000, 128>}]} {
    %get3A = arith.constant 0 : index
    %get3A_0 = arith.constant 0 : index
    %get3A_1 = vector.load %arg2[%get3A, %get3A_0] : memref<1000x8xf32, #tpu.memory_space<vmem>>, vector<1000x1xf32>
    %get3A_2 = arith.constant 0 : index
    %get3A_3 = arith.constant 0 : index
    %get3A_4 = vector.load %arg1[%get3A_2, %get3A_3] : memref<1000x128xf32, #tpu.memory_space<vmem>>, vector<1000x128xf32>
    %mul3A = vector.broadcast %get3A_1 : vector<1000x1xf32> to vector<1000x128xf32>
    %mul3A_5 = arith.mulf %mul3A, %get3A_4 : vector<1000x128xf32>
    %get3A_6 = arith.constant 0 : index
    %get3A_7 = vector.load %arg3[%get3A_6] : memref<128xf32, #tpu.memory_space<vmem>>, vector<128xf32>
    %broadcast_in_dim3A = vector.shape_cast %get3A_7 : vector<128xf32> to vector<1x128xf32>
    %add3A = vector.broadcast %broadcast_in_dim3A : vector<1x128xf32> to vector<1000x128xf32>
    %add3A_8 = arith.addf %mul3A_5, %add3A : vector<1000x128xf32>
    %max3A = arith.constant 0.000000e+00 : f32
    %max3A_9 = vector.broadcast %max3A : f32 to vector<1000x128xf32>
    %max3A_10 = arith.maximumf %add3A_8, %max3A_9 : vector<1000x128xf32>
    %get3A_11 = arith.constant 0 : index
    %get3A_12 = arith.constant 0 : index
    %get3A_13 = vector.load %arg4[%get3A_11, %get3A_12] : memref<128x128xf32, #tpu.memory_space<vmem>>, vector<128x128xf32>
    %dot_general3A = arith.constant dense<0.000000e+00> : vector<1000x128xf32>
    %dot_general3A_14 = tpu.matmul %max3A_10, %get3A_13, %dot_general3A {dimension_numbers = #tpu.dot_dimension_numbers<[1], [0], [0], [1], [0, 0, 1, 1], [], []>, transpose_lhs_hint = false} : vector<1000x128xf32>, vector<128x128xf32>, vector<1000x128xf32> -> vector<1000x128xf32>
    %mul3A_15 = vector.broadcast %get3A_1 : vector<1000x1xf32> to vector<1000x128xf32>
    %mul3A_16 = arith.mulf %mul3A_15, %dot_general3A_14 : vector<1000x128xf32>
    %swap3A = arith.constant 0 : index
    %swap3A_17 = arith.constant 0 : index
    %swap3A_18 = vector.load %arg5[%swap3A, %swap3A_17] : memref<1000x128xf32, #tpu.memory_space<vmem>>, vector<1000x128xf32>
    tpu.vector_store %arg5[%swap3A, %swap3A_17], %mul3A_16 {strides = array<i32>} : memref<1000x128xf32, #tpu.memory_space<vmem>>, vector<1000x128xf32>,
    return
  }
  func.func @transform_0(%arg0: i32) -> (i32, i32) {
    %c0_i32 = arith.constant 0 : i32
    %c0_i32_0 = arith.constant 0 : i32
    return %arg0, %c0_i32 : i32, i32
  }
  func.func @transform_1(%arg0: i32) -> (i32, i32) {
    %c0_i32 = arith.constant 0 : i32
    %c0_i32_0 = arith.constant 0 : i32
    return %arg0, %c0_i32 : i32, i32
  }
  func.func @transform_2(%arg0: i32) -> i32 {
    %c0_i32 = arith.constant 0 : i32
    %c0_i32_0 = arith.constant 0 : i32
    return %c0_i32 : i32
  }
  func.func @transform_3(%arg0: i32) -> (i32, i32) {
    %c0_i32 = arith.constant 0 : i32
    %c0_i32_0 = arith.constant 0 : i32
    %c0_i32_1 = arith.constant 0 : i32
    return %c0_i32, %c0_i32_0 : i32, i32
  }
  func.func @transform_4(%arg0: i32) -> (i32, i32) {
    %c0_i32 = arith.constant 0 : i32
    %c0_i32_0 = arith.constant 0 : i32
    return %arg0, %c0_i32 : i32, i32
  }
}

module attributes {stable_mosaic.version = 14 : i64} {
  func.func @_tcC_body(%arg0: i32, %arg1: memref<1000x128xf32, #tpu.memory_space<vmem>>, %arg2: memref<1000x8xf32, #tpu.memory_space<vmem>>, %arg3: memref<128xf32, #tpu.memory_space<vmem>>, %arg4: memref<1000x128xf32, #tpu.memory_space<vmem>>, %arg5: memref<1x1x1000xi32, #tpu.memory_space<vmem>>, %arg6: memref<256x1xf32, #tpu.memory_space<vmem>>, %arg7: memref<1xf32, #tpu.memory_space<vmem>>, %arg8: memref<128x40xf32, #tpu.memory_space<vmem>>, %arg9: memref<40xf32, #tpu.memory_space<vmem>>, %arg10: memref<1000x40xf32, #tpu.memory_space<vmem>>) attributes {dimension_semantics = [#tpu.dimension_semantics<arbitrary>], iteration_bounds = array<i64: 10>, scalar_prefetch = 0 : i64, scratch_operands = 0 : i64, tpu.core_type = #tpu.core_type<tc>, window_params = [{transform_indices = @transform_0, window_bounds = array<i64: 1000, 128>}, {transform_indices = @transform_1, window_bounds = array<i64: 1000, 8>}, {pipeline_mode = #tpu.pipeline_mode<synchronous>, transform_indices = @transform_2, window_bounds = array<i64: 128>}, {pipeline_mode = #tpu.pipeline_mode<synchronous>, transform_indices = @transform_3, window_bounds = array<i64: 1000, 128>}, {transform_indices = @transform_4, window_bounds = array<i64: 1, 1, 1000>}, {pipeline_mode = #tpu.pipeline_mode<synchronous>, transform_indices = @transform_5, window_bounds = array<i64: 256, 1>}, {pipeline_mode = #tpu.pipeline_mode<synchronous>, transform_indices = @transform_6, window_bounds = array<i64: 1>}, {pipeline_mode = #tpu.pipeline_mode<synchronous>, transform_indices = @transform_7, window_bounds = array<i64: 128, 40>}, {pipeline_mode = #tpu.pipeline_mode<synchronous>, transform_indices = @transform_8, window_bounds = array<i64: 40>}, {transform_indices = @transform_9, window_bounds = array<i64: 1000, 40>}]} {
    %get3A = arith.constant 0 : index
    %get3A_0 = arith.constant 0 : index
    %get3A_1 = vector.load %arg2[%get3A, %get3A_0] : memref<1000x8xf32, #tpu.memory_space<vmem>>, vector<1000x1xf32>
    %get3A_2 = arith.constant 0 : index
    %get3A_3 = arith.constant 0 : index
    %get3A_4 = vector.load %arg1[%get3A_2, %get3A_3] : memref<1000x128xf32, #tpu.memory_space<vmem>>, vector<1000x128xf32>
    %mul3A = vector.broadcast %get3A_1 : vector<1000x1xf32> to vector<1000x128xf32>
    %mul3A_5 = arith.mulf %mul3A, %get3A_4 : vector<1000x128xf32>
    %get3A_6 = arith.constant 0 : index
    %get3A_7 = vector.load %arg3[%get3A_6] : memref<128xf32, #tpu.memory_space<vmem>>, vector<128xf32>
    %broadcast_in_dim3A = vector.shape_cast %get3A_7 : vector<128xf32> to vector<1x128xf32>
    %add3A = vector.broadcast %broadcast_in_dim3A : vector<1x128xf32> to vector<1000x128xf32>
    %add3A_8 = arith.addf %mul3A_5, %add3A : vector<1000x128xf32>
    %max3A = arith.constant 0.000000e+00 : f32
    %max3A_9 = vector.broadcast %max3A : f32 to vector<1000x128xf32>
    %max3A_10 = arith.maximumf %add3A_8, %max3A_9 : vector<1000x128xf32>
    %get3A_11 = arith.constant 0 : index
    %get3A_12 = arith.constant 0 : index
    %get3A_13 = arith.constant 0 : index
    %get3A_14 = vector.load %arg5[%get3A_11, %get3A_12, %get3A_13] : memref<1x1x1000xi32, #tpu.memory_space<vmem>>, vector<1x1x1000xi32>
    %get3A_15 = vector.shape_cast %get3A_14 : vector<1x1x1000xi32> to vector<1000xi32>
    %broadcast_in_dim3A_16 = vector.shape_cast %get3A_15 : vector<1000xi32> to vector<1000x1xi32>
    %iota3A = tpu.iota {dimensions = array<i32: 1>} : vector<1x1000xi32>
    %eq3A = vector.broadcast %broadcast_in_dim3A_16 : vector<1000x1xi32> to vector<1000x1000xi32>
    %eq3A_17 = vector.broadcast %iota3A : vector<1x1000xi32> to vector<1000x1000xi32>
    %eq3A_18 = arith.cmpi eq, %eq3A, %eq3A_17 : vector<1000x1000xi32>
    %convert_element_type3A = arith.extui %eq3A_18 : vector<1000x1000xi1> to vector<1000x1000xi32>
    %convert_element_type3A_19 = arith.sitofp %convert_element_type3A : vector<1000x1000xi32> to vector<1000x1000xf32>
    %get3A_20 = arith.constant 0 : index
    %get3A_21 = arith.constant 0 : index
    %get3A_22 = vector.load %arg4[%get3A_20, %get3A_21] : memref<1000x128xf32, #tpu.memory_space<vmem>>, vector<1000x128xf32>
    %dot_general3A = arith.constant dense<0.000000e+00> : vector<1000x128xf32>
    %dot_general3A_23 = tpu.matmul %convert_element_type3A_19, %get3A_22, %dot_general3A {dimension_numbers = #tpu.dot_dimension_numbers<[1], [0], [0], [1], [0, 0, 1, 1], [], []>, transpose_lhs_hint = false} : vector<1000x1000xf32>, vector<1000x128xf32>, vector<1000x128xf32> -> vector<1000x128xf32>
    %get3A_24 = arith.constant 0 : index
    %get3A_25 = arith.constant 0 : index
    %get3A_26 = vector.load %arg6[%get3A_24, %get3A_25] : memref<256x1xf32, #tpu.memory_space<vmem>>, vector<128x1xf32>
    %dot_general3A_27 = arith.constant dense<0.000000e+00> : vector<1000x1xf32>
    %dot_general3A_28 = tpu.matmul %max3A_10, %get3A_26, %dot_general3A_27 {dimension_numbers = #tpu.dot_dimension_numbers<[1], [0], [0], [1], [0, 0, 1, 1], [], []>, transpose_lhs_hint = false} : vector<1000x128xf32>, vector<128x1xf32>, vector<1000x1xf32> -> vector<1000x1xf32>
    %get3A_29 = arith.constant 128 : index
    %get3A_30 = arith.constant 0 : index
    %get3A_31 = vector.load %arg6[%get3A_29, %get3A_30] : memref<256x1xf32, #tpu.memory_space<vmem>>, vector<128x1xf32>
    %dot_general3A_32 = arith.constant dense<0.000000e+00> : vector<1000x1xf32>
    %dot_general3A_33 = tpu.matmul %dot_general3A_23, %get3A_31, %dot_general3A_32 {dimension_numbers = #tpu.dot_dimension_numbers<[1], [0], [0], [1], [0, 0, 1, 1], [], []>, transpose_lhs_hint = false} : vector<1000x128xf32>, vector<128x1xf32>, vector<1000x1xf32> -> vector<1000x1xf32>
    %add3A_34 = arith.addf %dot_general3A_28, %dot_general3A_33 : vector<1000x1xf32>
    %get3A_35 = arith.constant 0 : index
    %get3A_36 = vector.load %arg7[%get3A_35] : memref<1xf32, #tpu.memory_space<vmem>>, vector<1xf32>
    %broadcast_in_dim3A_37 = vector.shape_cast %get3A_36 : vector<1xf32> to vector<1x1xf32>
    %add3A_38 = vector.broadcast %broadcast_in_dim3A_37 : vector<1x1xf32> to vector<1000x1xf32>
    %add3A_39 = arith.addf %add3A_34, %add3A_38 : vector<1000x1xf32>
    %logistic3A = arith.negf %add3A_39 : vector<1000x1xf32>
    %logistic3A_40 = math.exp %logistic3A : vector<1000x1xf32>
    %logistic3A_41 = arith.constant 1.000000e+00 : f32
    %logistic3A_42 = vector.broadcast %logistic3A_41 : f32 to vector<1000x1xf32>
    %logistic3A_43 = arith.addf %logistic3A_42, %logistic3A_40 : vector<1000x1xf32>
    %logistic3A_44 = arith.divf %logistic3A_42, %logistic3A_43 : vector<1000x1xf32>
    %mul3A_45 = vector.broadcast %logistic3A_44 : vector<1000x1xf32> to vector<1000x128xf32>
    %mul3A_46 = arith.mulf %mul3A_45, %max3A_10 : vector<1000x128xf32>
    %sub3A = arith.constant 1.000000e+00 : f32
    %sub3A_47 = vector.broadcast %sub3A : f32 to vector<1000x1xf32>
    %sub3A_48 = arith.subf %sub3A_47, %logistic3A_44 : vector<1000x1xf32>
    %mul3A_49 = vector.broadcast %sub3A_48 : vector<1000x1xf32> to vector<1000x128xf32>
    %mul3A_50 = arith.mulf %mul3A_49, %dot_general3A_23 : vector<1000x128xf32>
    %add3A_51 = arith.addf %mul3A_46, %mul3A_50 : vector<1000x128xf32>
    %get3A_52 = arith.constant 0 : index
    %get3A_53 = arith.constant 0 : index
    %get3A_54 = vector.load %arg8[%get3A_52, %get3A_53] : memref<128x40xf32, #tpu.memory_space<vmem>>, vector<128x40xf32>
    %dot_general3A_55 = arith.constant dense<0.000000e+00> : vector<1000x40xf32>
    %dot_general3A_56 = tpu.matmul %add3A_51, %get3A_54, %dot_general3A_55 {dimension_numbers = #tpu.dot_dimension_numbers<[1], [0], [0], [1], [0, 0, 1, 1], [], []>, transpose_lhs_hint = false} : vector<1000x128xf32>, vector<128x40xf32>, vector<1000x40xf32> -> vector<1000x40xf32>
    %get3A_57 = arith.constant 0 : index
    %get3A_58 = vector.load %arg9[%get3A_57] : memref<40xf32, #tpu.memory_space<vmem>>, vector<40xf32>
    %broadcast_in_dim3A_59 = vector.shape_cast %get3A_58 : vector<40xf32> to vector<1x40xf32>
    %add3A_60 = vector.broadcast %broadcast_in_dim3A_59 : vector<1x40xf32> to vector<1000x40xf32>
    %add3A_61 = arith.addf %dot_general3A_56, %add3A_60 : vector<1000x40xf32>
    %reduce_max3A = arith.constant dense<0xFF800000> : vector<1000xf32>
    %reduce_max3A_62 = vector.multi_reduction <maximumf>, %add3A_61, %reduce_max3A [1] : vector<1000x40xf32> to vector<1000xf32>
    %broadcast_in_dim3A_63 = vector.shape_cast %reduce_max3A_62 : vector<1000xf32> to vector<1000x1xf32>
    %sub3A_64 = vector.broadcast %broadcast_in_dim3A_63 : vector<1000x1xf32> to vector<1000x40xf32>
    %sub3A_65 = arith.subf %add3A_61, %sub3A_64 : vector<1000x40xf32>
    %exp3A = math.exp %sub3A_65 : vector<1000x40xf32>
    %reduce_sum3A = arith.constant dense<0.000000e+00> : vector<1000xf32>
    %reduce_sum3A_66 = vector.multi_reduction <add>, %exp3A, %reduce_sum3A [1] : vector<1000x40xf32> to vector<1000xf32>
    %broadcast_in_dim3A_67 = vector.shape_cast %reduce_sum3A_66 : vector<1000xf32> to vector<1000x1xf32>
    %log3A = math.log %broadcast_in_dim3A_67 : vector<1000x1xf32>
    %sub3A_68 = vector.broadcast %log3A : vector<1000x1xf32> to vector<1000x40xf32>
    %sub3A_69 = arith.subf %sub3A_65, %sub3A_68 : vector<1000x40xf32>
    %swap3A = arith.constant 0 : index
    %swap3A_70 = arith.constant 0 : index
    %swap3A_71 = vector.load %arg10[%swap3A, %swap3A_70] : memref<1000x40xf32, #tpu.memory_space<vmem>>, vector<1000x40xf32>
    tpu.vector_store %arg10[%swap3A, %swap3A_70], %sub3A_69 {strides = array<i32>} : memref<1000x40xf32, #tpu.memory_space<vmem>>, vector<1000x40xf32>,
    return
  }
  func.func @transform_0(%arg0: i32) -> (i32, i32) {
    %c0_i32 = arith.constant 0 : i32
    %c0_i32_0 = arith.constant 0 : i32
    return %arg0, %c0_i32 : i32, i32
  }
  func.func @transform_1(%arg0: i32) -> (i32, i32) {
    %c0_i32 = arith.constant 0 : i32
    %c0_i32_0 = arith.constant 0 : i32
    return %arg0, %c0_i32 : i32, i32
  }
  func.func @transform_2(%arg0: i32) -> i32 {
    %c0_i32 = arith.constant 0 : i32
    %c0_i32_0 = arith.constant 0 : i32
    return %c0_i32 : i32
  }
  func.func @transform_3(%arg0: i32) -> (i32, i32) {
    %c0_i32 = arith.constant 0 : i32
    %c0_i32_0 = arith.constant 0 : i32
    %c0_i32_1 = arith.constant 0 : i32
    return %c0_i32, %c0_i32_0 : i32, i32
  }
  func.func @transform_4(%arg0: i32) -> (i32, i32, i32) {
    %c0_i32 = arith.constant 0 : i32
    %c0_i32_0 = arith.constant 0 : i32
    %c0_i32_1 = arith.constant 0 : i32
    return %arg0, %c0_i32, %c0_i32_0 : i32, i32, i32
  }
  func.func @transform_5(%arg0: i32) -> (i32, i32) {
    %c0_i32 = arith.constant 0 : i32
    %c0_i32_0 = arith.constant 0 : i32
    %c0_i32_1 = arith.constant 0 : i32
    return %c0_i32, %c0_i32_0 : i32, i32
  }
  func.func @transform_6(%arg0: i32) -> i32 {
    %c0_i32 = arith.constant 0 : i32
    %c0_i32_0 = arith.constant 0 : i32
    return %c0_i32 : i32
  }
  func.func @transform_7(%arg0: i32) -> (i32, i32) {
    %c0_i32 = arith.constant 0 : i32
    %c0_i32_0 = arith.constant 0 : i32
    %c0_i32_1 = arith.constant 0 : i32
    return %c0_i32, %c0_i32_0 : i32, i32
  }
  func.func @transform_8(%arg0: i32) -> i32 {
    %c0_i32 = arith.constant 0 : i32
    %c0_i32_0 = arith.constant 0 : i32
    return %c0_i32 : i32
  }
  func.func @transform_9(%arg0: i32) -> (i32, i32) {
    %c0_i32 = arith.constant 0 : i32
    %c0_i32_0 = arith.constant 0 : i32
    return %arg0, %c0_i32 : i32, i32
  }
}

</mosaic_0001>

<sc_bundles>
// kernel: kernel.11.cloned.1.call-start
scs
__scs_entry_jumppad:
0x0: {  	(pc) =	sbr.rel $0x88, $3  }
0x1: {  	(tag) =	ssettag $0x0;
	lr =	simm.s32 $0x1  }
0x2: {  	[smem:$0x3F95] =	sst lr;
	_ =	strace $0xD0000000  }
0x3: {  	_ = 	snop  }
0x4: {  	_ = 	snop  }
0x5: {  	_ = 	snop  }
0x6: {  	_ = 	snop  }
0x7: {  	_ = 	snop  }
__scs_overlays_trampoline_lowered:
0x8: {  	[smem:$0x3FA4] =	sst s0  }
0x9: {  	[smem:$0x3FA5] =	sst s1  }
0xa: {  	[smem:$0x3FA6] =	sst s2  }
0xb: {  	[smem:$0x3FA7] =	sst s3  }
0xc: {  	[smem:$0x3FA8] =	sst s4  }
0xd: {  	[smem:$0x3FA9] =	sst s5  }
0xe: {  	[smem:$0x3FAA] =	sst s6  }
0xf: {  	[smem:$0x3FAB] =	sst s7  }
0x10: {  	[smem:$0x3FAC] =	sst s8  }
0x11: {  	[smem:$0x3FAD] =	sst s9;
	s0 =	simm.s32 @!p0 $0x0  }
0x12: {  	s1 =	sld [smem:$0x3F93];
	s0 =	simm.s32 @p0 $0x1  }
0x13: {  	[smem:$0x3FAE] =	sst s0;
	s0 =	simm.s32 @!p1 $0x0  }
0x14: {  	s2 =	sld [smem:$0x3F92];
	s0 =	simm.s32 @p1 $0x1  }
0x15: {  	[smem:$0x3FAF] =	sst s0;
	s0 =	simm.s32 @!p2 $0x0  }
0x16: {  	s3 =	sld [smem:$0x3FDB];
	s0 =	simm.s32 @p2 $0x1  }
0x17: {  	s4 =	simm.s32 $0x1BF5;
	[smem:$0x3FB1] =	sst s0  }
0x18: {  	s0 =	sld [smem:$0x3F94];
	_ =	swait.ge [sflag:s4], $0x0  }
0x19: {  	s7 =	sld [smem:$0x3F95]  }
0x1a: {  	s8 =	sadd.s32 $0xFFFFE003, lr  }
0x1b: {  	s9 =	sadd.s32 $0xFFFFFEF7, lr;
	s5 =	simm.s32 $0xFFFFFFFF;
	p2 =	slt.u32 s8, $0xFFFFF086  }
0x1c: {  	p1 =	slt.u32 s9, $0xF7A;
	s5 =	simm.s32 @!p2 $0x0  }
0x1d: {  	s5 =	simm.s32 @p1 $0x1;
	p0 =	seq.s32 s7, s2  }
0x1e: {  	s7 =	smul.u32 @!p0 $0xF7A, s2;
	p2 =	seq.s32 @!p0 s5, $0x0  }
0x1f: {  	s9 =	smul.u32 $0xF7A, s1;
	s8 =	simm.s32 @!p0 $0x1BF5;
	p2 =	por !p2, p0  }
0x20: {  	[sflag:s8] =	ssyncset.s32 @!p0 $0xFFFFF086;
	s6 =	sadd.s32 @!p0 s3, s7;
	s7 =	simm.s32 @!p0 $0x108  }
0x21: {  	s3 =	sadd.s32 s3, s9;
	s6 =	sadd.s32 @!p0 $0x88, s6;
	s7 =	simm.s32 @p2 $0x1082  }
0x22: {  	[simem:s7], [sflag:s8] =	dma.local @!p0 [hbm:s6], $0xF7A  }
0x23: {  	s9 =	sor.u32 $0xD0000000, s2;
	s6 =	simm.s32 $0x108;
	_ =	swait.ge @!p0 [sflag:s8], $0x0  }
0x24: {  	s3 =	sadd.s32 $0x88, s3;
	s6 =	simm.s32 @!p1 $0x1082;
	[sflag:s4] =	ssyncset.s32 $0xFFFFF086  }
0x25: {  	[simem:s6], [sflag:s4] =	dma.local [hbm:s3], $0xF7A  }
0x26: {  	[smem:$0x3F95] =	sst s1;
	(tag) =	ssettag s2;
	_ =	strace s9  }
0x27: {  	s1 =	sld [smem:$0x3FA5]  }
0x28: {  	s2 =	sld [smem:$0x3FA6]  }
0x29: {  	s4 =	sld [smem:$0x3FA8]  }
0x2a: {  	p0 =	seq.s32 s5, $0x0;
	s5 =	sld [smem:$0x3FA9]  }
0x2b: {  	s6 =	sld [smem:$0x3FAA]  }
0x2c: {  	s7 =	sld [smem:$0x3FAB]  }
0x2d: {  	s3 =	simm.s32 $0x108;
	s8 =	sld [smem:$0x3FAC]  }
0x2e: {  	s3 =	simm.s32 @!p0 $0x1082;
	s9 =	sld [smem:$0x3FAD]  }
0x2f: {  	lr =	sadd.s32 s0, s3;
	s0 =	sld [smem:$0x3FA4]  }
0x30: {  	s3 =	sld [smem:$0x3FA7]  }
0x31: {  	[smem:$0x3FB0] =	sst s10  }
0x32: {  	s10 =	sld [smem:$0x3FAE];
	_ =	sdelay $0x3  }
0x33: {  	p0 =	seq.s32 s10, $0x1;
	s10 =	sld [smem:$0x3FB0];
	_ =	sdelay $0x3  }
0x34: {  	[smem:$0x3FB0] =	sst s10  }
0x35: {  	s10 =	sld [smem:$0x3FAF];
	_ =	sdelay $0x3  }
0x36: {  	p1 =	seq.s32 s10, $0x1;
	s10 =	sld [smem:$0x3FB0];
	_ =	sdelay $0x3  }
0x37: {  	[smem:$0x3FB0] =	sst s10  }
0x38: {  	s10 =	sld [smem:$0x3FB1]  }
0x39: {  	_ = 	snop;
	(pc) =	sbr.ind lr, $3  }
0x3a: {  	_ = 	snop  }
0x3b: {  	_ = 	snop  }
0x3c: {  	p2 =	seq.s32 s10, $0x1;
	s10 =	sld [smem:$0x3FB0]  }
0x3d: {  	_ =	shalt  }
0x3e: {  	_ =	shalt  }
0x3f: {  	_ =	shalt  }
0x40: {  	_ =	shalt  }
0x41: {  	_ =	shalt  }
0x42: {  	_ =	shalt  }
0x43: {  	_ =	shalt  }
0x44: {  	_ =	shalt  }
0x45: {  	_ =	shalt  }
0x46: {  	_ =	shalt  }
0x47: {  	_ =	shalt  }
0x48: {  	_ =	shalt  }
0x49: {  	_ =	shalt  }
0x4a: {  	_ =	shalt  }
0x4b: {  	_ =	shalt  }
0x4c: {  	_ =	shalt  }
0x4d: {  	_ =	shalt  }
0x4e: {  	_ =	shalt  }
0x4f: {  	_ =	shalt  }
0x50: {  	_ =	shalt  }
0x51: {  	_ =	shalt  }
0x52: {  	_ =	shalt  }
0x53: {  	_ =	shalt  }
0x54: {  	_ =	shalt  }
0x55: {  	_ =	shalt  }
0x56: {  	_ =	shalt  }
0x57: {  	_ =	shalt  }
0x58: {  	_ =	shalt  }
0x59: {  	_ =	shalt  }
0x5a: {  	_ =	shalt  }
0x5b: {  	_ =	shalt  }
0x5c: {  	_ =	shalt  }
0x5d: {  	_ =	shalt  }
0x5e: {  	_ =	shalt  }
0x5f: {  	_ =	shalt  }
0x60: {  	_ =	shalt  }
0x61: {  	_ =	shalt  }
0x62: {  	_ =	shalt  }
0x63: {  	_ =	shalt  }
0x64: {  	_ =	shalt  }
0x65: {  	_ =	shalt  }
0x66: {  	_ =	shalt  }
0x67: {  	_ =	shalt  }
0x68: {  	_ =	shalt  }
0x69: {  	_ =	shalt  }
0x6a: {  	_ =	shalt  }
0x6b: {  	_ =	shalt  }
0x6c: {  	_ =	shalt  }
0x6d: {  	_ =	shalt  }
0x6e: {  	_ =	shalt  }
0x6f: {  	_ =	shalt  }
0x70: {  	_ =	shalt  }
0x71: {  	_ =	shalt  }
0x72: {  	_ =	shalt  }
0x73: {  	_ =	shalt  }
0x74: {  	_ =	shalt  }
0x75: {  	_ =	shalt  }
0x76: {  	_ =	shalt  }
0x77: {  	_ =	shalt  }
0x78: {  	_ =	shalt  }
0x79: {  	_ =	shalt  }
0x7a: {  	_ =	shalt  }
0x7b: {  	_ =	shalt  }
0x7c: {  	_ =	shalt  }
0x7d: {  	_ =	shalt  }
0x7e: {  	_ =	shalt  }
0x7f: {  	_ =	shalt  }
0x80: {  	_ =	shalt  }
0x81: {  	_ =	shalt  }
0x82: {  	_ =	shalt  }
0x83: {  	_ =	shalt  }
0x84: {  	_ =	shalt  }
0x85: {  	_ =	shalt  }
0x86: {  	_ =	shalt  }
0x87: {  	_ =	shalt  }
.Lfunc_end0:
.L_simem_size_0:
called_computation.1_lowered:
.L_overlay_start_0:
0x88: {  	s2 =	sld [smem:$0x3FD9]  }
0x89: {  	s3 =	sld [smem:$0x3FFE];
	_ =	sdelay $0x1  }
0x8a: {  	s1 =	srdreg.scid  }
0x8b: {  	s0 =	sand.u32 $0x1, s1  }
0x8c: {  	s17 =	sshll.u32 s0, $0xA;
	s2 =	sadd.s32 s3, s2  }
0x8d: {  	s2 =	sadd.s32 s2, s17  }
0x8e: {  	[smem:$0x3FBC] =	sst s2  }
0x8f: {  	_ = 	snop  }
0x90: {  	s2 =	sld [smem:$0x3FD0];
	(tm) =	ssettm $0x1  }
0x91: {  	s18 =	sld [smem:$0x3FFB];
	_ =	sdelay $0x3  }
0x92: {  	_ =	strace s18  }
0x93: {  	s3 =	sld [smem:$0x3FFC];
	_ =	sdelay $0x3  }
0x94: {  	_ =	strace s3  }
0x95: {  	s3 =	sld [smem:$0x3FFD];
	_ =	sdelay $0x3  }
0x96: {  	_ =	strace s3  }
0x97: {  	_ =	strace $0x8FFFFFFF  }
0x98: {  	s19 =	sld [smem:$0x3FDB];
	_ =	sdelay $0x1  }
0x99: {  	s4 =	simm.s32 $_scs_section_size  }
0x9a: {  	s5 =	simm.s32 $_size__tile_overlayer_lowered;
	s6 =	simm.s32 $_tile_overlayer_lowered  }
0x9b: {  	s22 =	simm.s32 $0x1BFF;
	s21 =	sshll.u32 s6, $0x1;
	s3 =	sadd.s32 s4, s19  }
0x9c: {  	s7 =	simm.s32 $0x0;
	s20 =	sshll.u32 s5, $0x1;
	s5 =	sadd.s32 s21, s3  }
0x9d: {  	[timem:s7], [sflag:s22] =	dma.local [hbm:s5], s20  }
0x9e: {  	_ =	swait.ge [sflag:s22], s20  }
0x9f: {  	s4 =	ssub.s32 $0x0, s20;
	[sflag:s22] =	ssyncset.done $0x0  }
0xa0: {  	[sflag:s22] =	ssyncadd.s32 s4;
	_ =	sdelay $0x1  }
0xa1: {  	s23 =	simm.s32 $0x1B8B  }
0xa2: {  	_ =	swait.ge [sflag:s23], $0x1  }
0xa3: {  	[sflag:s23] =	ssyncset.done $0x0  }
0xa4: {  	s25 =	simm.s32 $0x1B8E;
	s24 =	sld [smem:$0x3FFE];
	[sflag:s23] =	ssyncadd.s32 $0xFFFFFFFF  }
0xa5: {  	s26 =	simm.s32 $execute0_lowered;
	[smem:$0x3FD2] =	sst s25  }
0xa6: {  	s5 =	sshll.u32 s26, $0x1;
	_ =	strace $0x80000049;
	[dreg:$0x1] =	wrdreg $0xFFFFFFFF  }
0xa7: {  	s28 =	simm.s32 $_size_execute0_lowered;
	s3 =	sadd.s32 s3, s5;
	[dreg:$0x0] =	wrdreg $0x0  }
0xa8: {  	s5 =	sshll.u32 s28, $0x1;
	[dreg:$0x2] =	wrdreg s3  }
0xa9: {  	[dreg:$0x3] =	wrdreg s5  }
0xaa: {  	[dreg:$0x4] =	wrdreg $0xC0  }
0xab: {  	_ =	task [dreg:s7], $0x5FFFF  }
0xac: {  	[dreg:$0x1] =	wrdreg $0xFFFFFFFF  }
0xad: {  	[dreg:$0x0] =	wrdreg $0x60  }
0xae: {  	[dreg:$0x2] =	wrdreg s24  }
0xaf: {  	[dreg:$0x3] =	wrdreg s2  }
0xb0: {  	[dreg:$0x4] =	wrdreg $0x123800  }
0xb1: {  	[dreg:$0x5] =	wrdreg $0x9  }
0xb2: {  	_ =	task.clear_ibuf [dreg:s7], $0x6FFFF;
	_ =	strace $0x90000049  }
0xb3: {  	s29 =	simm.s32 $0x9;
	_ =	strace $0x8000004B  }
0xb4: {  	_ =	swait.ge [sflag:s29], $0x1  }
0xb5: {  	[sflag:s29] =	ssyncadd.s32 $0xFFFFFFFF  }
0xb6: {  	_ =	strace $0x9000004B  }
0xb7: {  	_ =	sfence  }
0xb8: {  	s30 =	sld [smem:$0x0];
	_ =	sdelay $0x2  }
0xb9: {  	s31 =	sshll.u32 s1, $0xD;
	s1 =	sshrl.u32 s1, $0x2  }
0xba: {  	s3 =	sand.u32 $0x4000, s31;
	s1 =	sadd.s32 s1, s30  }
0xbb: {  	s0 =	sor.u32 s3, s0;
	s1 =	sshll.u32 s1, $0x11  }
0xbc: {  	s0 =	sor.u32 s1, s0  }
0xbd: {  	s0 =	sadd.s32 $0x8F2B, s0  }
0xbe: {  	[sflag:s0] =	ssyncadd.remote.s32 $0x1  }
0xbf: {  	_ =	sfence.sel $0xFFFF  }
0xc0: {  	[dreg:$0x0] =	wrdreg $0xFFFFFFFF;
	(pc) =	sbr.abs _section_cstart, $3  }
0xc1: {  	[dreg:$0x1] =	wrdreg $0xFFFFFFFF  }
0xc2: {  	_ =	task.clear_ibuf [dreg:s7], $0x2FFFF;
	_ =	strace $0x9FFFFFFF  }
0xc3: {  	(tm) =	ssettm $0x7FFFFFFF  }
tec
execute0_lowered:
.L_overlay_start_1:
0x0: {  	(tag) =	ssettag $0x1  }
0x1: {  	s0 =	rddreg [dreg:$0x0]  }
0x2: {  	s1 =	rddreg [dreg:$0x1]  }
0x3: {  	s3 =	srdreg.scid;
	s12 =	stileid.u32  }
0x4: {  	s2 =	rddreg [dreg:$0x2];
	s4 =	smul.u32 $0x140, s12  }
0x5: {  	s17 =	simm.s32 $0x8380;
	s18 =	simm.s32 $0x5;
	s9 =	smul.u32 $0x28000, s12  }
0x6: {  	s19 =	simm.s32 $0x100;
	s5 =	sand.u32 $0x1, s3;
	s11 =	smul.u32 $0x4E20, s12  }
0x7: {  	s3 =	simm.s32 $0x0;
	s8 =	sadd.s32 $0x1E00, s0;
	s14 =	smul.u32 $0x9C4, s12  }
0x8: {  	s15 =	sshll.u32 s12, $0x3;
	s7 =	smul.u32 $0x1400, s5;
	[smem:$0x7FF] =	sst s3  }
0x9: {  	s5 =	ssub.s32 $0x2, s5;
	s23 =	sor.u32 $0x1400, s15;
	s28 =	sor.u32 $0x1402, s15  }
0xa: {  	s29 =	sor.u32 $0x1403, s15;
	s30 =	sor.u32 $0x1404, s15;
	s31 =	sor.u32 $0x1405, s15  }
0xb: {  	_ =	strace $0x8000004A;
	s10 =	sshrl.u32 s5, $0x1;
	s9 =	sshrl.u32 s9, $0x2  }
0xc: {  	s11 =	sshrl.u32 s11, $0x3;
	s13 =	sadd.s32 s14, s1;
	s14 =	sadd.s32 s14, s8  }
0xd: {  	v3 =	vmov s28;
	v4 =	vmov s29;
	v5 =	vmov s30;
	s28 =	simm.s32 $0x200;
	s29 =	simm.s32 $0x4;
	s30 =	simm.s32 $0x280  }
0xe: {  	v6 =	vmov s31;
	s31 =	simm.s32 $0x20;
	s6 =	sadd.s32 s4, s7;
	s4 =	sadd.s32 $0xBC00, s0  }
0xf: {  	s5 =	ssub.s32 s5, s10;
	s20 =	sadd.s32 s8, s11;
	s21 =	sadd.s32 s1, s11  }
0x10: {  	s22 =	sadd.s32 $0x10, s11;
	s26 =	sadd.s32 $0x9C0, s11;
	[dreg:$0x5] =	wrdreg s20  }
0x11: {  	s10 =	sor.u32 $0x1407, s15;
	s6 =	sshll.u32 s6, $0x4;
	[dreg:$0x6] =	wrdreg s21  }
0x12: {  	s24 =	sadd.s32 s8, s22;
	s25 =	sadd.s32 s1, s22;
	s11 =	sadd.s32 s8, s26  }
0x13: {  	s12 =	sadd.s32 s1, s26;
	s16 =	smax.u32 s5, $0x1;
	s20 =	simm.s32 $0x1  }
0x14: {  	s21 =	simm.s32 $0x80;
	s22 =	simm.s32 $0x380;
	s26 =	simm.s32 $0x3  }
0x15: {  	s1 =	simm.s32 $0x0;
	s0 =	sadd.s32 s6, s0;
	[dreg:$0x7] =	wrdreg s24  }
0x16: {  	s6 =	sadd.s32 s4, s6;
	[dreg:$0x8] =	wrdreg s25;
	s24 =	sor.u32 $0x1401, s15  }
0x17: {  	v1 =	vmov s23;
	v0 =	vmov s7;
	[dreg:$0x4] =	wrdreg s6;
	s6 =	sadd.s32 s9, s2;
	s9 =	sor.u32 $0x1406, s15  }
0x18: {  	v8 =	vmov s10;
	s25 =	simm.s32 $0x4380;
	s15 =	sadd.s32 $0x33C00, s0;
	v2 =	vmov s24;
	s24 =	simm.s32 $0x2;
	v7 =	vmov s9  }
.LBB2_1:
0x19: {  	s0 =	rddreg [dreg:$0x4]  }
0x1a: {  	[tilespmem:s17], [sflag:$0x5] =	stream.linear.gather [hbm4b:s0+s3], $0xA000, $0x38;
	[tilespmem:$0x1C780] =	vst v63  }
0x1b: {  	_ =	swait.ge [sflag:s18], $0xA000  }
0x1c: {  	[sflag:s18] =	ssyncset.done $0x0  }
0x1d: {  	[sflag:s18] =	ssyncadd.s32 $0xFFFF6000  }
0x1e: {  	[spmem:s6] =	stream.linear.scatter [tilespmem:s17], [sflag:$0x5], $0xA000, $0x38;
	[tilespmem:$0x1C780] =	vst v63  }
0x1f: {  	_ =	swait.ge [sflag:s18], $0xA000  }
0x20: {  	[sflag:s18] =	ssyncset.done $0x0  }
0x21: {  	[sflag:s18] =	ssyncadd.s32 $0xFFFF6000  }
0x22: {  	[bflag:$0x0] =	sbarrier.arrive $0xFFFF  }
0x23: {  	s8 =	rddreg [dreg:$0x5]  }
0x24: {  	[tilespmem:s3], [sflag:$0x1] =	stream.linear.gather [hbm4b:s8+s3], $0x80, $0x38;
	[tilespmem:$0x1C780] =	vst v63  }
0x25: {  	s9 =	rddreg [dreg:$0x6]  }
0x26: {  	[tilespmem:s19], [sflag:$0x1] =	stream.linear.gather [hbm4b:s9+s3], $0x80, $0x38;
	[tilespmem:$0x1C780] =	vst v63  }
0x27: {  	_ =	swait.ge [sflag:s20], $0x80  }
0x28: {  	[sflag:s20] =	ssyncset.done $0x0  }
0x29: {  	[sflag:s20] =	ssyncadd.s32 $0xFFFFFF80  }
0x2a: {  	_ =	swait.ge [sflag:s20], $0x80  }
0x2b: {  	[sflag:s20] =	ssyncset.done $0x0  }
0x2c: {  	[sflag:s20] =	ssyncadd.s32 $0xFFFFFF80  }
0x2d: {  	[tilespmem:s22], [sflag:$0x3] =	stream.indirect.gather [hbm4b:s4+s21], $0x80, s3, s21, $0xb8;
	[tilespmem:$0x1C780] =	vst v63  }
0x2e: {  	s10 =	rddreg [dreg:$0x7]  }
0x2f: {  	[tilespmem:s21], [sflag:$0x2] =	stream.linear.gather [hbm4b:s10+s3], $0x80, $0x38;
	[tilespmem:$0x1C780] =	vst v63  }
0x30: {  	s5 =	simm.s32 $0x180;
	s23 =	rddreg [dreg:$0x8]  }
0x31: {  	[tilespmem:s5], [sflag:$0x2] =	stream.linear.gather [hbm4b:s23+s3], $0x80, $0x38;
	[tilespmem:$0x1C780] =	vst v63  }
0x32: {  	_ =	swait.ge [sflag:s24], $0x80  }
0x33: {  	[sflag:s24] =	ssyncset.done $0x0  }
0x34: {  	[sflag:s24] =	ssyncadd.s32 $0xFFFFFF80  }
0x35: {  	_ =	swait.ge [sflag:s24], $0x80  }
0x36: {  	[sflag:s24] =	ssyncset.done $0x0  }
0x37: {  	[sflag:s24] =	ssyncadd.s32 $0xFFFFFF80  }
0x38: {  	[tilespmem:s25], [sflag:$0x4] =	stream.indirect.gather [hbm4b:s4+s21], $0x80, s21, s21, $0xb8;
	[tilespmem:$0x1C780] =	vst v63  }
0x39: {  	v9 =	vld [tilespmem:$0x150]  }
0x3a: {  	v10 =	vld [tilespmem:$0x160]  }
0x3b: {  	v11 =	vld [tilespmem:$0x170]  }
0x3c: {  	v12 =	vld [tilespmem:$0x110]  }
0x3d: {  	v13 =	vld [tilespmem:$0x120]  }
0x3e: {  	v14 =	vld [tilespmem:$0x140];
	v9 =	vsub.s32 v9, v0  }
0x3f: {  	v15 =	vld [tilespmem:$0x130];
	v10 =	vsub.s32 v10, v0;
	vm0 =	vlt.u32 v9, $0x1400  }
0x40: {  	v16 =	vld [tilespmem:$0x100];
	v11 =	vsub.s32 v11, v0;
	vm10 =	vlt.u32 v10, $0x1400;
	v9 =	vsel vm0, v9, v6  }
0x41: {  	v12 =	vsub.s32 v12, v0;
	vm11 =	vlt.u32 v11, $0x1400;
	[tilespmem:$0x250] =	vst v9;
	v9 =	vsel vm10, v10, v7  }
0x42: {  	vm1 =	vlt.u32 v12, $0x1400;
	v10 =	vsub.s32 v13, v0;
	[tilespmem:$0x260] =	vst v9;
	v9 =	vsel vm11, v11, v8  }
0x43: {  	v63 =	vsub.s32 v14, v0;
	v11 =	vsel vm1, v12, v2;
	vm12 =	vlt.u32 v10, $0x1400;
	[tilespmem:$0x270] =	vst v9  }
0x44: {  	vm13 =	vlt.u32 v63, $0x1400;
	[tilespmem:$0x210] =	vst v11;
	v9 =	vsel vm12, v10, v3;
	v10 =	vsub.s32 v15, v0  }
0x45: {  	v11 =	vsub.s32 v16, v0;
	[tilespmem:$0x220] =	vst v9;
	vm14 =	vlt.u32 v10, $0x1400;
	v9 =	vsel vm13, v63, v5  }
0x46: {  	vm15 =	vlt.u32 v11, $0x1400;
	v10 =	vsel vm14, v10, v4;
	[tilespmem:$0x240] =	vst v9  }
0x47: {  	v9 =	vsel vm15, v11, v1;
	[tilespmem:$0x230] =	vst v10  }
0x48: {  	[tilespmem:$0x200] =	vst v9  }
0x49: {  	_ =	swait.ge [sflag:s26], $0x4000  }
0x4a: {  	[sflag:s26] =	ssyncset.done $0x0  }
0x4b: {  	[sflag:s26] =	ssyncadd.s32 $0xFFFFC000  }
0x4c: {  	[spmem:s2] =	stream.indirect.scatter.add.f32 [tilespmem:s22], [sflag:$0x5], $0x80, s28, s21, $0xb8;
	[tilespmem:$0x1C780] =	vst v63  }
0x4d: {  	p1 =	por $0x0, $0x0;
	_ =	swait.ge [sflag:s18], $0x4000  }
0x4e: {  	s7 =	sadd.s32 @!p1 $0x0, s14;
	s0 =	sadd.s32 @!p1 $0x0, s13;
	[sflag:s18] =	ssyncset.done $0x0  }
0x4f: {  	s8 =	sadd.s32 @!p1 $0x20, s7;
	s5 =	simm.s32 @!p1 $0x0;
	[sflag:s18] =	ssyncadd.s32 $0xFFFFC000  }
0x50: {  	[tilespmem:s5], [sflag:$0x1] =	stream.linear.gather @!p1 [hbm4b:s8+s5], $0x80, $0x38;
	[tilespmem:$0x1C780] =	vst v63  }
0x51: {  	s23 =	simm.s32 @!p1 $0x100;
	s8 =	sadd.s32 @!p1 $0x20, s0  }
0x52: {  	[tilespmem:s23], [sflag:$0x1] =	stream.linear.gather @!p1 [hbm4b:s8+s5], $0x80, $0x38;
	[tilespmem:$0x1C780] =	vst v63  }
0x53: {  	s7 =	sadd.s32 @!p1 $0x30, s7;
	s23 =	simm.s32 $0x20  }
.LBB2_2:
0x54: {  	v9 =	vld [tilespmem:$0x1F0];
	s8 =	sadd.s32 @!p1 $0x30, s0;
	s0 =	smov.u32 s23;
	s23 =	sadd.s32 $0x20, s23  }
0x55: {  	p0 =	sne.s32 s23, $0x9C0;
	v10 =	vld [tilespmem:$0x1E0]  }
0x56: {  	v11 =	vld [tilespmem:$0x1D0]  }
0x57: {  	v12 =	vld [tilespmem:$0x1C0]  }
0x58: {  	v13 =	vld [tilespmem:$0x1B0]  }
0x59: {  	v14 =	vld [tilespmem:$0x1A0];
	v9 =	vsub.s32 v9, v0  }
0x5a: {  	v15 =	vld [tilespmem:$0x190];
	v10 =	vsub.s32 v10, v0;
	vm0 =	vlt.u32 v9, $0x1400  }
0x5b: {  	v16 =	vld [tilespmem:$0x180];
	v11 =	vsub.s32 v11, v0;
	vm1 =	vlt.u32 v10, $0x1400;
	v9 =	vsel vm0, v9, v8  }
0x5c: {  	v12 =	vsub.s32 v12, v0;
	vm0 =	vlt.u32 v11, $0x1400;
	v10 =	vsel vm1, v10, v7;
	[tilespmem:$0x2F0] =	vst v9  }
0x5d: {  	v9 =	vsub.s32 v13, v0;
	vm1 =	vlt.u32 v12, $0x1400;
	v11 =	vsel vm0, v11, v6;
	[tilespmem:$0x2E0] =	vst v10  }
0x5e: {  	v10 =	vsub.s32 v14, v0;
	vm0 =	vlt.u32 v9, $0x1400;
	v12 =	vsel vm1, v12, v5;
	[tilespmem:$0x2D0] =	vst v11  }
0x5f: {  	v11 =	vsub.s32 v15, v0;
	vm1 =	vlt.u32 v10, $0x1400;
	v9 =	vsel vm0, v9, v4;
	[tilespmem:$0x2C0] =	vst v12  }
0x60: {  	v12 =	vsub.s32 v16, v0;
	vm0 =	vlt.u32 v11, $0x1400;
	v10 =	vsel vm1, v10, v3;
	[tilespmem:$0x2B0] =	vst v9  }
0x61: {  	vm1 =	vlt.u32 v12, $0x1400;
	v9 =	vsel vm0, v11, v2;
	[tilespmem:$0x2A0] =	vst v10  }
0x62: {  	v10 =	vsel vm1, v12, v1;
	[tilespmem:$0x290] =	vst v9  }
0x63: {  	[tilespmem:$0x280] =	vst v10  }
0x64: {  	_ =	swait.ge [sflag:s29], $0x4000  }
0x65: {  	[sflag:s29] =	ssyncset.done $0x0  }
0x66: {  	s9 =	simm.s32 @!p1 $0x1;
	[sflag:s29] =	ssyncadd.s32 $0xFFFFC000  }
0x67: {  	_ =	swait.ge @!p1 [sflag:s9], $0x80  }
0x68: {  	[sflag:s9] =	ssyncset.done @!p1 $0x0  }
0x69: {  	[sflag:s9] =	ssyncadd.s32 @!p1 $0xFFFFFF80  }
0x6a: {  	_ =	swait.ge @!p1 [sflag:s9], $0x80  }
0x6b: {  	[sflag:s9] =	ssyncset.done @!p1 $0x0  }
0x6c: {  	s10 =	simm.s32 @!p1 $0x380;
	[sflag:s9] =	ssyncadd.s32 @!p1 $0xFFFFFF80;
	s9 =	simm.s32 @!p1 $0x80  }
0x6d: {  	[tilespmem:s10], [sflag:$0x3] =	stream.indirect.gather @!p1 [hbm4b:s4+s9], $0x80, s5, s9, $0xb8;
	[tilespmem:$0x1C780] =	vst v63  }
0x6e: {  	_ = 	snop  }
0x6f: {  	[tilespmem:s9], [sflag:$0x2] =	stream.linear.gather @!p1 [hbm4b:s7+s5], $0x80, $0x38;
	[tilespmem:$0x1C780] =	vst v63  }
0x70: {  	s7 =	simm.s32 @!p1 $0x180  }
0x71: {  	[tilespmem:s7], [sflag:$0x2] =	stream.linear.gather @!p1 [hbm4b:s8+s5], $0x80, $0x38;
	[tilespmem:$0x1C780] =	vst v63  }
0x72: {  	_ = 	snop  }
0x73: {  	[spmem:s2] =	stream.indirect.scatter.add.f32 [tilespmem:s25], [sflag:$0x5], $0x80, s30, s21, $0xb8;
	[tilespmem:$0x1C780] =	vst v63  }
0x74: {  	_ =	swait.ge [sflag:s18], $0x4000  }
0x75: {  	[sflag:s18] =	ssyncset.done $0x0  }
0x76: {  	[sflag:s18] =	ssyncadd.s32 $0xFFFFC000  }
0x77: {  	_ =	swait.ge [sflag:s24], $0x80  }
0x78: {  	[sflag:s24] =	ssyncset.done $0x0  }
0x79: {  	[sflag:s24] =	ssyncadd.s32 $0xFFFFFF80  }
0x7a: {  	_ =	swait.ge [sflag:s24], $0x80  }
0x7b: {  	[sflag:s24] =	ssyncset.done $0x0  }
0x7c: {  	[sflag:s24] =	ssyncadd.s32 $0xFFFFFF80  }
0x7d: {  	[tilespmem:s25], [sflag:$0x4] =	stream.indirect.gather [hbm4b:s4+s21], $0x80, s21, s21, $0xb8;
	[tilespmem:$0x1C780] =	vst v63  }
0x7e: {  	v9 =	vld [tilespmem:$0x150]  }
0x7f: {  	v10 =	vld [tilespmem:$0x160]  }
0x80: {  	v11 =	vld [tilespmem:$0x170]  }
0x81: {  	v12 =	vld [tilespmem:$0x110]  }
0x82: {  	v13 =	vld [tilespmem:$0x120]  }
0x83: {  	v14 =	vld [tilespmem:$0x140];
	v9 =	vsub.s32 v9, v0  }
0x84: {  	v15 =	vld [tilespmem:$0x130];
	vm0 =	vlt.u32 v9, $0x1400;
	v10 =	vsub.s32 v10, v0  }
0x85: {  	v16 =	vld [tilespmem:$0x100];
	v9 =	vsel vm0, v9, v6;
	vm0 =	vlt.u32 v10, $0x1400;
	v11 =	vsub.s32 v11, v0  }
0x86: {  	v12 =	vsub.s32 v12, v0;
	[tilespmem:$0x250] =	vst v9;
	v9 =	vsel vm0, v10, v7;
	vm0 =	vlt.u32 v11, $0x1400  }
0x87: {  	vm1 =	vlt.u32 v12, $0x1400;
	v10 =	vsub.s32 v13, v0;
	[tilespmem:$0x260] =	vst v9;
	v9 =	vsel vm0, v11, v8  }
0x88: {  	v11 =	vsel vm1, v12, v2;
	vm0 =	vlt.u32 v10, $0x1400;
	v12 =	vsub.s32 v14, v0;
	[tilespmem:$0x270] =	vst v9  }
0x89: {  	[tilespmem:$0x210] =	vst v11;
	v9 =	vsel vm0, v10, v3;
	v10 =	vsub.s32 v15, v0;
	vm0 =	vlt.u32 v12, $0x1400  }
0x8a: {  	v11 =	vsub.s32 v16, v0;
	[tilespmem:$0x220] =	vst v9;
	vm1 =	vlt.u32 v10, $0x1400;
	v9 =	vsel vm0, v12, v5  }
0x8b: {  	vm0 =	vlt.u32 v11, $0x1400;
	v10 =	vsel vm1, v10, v4;
	[tilespmem:$0x240] =	vst v9  }
0x8c: {  	v9 =	vsel vm0, v11, v1;
	[tilespmem:$0x230] =	vst v10  }
0x8d: {  	[tilespmem:$0x200] =	vst v9  }
0x8e: {  	_ =	swait.ge [sflag:s26], $0x4000  }
0x8f: {  	[sflag:s26] =	ssyncset.done $0x0  }
0x90: {  	p1 =	seq.s32 s0, $0x9A0;
	[sflag:s26] =	ssyncadd.s32 $0xFFFFC000  }
0x91: {  	[spmem:s2] =	stream.indirect.scatter.add.f32 [tilespmem:s22], [sflag:$0x5], $0x80, s28, s21, $0xb8;
	[tilespmem:$0x1C780] =	vst v63  }
0x92: {  	s7 =	sadd.s32 @!p1 s0, s14;
	_ =	swait.ge [sflag:s18], $0x4000  }
.Ltmp0:
0x93: {  	s0 =	sadd.s32 @!p1 s0, s13;
	[sflag:s18] =	ssyncset.done $0x0;
	(pc) =	sbr.rel @p0 .LBB2_2-.Ltmp0, $4  }
0x94: {  	s5 =	simm.s32 @!p1 $0x0;
	s8 =	sadd.s32 @!p1 $0x20, s7;
	[sflag:s18] =	ssyncadd.s32 $0xFFFFC000  }
0x95: {  	[tilespmem:s5], [sflag:$0x1] =	stream.linear.gather @!p1 [hbm4b:s8+s5], $0x80, $0x38;
	[tilespmem:$0x1C780] =	vst v63  }
0x96: {  	s9 =	simm.s32 @!p1 $0x100;
	s7 =	sadd.s32 @!p1 $0x30, s7;
	s8 =	sadd.s32 @!p1 $0x20, s0  }
0x97: {  	[tilespmem:s9], [sflag:$0x1] =	stream.linear.gather @!p1 [hbm4b:s8+s5], $0x80, $0x38;
	[tilespmem:$0x1C780] =	vst v63  }
0x98: {  	v9 =	vld [tilespmem:$0x1F0]  }
0x99: {  	v10 =	vld [tilespmem:$0x1E0]  }
0x9a: {  	v11 =	vld [tilespmem:$0x1D0]  }
0x9b: {  	v12 =	vld [tilespmem:$0x1C0]  }
0x9c: {  	v13 =	vld [tilespmem:$0x1B0]  }
0x9d: {  	v14 =	vld [tilespmem:$0x1A0];
	v9 =	vsub.s32 v9, v0  }
0x9e: {  	v15 =	vld [tilespmem:$0x190];
	v10 =	vsub.s32 v10, v0;
	vm0 =	vlt.u32 v9, $0x1400  }
0x9f: {  	v16 =	vld [tilespmem:$0x180];
	v11 =	vsub.s32 v11, v0;
	vm1 =	vlt.u32 v10, $0x1400;
	v9 =	vsel vm0, v9, v8  }
0xa0: {  	v12 =	vsub.s32 v12, v0;
	vm8 =	vlt.u32 v11, $0x1400;
	v10 =	vsel vm1, v10, v7;
	[tilespmem:$0x2F0] =	vst v9  }
0xa1: {  	vm9 =	vlt.u32 v12, $0x1400;
	v11 =	vsel vm8, v11, v6;
	v9 =	vsub.s32 v13, v0;
	[tilespmem:$0x2E0] =	vst v10  }
0xa2: {  	v12 =	vsel vm9, v12, v5;
	v10 =	vsub.s32 v14, v0;
	[tilespmem:$0x2D0] =	vst v11;
	vm10 =	vlt.u32 v9, $0x1400  }
0xa3: {  	v11 =	vsub.s32 v15, v0;
	[tilespmem:$0x2C0] =	vst v12;
	vm11 =	vlt.u32 v10, $0x1400;
	v9 =	vsel vm10, v9, v4  }
0xa4: {  	v63 =	vsub.s32 v16, v0;
	vm12 =	vlt.u32 v11, $0x1400;
	v10 =	vsel vm11, v10, v3;
	[tilespmem:$0x2B0] =	vst v9  }
0xa5: {  	vm13 =	vlt.u32 v63, $0x1400;
	v9 =	vsel vm12, v11, v2;
	[tilespmem:$0x2A0] =	vst v10  }
0xa6: {  	v10 =	vsel vm13, v63, v1;
	[tilespmem:$0x290] =	vst v9  }
0xa7: {  	[tilespmem:$0x280] =	vst v10  }
0xa8: {  	_ =	swait.ge [sflag:s29], $0x4000  }
0xa9: {  	[sflag:s29] =	ssyncset.done $0x0  }
0xaa: {  	s8 =	simm.s32 @!p1 $0x1;
	[sflag:s29] =	ssyncadd.s32 $0xFFFFC000  }
0xab: {  	_ =	swait.ge @!p1 [sflag:s8], $0x80  }
0xac: {  	[sflag:s8] =	ssyncset.done @!p1 $0x0  }
0xad: {  	[sflag:s8] =	ssyncadd.s32 @!p1 $0xFFFFFF80  }
0xae: {  	_ =	swait.ge @!p1 [sflag:s8], $0x80  }
0xaf: {  	[sflag:s8] =	ssyncset.done @!p1 $0x0  }
0xb0: {  	s9 =	simm.s32 @!p1 $0x380;
	[sflag:s8] =	ssyncadd.s32 @!p1 $0xFFFFFF80;
	s8 =	simm.s32 @!p1 $0x80  }
0xb1: {  	[tilespmem:s9], [sflag:$0x3] =	stream.indirect.gather @!p1 [hbm4b:s4+s8], $0x80, s5, s8, $0xb8;
	[tilespmem:$0x1C780] =	vst v63  }
0xb2: {  	_ = 	snop  }
0xb3: {  	[tilespmem:s8], [sflag:$0x2] =	stream.linear.gather @!p1 [hbm4b:s7+s5], $0x80, $0x38;
	[tilespmem:$0x1C780] =	vst v63  }
0xb4: {  	s0 =	sadd.s32 @!p1 $0x30, s0;
	s7 =	simm.s32 @!p1 $0x180  }
0xb5: {  	[tilespmem:s7], [sflag:$0x2] =	stream.linear.gather @!p1 [hbm4b:s0+s5], $0x80, $0x38;
	[tilespmem:$0x1C780] =	vst v63  }
0xb6: {  	_ = 	snop  }
0xb7: {  	[spmem:s2] =	stream.indirect.scatter.add.f32 [tilespmem:s25], [sflag:$0x5], $0x80, s30, s21, $0xb8;
	[tilespmem:$0x1C780] =	vst v63  }
0xb8: {  	_ =	swait.ge [sflag:s18], $0x4000  }
0xb9: {  	[sflag:s18] =	ssyncset.done $0x0  }
0xba: {  	[sflag:s18] =	ssyncadd.s32 $0xFFFFC000  }
0xbb: {  	[tilespmem:s3], [sflag:$0x5] =	stream.linear.gather [hbm4b:s11+s3], $0x20, $0x38;
	[tilespmem:$0x1C780] =	vst v63  }
0xbc: {  	_ =	swait.ge [sflag:s18], $0x20  }
0xbd: {  	[sflag:s18] =	ssyncset.done $0x0  }
0xbe: {  	[sflag:s18] =	ssyncadd.s32 $0xFFFFFFE0  }
0xbf: {  	[tilespmem:s19], [sflag:$0x5] =	stream.linear.gather [hbm4b:s12+s3], $0x20, $0x38;
	[tilespmem:$0x1C780] =	vst v63  }
0xc0: {  	_ =	swait.ge [sflag:s18], $0x20  }
0xc1: {  	[sflag:s18] =	ssyncset.done $0x0  }
0xc2: {  	[sflag:s18] =	ssyncadd.s32 $0xFFFFFFE0  }
0xc3: {  	v9 =	vld [tilespmem:$0x100]  }
0xc4: {  	v10 =	vld [tilespmem:$0x110];
	_ =	sdelay $0x3  }
0xc5: {  	v9 =	vsub.s32 v9, v0  }
0xc6: {  	v10 =	vsub.s32 v10, v0;
	vm14 =	vlt.u32 v9, $0x1400  }
0xc7: {  	vm15 =	vlt.u32 v10, $0x1400;
	v9 =	vsel vm14, v9, v1  }
0xc8: {  	[tilespmem:$0x300] =	vst v9;
	v9 =	vsel vm15, v10, v2  }
0xc9: {  	[tilespmem:$0x310] =	vst v9  }
0xca: {  	[tilespmem:s22], [sflag:$0x3] =	stream.indirect.gather [hbm4b:s4+s31], $0x80, s3, s31, $0xb8;
	[tilespmem:$0x1C780] =	vst v63  }
0xcb: {  	_ =	swait.ge [sflag:s26], $0x1000  }
0xcc: {  	[sflag:s26] =	ssyncset.done $0x0  }
0xcd: {  	s23 =	simm.s32 $0x300;
	[sflag:s26] =	ssyncadd.s32 $0xFFFFF000  }
0xce: {  	[spmem:s2] =	stream.indirect.scatter.add.f32 [tilespmem:s22], [sflag:$0x5], $0x80, s23, s31, $0xb8;
	[tilespmem:$0x1C780] =	vst v63  }
0xcf: {  	_ =	swait.ge [sflag:s18], $0x1000  }
0xd0: {  	[sflag:s18] =	ssyncset.done $0x0  }
0xd1: {  	[sflag:s18] =	ssyncadd.s32 $0xFFFFF000  }
0xd2: {  	[bflag:$0x0] =	sbarrier.arrive $0xFFFF  }
0xd3: {  	[tilespmem:s17], [sflag:$0x5] =	stream.linear.gather [spmem:s6], $0xA000, $0x38;
	[tilespmem:$0x1C780] =	vst v63  }
0xd4: {  	s1 =	sadd.s32 $0x1, s1;
	_ =	swait.ge [sflag:s18], $0xA000  }
0xd5: {  	p0 =	sne.s32 s1, s16;
	[sflag:s18] =	ssyncset.done $0x0  }
.Ltmp1:
0xd6: {  	[sflag:s18] =	ssyncadd.s32 $0xFFFF6000;
	(pc) =	sbr.rel @p0 .LBB2_1-.Ltmp1, $4  }
0xd7: {  	[hbm4b:s15+s3] =	stream.linear.scatter [tilespmem:s17], [sflag:$0x5], $0xA000, $0x38;
	[tilespmem:$0x1C780] =	vst v63  }
0xd8: {  	_ =	swait.ge [sflag:s18], $0xA000  }
0xd9: {  	[sflag:s18] =	ssyncset.done $0x0  }
0xda: {  	[sflag:s18] =	ssyncadd.s32 $0xFFFF6000  }
0xdb: {  	_ =	sfence.sel $0x180000  }
0xdc: {  	[bflag:$0x0] =	sbarrier.arrive $0xFFFF  }
0xdd: {  	_ =	strace $0x9000004A  }
0xde: {  	s0 =	stileid.u32;
	[bflag:$0x2] =	sbarrier.arrive $0xFFFF  }
0xdf: {  	p0 =	sne.s32 s0, $0x0;
	s0 =	rddreg [dreg:$0x3]  }
0xe0: {  	s0 =	sadd.s32 @!p0 $0x100000, s0  }
0xe1: {  	[sflag:s0] =	ssyncadd.tile.s32 @!p0 $0x1;
	_ =	shalt  }
.Lfunc_end2:
_tile_overlayer_lowered:
.L_overlay_start_2:
0xe2: {  	(tag) =	ssettag $0x2  }
0xe3: {  	s0 =	rddreg [dreg:$0x0];
	s2 =	stileid.u32  }
0xe4: {  	s1 =	rddreg [dreg:$0x1];
	p0 =	sne.s32 s2, $0x0  }
0xe5: {  	s3 =	rddreg [dreg:$0x2];
	[bflag:$0x3] =	sbarrier.arrive $0xFFFF;
	s2 =	simm.s32 @!p0 $0x1C05  }
0xe6: {  	[timem:s3], [sflag:s2] =	dma.local @!p0 [hbm:s0], s1  }
0xe7: {  	s0 =	simm.s32 @!p0 $0x5  }
0xe8: {  	_ =	swait.ge @!p0 [sflag:s0], s1  }
0xe9: {  	s1 =	ssub.s32 @!p0 $0x0, s1;
	[sflag:s0] =	ssyncset.done @!p0 $0x0  }
0xea: {  	[sflag:s0] =	ssyncadd.s32 @!p0 s1  }
0xeb: {  	[bflag:$0x3] =	sbarrier.arrive $0xFFFF  }
0xec: {  	_ =	shalt  }

// kernel: kernel.8.cloned.1.call-start
scs
__scs_entry_jumppad:
0x0: {  	(pc) =	sbr.rel $0x88, $3  }
0x1: {  	(tag) =	ssettag $0x0;
	lr =	simm.s32 $0x1  }
0x2: {  	[smem:$0x3F95] =	sst lr;
	_ =	strace $0xD0000000  }
0x3: {  	_ = 	snop  }
0x4: {  	_ = 	snop  }
0x5: {  	_ = 	snop  }
0x6: {  	_ = 	snop  }
0x7: {  	_ = 	snop  }
__scs_overlays_trampoline_lowered:
0x8: {  	[smem:$0x3FA4] =	sst s0  }
0x9: {  	[smem:$0x3FA5] =	sst s1  }
0xa: {  	[smem:$0x3FA6] =	sst s2  }
0xb: {  	[smem:$0x3FA7] =	sst s3  }
0xc: {  	[smem:$0x3FA8] =	sst s4  }
0xd: {  	[smem:$0x3FA9] =	sst s5  }
0xe: {  	[smem:$0x3FAA] =	sst s6  }
0xf: {  	[smem:$0x3FAB] =	sst s7  }
0x10: {  	[smem:$0x3FAC] =	sst s8  }
0x11: {  	[smem:$0x3FAD] =	sst s9;
	s0 =	simm.s32 @!p0 $0x0  }
0x12: {  	s1 =	sld [smem:$0x3F93];
	s0 =	simm.s32 @p0 $0x1  }
0x13: {  	[smem:$0x3FAE] =	sst s0;
	s0 =	simm.s32 @!p1 $0x0  }
0x14: {  	s2 =	sld [smem:$0x3F92];
	s0 =	simm.s32 @p1 $0x1  }
0x15: {  	[smem:$0x3FAF] =	sst s0;
	s0 =	simm.s32 @!p2 $0x0  }
0x16: {  	s3 =	sld [smem:$0x3FDB];
	s0 =	simm.s32 @p2 $0x1  }
0x17: {  	s4 =	simm.s32 $0x1BF5;
	[smem:$0x3FB1] =	sst s0  }
0x18: {  	s0 =	sld [smem:$0x3F94];
	_ =	swait.ge [sflag:s4], $0x0  }
0x19: {  	s7 =	sld [smem:$0x3F95]  }
0x1a: {  	s8 =	sadd.s32 $0xFFFFE003, lr  }
0x1b: {  	s9 =	sadd.s32 $0xFFFFFEF7, lr;
	s5 =	simm.s32 $0xFFFFFFFF;
	p2 =	slt.u32 s8, $0xFFFFF086  }
0x1c: {  	p1 =	slt.u32 s9, $0xF7A;
	s5 =	simm.s32 @!p2 $0x0  }
0x1d: {  	s5 =	simm.s32 @p1 $0x1;
	p0 =	seq.s32 s7, s2  }
0x1e: {  	s7 =	smul.u32 @!p0 $0xF7A, s2;
	p2 =	seq.s32 @!p0 s5, $0x0  }
0x1f: {  	s9 =	smul.u32 $0xF7A, s1;
	s8 =	simm.s32 @!p0 $0x1BF5;
	p2 =	por !p2, p0  }
0x20: {  	[sflag:s8] =	ssyncset.s32 @!p0 $0xFFFFF086;
	s6 =	sadd.s32 @!p0 s3, s7;
	s7 =	simm.s32 @!p0 $0x108  }
0x21: {  	s3 =	sadd.s32 s3, s9;
	s6 =	sadd.s32 @!p0 $0x88, s6;
	s7 =	simm.s32 @p2 $0x1082  }
0x22: {  	[simem:s7], [sflag:s8] =	dma.local @!p0 [hbm:s6], $0xF7A  }
0x23: {  	s9 =	sor.u32 $0xD0000000, s2;
	s6 =	simm.s32 $0x108;
	_ =	swait.ge @!p0 [sflag:s8], $0x0  }
0x24: {  	s3 =	sadd.s32 $0x88, s3;
	s6 =	simm.s32 @!p1 $0x1082;
	[sflag:s4] =	ssyncset.s32 $0xFFFFF086  }
0x25: {  	[simem:s6], [sflag:s4] =	dma.local [hbm:s3], $0xF7A  }
0x26: {  	[smem:$0x3F95] =	sst s1;
	(tag) =	ssettag s2;
	_ =	strace s9  }
0x27: {  	s1 =	sld [smem:$0x3FA5]  }
0x28: {  	s2 =	sld [smem:$0x3FA6]  }
0x29: {  	s4 =	sld [smem:$0x3FA8]  }
0x2a: {  	p0 =	seq.s32 s5, $0x0;
	s5 =	sld [smem:$0x3FA9]  }
0x2b: {  	s6 =	sld [smem:$0x3FAA]  }
0x2c: {  	s7 =	sld [smem:$0x3FAB]  }
0x2d: {  	s3 =	simm.s32 $0x108;
	s8 =	sld [smem:$0x3FAC]  }
0x2e: {  	s3 =	simm.s32 @!p0 $0x1082;
	s9 =	sld [smem:$0x3FAD]  }
0x2f: {  	lr =	sadd.s32 s0, s3;
	s0 =	sld [smem:$0x3FA4]  }
0x30: {  	s3 =	sld [smem:$0x3FA7]  }
0x31: {  	[smem:$0x3FB0] =	sst s10  }
0x32: {  	s10 =	sld [smem:$0x3FAE];
	_ =	sdelay $0x3  }
0x33: {  	p0 =	seq.s32 s10, $0x1;
	s10 =	sld [smem:$0x3FB0];
	_ =	sdelay $0x3  }
0x34: {  	[smem:$0x3FB0] =	sst s10  }
0x35: {  	s10 =	sld [smem:$0x3FAF];
	_ =	sdelay $0x3  }
0x36: {  	p1 =	seq.s32 s10, $0x1;
	s10 =	sld [smem:$0x3FB0];
	_ =	sdelay $0x3  }
0x37: {  	[smem:$0x3FB0] =	sst s10  }
0x38: {  	s10 =	sld [smem:$0x3FB1]  }
0x39: {  	_ = 	snop;
	(pc) =	sbr.ind lr, $3  }
0x3a: {  	_ = 	snop  }
0x3b: {  	_ = 	snop  }
0x3c: {  	p2 =	seq.s32 s10, $0x1;
	s10 =	sld [smem:$0x3FB0]  }
0x3d: {  	_ =	shalt  }
0x3e: {  	_ =	shalt  }
0x3f: {  	_ =	shalt  }
0x40: {  	_ =	shalt  }
0x41: {  	_ =	shalt  }
0x42: {  	_ =	shalt  }
0x43: {  	_ =	shalt  }
0x44: {  	_ =	shalt  }
0x45: {  	_ =	shalt  }
0x46: {  	_ =	shalt  }
0x47: {  	_ =	shalt  }
0x48: {  	_ =	shalt  }
0x49: {  	_ =	shalt  }
0x4a: {  	_ =	shalt  }
0x4b: {  	_ =	shalt  }
0x4c: {  	_ =	shalt  }
0x4d: {  	_ =	shalt  }
0x4e: {  	_ =	shalt  }
0x4f: {  	_ =	shalt  }
0x50: {  	_ =	shalt  }
0x51: {  	_ =	shalt  }
0x52: {  	_ =	shalt  }
0x53: {  	_ =	shalt  }
0x54: {  	_ =	shalt  }
0x55: {  	_ =	shalt  }
0x56: {  	_ =	shalt  }
0x57: {  	_ =	shalt  }
0x58: {  	_ =	shalt  }
0x59: {  	_ =	shalt  }
0x5a: {  	_ =	shalt  }
0x5b: {  	_ =	shalt  }
0x5c: {  	_ =	shalt  }
0x5d: {  	_ =	shalt  }
0x5e: {  	_ =	shalt  }
0x5f: {  	_ =	shalt  }
0x60: {  	_ =	shalt  }
0x61: {  	_ =	shalt  }
0x62: {  	_ =	shalt  }
0x63: {  	_ =	shalt  }
0x64: {  	_ =	shalt  }
0x65: {  	_ =	shalt  }
0x66: {  	_ =	shalt  }
0x67: {  	_ =	shalt  }
0x68: {  	_ =	shalt  }
0x69: {  	_ =	shalt  }
0x6a: {  	_ =	shalt  }
0x6b: {  	_ =	shalt  }
0x6c: {  	_ =	shalt  }
0x6d: {  	_ =	shalt  }
0x6e: {  	_ =	shalt  }
0x6f: {  	_ =	shalt  }
0x70: {  	_ =	shalt  }
0x71: {  	_ =	shalt  }
0x72: {  	_ =	shalt  }
0x73: {  	_ =	shalt  }
0x74: {  	_ =	shalt  }
0x75: {  	_ =	shalt  }
0x76: {  	_ =	shalt  }
0x77: {  	_ =	shalt  }
0x78: {  	_ =	shalt  }
0x79: {  	_ =	shalt  }
0x7a: {  	_ =	shalt  }
0x7b: {  	_ =	shalt  }
0x7c: {  	_ =	shalt  }
0x7d: {  	_ =	shalt  }
0x7e: {  	_ =	shalt  }
0x7f: {  	_ =	shalt  }
0x80: {  	_ =	shalt  }
0x81: {  	_ =	shalt  }
0x82: {  	_ =	shalt  }
0x83: {  	_ =	shalt  }
0x84: {  	_ =	shalt  }
0x85: {  	_ =	shalt  }
0x86: {  	_ =	shalt  }
0x87: {  	_ =	shalt  }
.Lfunc_end0:
.L_simem_size_0:
called_computation_lowered:
.L_overlay_start_0:
0x88: {  	s2 =	sld [smem:$0x3FD9]  }
0x89: {  	s3 =	sld [smem:$0x3FFE];
	_ =	sdelay $0x1  }
0x8a: {  	s1 =	srdreg.scid  }
0x8b: {  	s0 =	sand.u32 $0x1, s1  }
0x8c: {  	s17 =	sshll.u32 s0, $0xA;
	s2 =	sadd.s32 s3, s2  }
0x8d: {  	s2 =	sadd.s32 s2, s17  }
0x8e: {  	[smem:$0x3FBC] =	sst s2  }
0x8f: {  	_ = 	snop  }
0x90: {  	s2 =	sld [smem:$0x3FD0];
	(tm) =	ssettm $0x1  }
0x91: {  	s18 =	sld [smem:$0x3FFB];
	_ =	sdelay $0x3  }
0x92: {  	_ =	strace s18  }
0x93: {  	s3 =	sld [smem:$0x3FFC];
	_ =	sdelay $0x3  }
0x94: {  	_ =	strace s3  }
0x95: {  	s3 =	sld [smem:$0x3FFD];
	_ =	sdelay $0x3  }
0x96: {  	_ =	strace s3  }
0x97: {  	_ =	strace $0x8FFFFFFF  }
0x98: {  	s19 =	sld [smem:$0x3FDB];
	_ =	sdelay $0x1  }
0x99: {  	s4 =	simm.s32 $_scs_section_size  }
0x9a: {  	s5 =	simm.s32 $_size__tile_overlayer_lowered;
	s6 =	simm.s32 $_tile_overlayer_lowered  }
0x9b: {  	s22 =	simm.s32 $0x1BFF;
	s21 =	sshll.u32 s6, $0x1;
	s3 =	sadd.s32 s4, s19  }
0x9c: {  	s7 =	simm.s32 $0x0;
	s20 =	sshll.u32 s5, $0x1;
	s5 =	sadd.s32 s21, s3  }
0x9d: {  	[timem:s7], [sflag:s22] =	dma.local [hbm:s5], s20  }
0x9e: {  	_ =	swait.ge [sflag:s22], s20  }
0x9f: {  	s4 =	ssub.s32 $0x0, s20;
	[sflag:s22] =	ssyncset.done $0x0  }
0xa0: {  	[sflag:s22] =	ssyncadd.s32 s4;
	_ =	sdelay $0x1  }
0xa1: {  	s23 =	simm.s32 $0x1B8B  }
0xa2: {  	_ =	swait.ge [sflag:s23], $0x1  }
0xa3: {  	[sflag:s23] =	ssyncset.done $0x0  }
0xa4: {  	s25 =	simm.s32 $0x1B8E;
	s24 =	sld [smem:$0x3FFE];
	[sflag:s23] =	ssyncadd.s32 $0xFFFFFFFF  }
0xa5: {  	s26 =	simm.s32 $execute0_lowered;
	[smem:$0x3FD2] =	sst s25  }
0xa6: {  	s5 =	sshll.u32 s26, $0x1;
	_ =	strace $0x80000046;
	[dreg:$0x1] =	wrdreg $0xFFFFFFFF  }
0xa7: {  	s28 =	simm.s32 $_size_execute0_lowered;
	s3 =	sadd.s32 s3, s5;
	[dreg:$0x0] =	wrdreg $0x0  }
0xa8: {  	s5 =	sshll.u32 s28, $0x1;
	[dreg:$0x2] =	wrdreg s3  }
0xa9: {  	[dreg:$0x3] =	wrdreg s5  }
0xaa: {  	[dreg:$0x4] =	wrdreg $0xC0  }
0xab: {  	_ =	task [dreg:s7], $0x5FFFF  }
0xac: {  	[dreg:$0x1] =	wrdreg $0xFFFFFFFF  }
0xad: {  	[dreg:$0x0] =	wrdreg $0x60  }
0xae: {  	[dreg:$0x2] =	wrdreg s24  }
0xaf: {  	[dreg:$0x3] =	wrdreg s2  }
0xb0: {  	[dreg:$0x4] =	wrdreg $0x123800  }
0xb1: {  	[dreg:$0x5] =	wrdreg $0x9  }
0xb2: {  	_ =	task.clear_ibuf [dreg:s7], $0x6FFFF;
	_ =	strace $0x90000046  }
0xb3: {  	s29 =	simm.s32 $0x9;
	_ =	strace $0x80000048  }
0xb4: {  	_ =	swait.ge [sflag:s29], $0x1  }
0xb5: {  	[sflag:s29] =	ssyncadd.s32 $0xFFFFFFFF  }
0xb6: {  	_ =	strace $0x90000048  }
0xb7: {  	_ =	sfence  }
0xb8: {  	s30 =	sld [smem:$0x0];
	_ =	sdelay $0x2  }
0xb9: {  	s31 =	sshll.u32 s1, $0xD;
	s1 =	sshrl.u32 s1, $0x2  }
0xba: {  	s3 =	sand.u32 $0x4000, s31;
	s1 =	sadd.s32 s1, s30  }
0xbb: {  	s0 =	sor.u32 s3, s0;
	s1 =	sshll.u32 s1, $0x11  }
0xbc: {  	s0 =	sor.u32 s1, s0  }
0xbd: {  	s0 =	sadd.s32 $0x8F2B, s0  }
0xbe: {  	[sflag:s0] =	ssyncadd.remote.s32 $0x1  }
0xbf: {  	_ =	sfence.sel $0xFFFF  }
0xc0: {  	[dreg:$0x0] =	wrdreg $0xFFFFFFFF;
	(pc) =	sbr.abs _section_cstart, $3  }
0xc1: {  	[dreg:$0x1] =	wrdreg $0xFFFFFFFF  }
0xc2: {  	_ =	task.clear_ibuf [dreg:s7], $0x2FFFF;
	_ =	strace $0x9FFFFFFF  }
0xc3: {  	(tm) =	ssettm $0x7FFFFFFF  }
tec
execute0_lowered:
.L_overlay_start_1:
0x0: {  	(tag) =	ssettag $0x1  }
0x1: {  	s0 =	rddreg [dreg:$0x0]  }
0x2: {  	s1 =	rddreg [dreg:$0x1]  }
0x3: {  	s3 =	srdreg.scid;
	s12 =	stileid.u32  }
0x4: {  	s2 =	rddreg [dreg:$0x2];
	s4 =	smul.u32 $0x140, s12  }
0x5: {  	s17 =	simm.s32 $0x8380;
	s18 =	simm.s32 $0x5;
	s9 =	smul.u32 $0x28000, s12  }
0x6: {  	s19 =	simm.s32 $0x100;
	s5 =	sand.u32 $0x1, s3;
	s11 =	smul.u32 $0x4E20, s12  }
0x7: {  	s3 =	simm.s32 $0x0;
	s8 =	sadd.s32 $0x1E00, s0;
	s14 =	smul.u32 $0x9C4, s12  }
0x8: {  	s15 =	sshll.u32 s12, $0x3;
	s7 =	smul.u32 $0x1400, s5;
	[smem:$0x7FF] =	sst s3  }
0x9: {  	s5 =	ssub.s32 $0x2, s5;
	s23 =	sor.u32 $0x1400, s15;
	s28 =	sor.u32 $0x1402, s15  }
0xa: {  	s29 =	sor.u32 $0x1403, s15;
	s30 =	sor.u32 $0x1404, s15;
	s31 =	sor.u32 $0x1405, s15  }
0xb: {  	_ =	strace $0x80000047;
	s10 =	sshrl.u32 s5, $0x1;
	s9 =	sshrl.u32 s9, $0x2  }
0xc: {  	s11 =	sshrl.u32 s11, $0x3;
	s13 =	sadd.s32 s14, s1;
	s14 =	sadd.s32 s14, s8  }
0xd: {  	v3 =	vmov s28;
	v4 =	vmov s29;
	v5 =	vmov s30;
	s28 =	simm.s32 $0x200;
	s29 =	simm.s32 $0x4;
	s30 =	simm.s32 $0x280  }
0xe: {  	v6 =	vmov s31;
	s31 =	simm.s32 $0x20;
	s6 =	sadd.s32 s4, s7;
	s4 =	sadd.s32 $0xBC00, s0  }
0xf: {  	s5 =	ssub.s32 s5, s10;
	s20 =	sadd.s32 s8, s11;
	s21 =	sadd.s32 s1, s11  }
0x10: {  	s22 =	sadd.s32 $0x10, s11;
	s26 =	sadd.s32 $0x9C0, s11;
	[dreg:$0x5] =	wrdreg s20  }
0x11: {  	s10 =	sor.u32 $0x1407, s15;
	s6 =	sshll.u32 s6, $0x4;
	[dreg:$0x6] =	wrdreg s21  }
0x12: {  	s24 =	sadd.s32 s8, s22;
	s25 =	sadd.s32 s1, s22;
	s11 =	sadd.s32 s8, s26  }
0x13: {  	s12 =	sadd.s32 s1, s26;
	s16 =	smax.u32 s5, $0x1;
	s20 =	simm.s32 $0x1  }
0x14: {  	s21 =	simm.s32 $0x80;
	s22 =	simm.s32 $0x380;
	s26 =	simm.s32 $0x3  }
0x15: {  	s1 =	simm.s32 $0x0;
	s0 =	sadd.s32 s6, s0;
	[dreg:$0x7] =	wrdreg s24  }
0x16: {  	s6 =	sadd.s32 s4, s6;
	[dreg:$0x8] =	wrdreg s25;
	s24 =	sor.u32 $0x1401, s15  }
0x17: {  	v1 =	vmov s23;
	v0 =	vmov s7;
	[dreg:$0x4] =	wrdreg s6;
	s6 =	sadd.s32 s9, s2;
	s9 =	sor.u32 $0x1406, s15  }
0x18: {  	v8 =	vmov s10;
	s25 =	simm.s32 $0x4380;
	s15 =	sadd.s32 $0x33C00, s0;
	v2 =	vmov s24;
	s24 =	simm.s32 $0x2;
	v7 =	vmov s9  }
.LBB2_1:
0x19: {  	s0 =	rddreg [dreg:$0x4]  }
0x1a: {  	[tilespmem:s17], [sflag:$0x5] =	stream.linear.gather [hbm4b:s0+s3], $0xA000, $0x38;
	[tilespmem:$0x1C780] =	vst v63  }
0x1b: {  	_ =	swait.ge [sflag:s18], $0xA000  }
0x1c: {  	[sflag:s18] =	ssyncset.done $0x0  }
0x1d: {  	[sflag:s18] =	ssyncadd.s32 $0xFFFF6000  }
0x1e: {  	[spmem:s6] =	stream.linear.scatter [tilespmem:s17], [sflag:$0x5], $0xA000, $0x38;
	[tilespmem:$0x1C780] =	vst v63  }
0x1f: {  	_ =	swait.ge [sflag:s18], $0xA000  }
0x20: {  	[sflag:s18] =	ssyncset.done $0x0  }
0x21: {  	[sflag:s18] =	ssyncadd.s32 $0xFFFF6000  }
0x22: {  	[bflag:$0x0] =	sbarrier.arrive $0xFFFF  }
0x23: {  	s8 =	rddreg [dreg:$0x5]  }
0x24: {  	[tilespmem:s3], [sflag:$0x1] =	stream.linear.gather [hbm4b:s8+s3], $0x80, $0x38;
	[tilespmem:$0x1C780] =	vst v63  }
0x25: {  	s9 =	rddreg [dreg:$0x6]  }
0x26: {  	[tilespmem:s19], [sflag:$0x1] =	stream.linear.gather [hbm4b:s9+s3], $0x80, $0x38;
	[tilespmem:$0x1C780] =	vst v63  }
0x27: {  	_ =	swait.ge [sflag:s20], $0x80  }
0x28: {  	[sflag:s20] =	ssyncset.done $0x0  }
0x29: {  	[sflag:s20] =	ssyncadd.s32 $0xFFFFFF80  }
0x2a: {  	_ =	swait.ge [sflag:s20], $0x80  }
0x2b: {  	[sflag:s20] =	ssyncset.done $0x0  }
0x2c: {  	[sflag:s20] =	ssyncadd.s32 $0xFFFFFF80  }
0x2d: {  	[tilespmem:s22], [sflag:$0x3] =	stream.indirect.gather [hbm4b:s4+s21], $0x80, s3, s21, $0xb8;
	[tilespmem:$0x1C780] =	vst v63  }
0x2e: {  	s10 =	rddreg [dreg:$0x7]  }
0x2f: {  	[tilespmem:s21], [sflag:$0x2] =	stream.linear.gather [hbm4b:s10+s3], $0x80, $0x38;
	[tilespmem:$0x1C780] =	vst v63  }
0x30: {  	s5 =	simm.s32 $0x180;
	s23 =	rddreg [dreg:$0x8]  }
0x31: {  	[tilespmem:s5], [sflag:$0x2] =	stream.linear.gather [hbm4b:s23+s3], $0x80, $0x38;
	[tilespmem:$0x1C780] =	vst v63  }
0x32: {  	_ =	swait.ge [sflag:s24], $0x80  }
0x33: {  	[sflag:s24] =	ssyncset.done $0x0  }
0x34: {  	[sflag:s24] =	ssyncadd.s32 $0xFFFFFF80  }
0x35: {  	_ =	swait.ge [sflag:s24], $0x80  }
0x36: {  	[sflag:s24] =	ssyncset.done $0x0  }
0x37: {  	[sflag:s24] =	ssyncadd.s32 $0xFFFFFF80  }
0x38: {  	[tilespmem:s25], [sflag:$0x4] =	stream.indirect.gather [hbm4b:s4+s21], $0x80, s21, s21, $0xb8;
	[tilespmem:$0x1C780] =	vst v63  }
0x39: {  	v9 =	vld [tilespmem:$0x150]  }
0x3a: {  	v10 =	vld [tilespmem:$0x160]  }
0x3b: {  	v11 =	vld [tilespmem:$0x170]  }
0x3c: {  	v12 =	vld [tilespmem:$0x110]  }
0x3d: {  	v13 =	vld [tilespmem:$0x120]  }
0x3e: {  	v14 =	vld [tilespmem:$0x140];
	v9 =	vsub.s32 v9, v0  }
0x3f: {  	v15 =	vld [tilespmem:$0x130];
	v10 =	vsub.s32 v10, v0;
	vm0 =	vlt.u32 v9, $0x1400  }
0x40: {  	v16 =	vld [tilespmem:$0x100];
	v11 =	vsub.s32 v11, v0;
	vm10 =	vlt.u32 v10, $0x1400;
	v9 =	vsel vm0, v9, v6  }
0x41: {  	v12 =	vsub.s32 v12, v0;
	vm11 =	vlt.u32 v11, $0x1400;
	[tilespmem:$0x250] =	vst v9;
	v9 =	vsel vm10, v10, v7  }
0x42: {  	vm1 =	vlt.u32 v12, $0x1400;
	v10 =	vsub.s32 v13, v0;
	[tilespmem:$0x260] =	vst v9;
	v9 =	vsel vm11, v11, v8  }
0x43: {  	v63 =	vsub.s32 v14, v0;
	v11 =	vsel vm1, v12, v2;
	vm12 =	vlt.u32 v10, $0x1400;
	[tilespmem:$0x270] =	vst v9  }
0x44: {  	vm13 =	vlt.u32 v63, $0x1400;
	[tilespmem:$0x210] =	vst v11;
	v9 =	vsel vm12, v10, v3;
	v10 =	vsub.s32 v15, v0  }
0x45: {  	v11 =	vsub.s32 v16, v0;
	[tilespmem:$0x220] =	vst v9;
	vm14 =	vlt.u32 v10, $0x1400;
	v9 =	vsel vm13, v63, v5  }
0x46: {  	vm15 =	vlt.u32 v11, $0x1400;
	v10 =	vsel vm14, v10, v4;
	[tilespmem:$0x240] =	vst v9  }
0x47: {  	v9 =	vsel vm15, v11, v1;
	[tilespmem:$0x230] =	vst v10  }
0x48: {  	[tilespmem:$0x200] =	vst v9  }
0x49: {  	_ =	swait.ge [sflag:s26], $0x4000  }
0x4a: {  	[sflag:s26] =	ssyncset.done $0x0  }
0x4b: {  	[sflag:s26] =	ssyncadd.s32 $0xFFFFC000  }
0x4c: {  	[spmem:s2] =	stream.indirect.scatter.add.f32 [tilespmem:s22], [sflag:$0x5], $0x80, s28, s21, $0xb8;
	[tilespmem:$0x1C780] =	vst v63  }
0x4d: {  	p1 =	por $0x0, $0x0;
	_ =	swait.ge [sflag:s18], $0x4000  }
0x4e: {  	s7 =	sadd.s32 @!p1 $0x0, s14;
	s0 =	sadd.s32 @!p1 $0x0, s13;
	[sflag:s18] =	ssyncset.done $0x0  }
0x4f: {  	s8 =	sadd.s32 @!p1 $0x20, s7;
	s5 =	simm.s32 @!p1 $0x0;
	[sflag:s18] =	ssyncadd.s32 $0xFFFFC000  }
0x50: {  	[tilespmem:s5], [sflag:$0x1] =	stream.linear.gather @!p1 [hbm4b:s8+s5], $0x80, $0x38;
	[tilespmem:$0x1C780] =	vst v63  }
0x51: {  	s23 =	simm.s32 @!p1 $0x100;
	s8 =	sadd.s32 @!p1 $0x20, s0  }
0x52: {  	[tilespmem:s23], [sflag:$0x1] =	stream.linear.gather @!p1 [hbm4b:s8+s5], $0x80, $0x38;
	[tilespmem:$0x1C780] =	vst v63  }
0x53: {  	s7 =	sadd.s32 @!p1 $0x30, s7;
	s23 =	simm.s32 $0x20  }
.LBB2_2:
0x54: {  	v9 =	vld [tilespmem:$0x1F0];
	s8 =	sadd.s32 @!p1 $0x30, s0;
	s0 =	smov.u32 s23;
	s23 =	sadd.s32 $0x20, s23  }
0x55: {  	p0 =	sne.s32 s23, $0x9C0;
	v10 =	vld [tilespmem:$0x1E0]  }
0x56: {  	v11 =	vld [tilespmem:$0x1D0]  }
0x57: {  	v12 =	vld [tilespmem:$0x1C0]  }
0x58: {  	v13 =	vld [tilespmem:$0x1B0]  }
0x59: {  	v14 =	vld [tilespmem:$0x1A0];
	v9 =	vsub.s32 v9, v0  }
0x5a: {  	v15 =	vld [tilespmem:$0x190];
	v10 =	vsub.s32 v10, v0;
	vm0 =	vlt.u32 v9, $0x1400  }
0x5b: {  	v16 =	vld [tilespmem:$0x180];
	v11 =	vsub.s32 v11, v0;
	vm1 =	vlt.u32 v10, $0x1400;
	v9 =	vsel vm0, v9, v8  }
0x5c: {  	v12 =	vsub.s32 v12, v0;
	vm0 =	vlt.u32 v11, $0x1400;
	v10 =	vsel vm1, v10, v7;
	[tilespmem:$0x2F0] =	vst v9  }
0x5d: {  	v9 =	vsub.s32 v13, v0;
	vm1 =	vlt.u32 v12, $0x1400;
	v11 =	vsel vm0, v11, v6;
	[tilespmem:$0x2E0] =	vst v10  }
0x5e: {  	v10 =	vsub.s32 v14, v0;
	vm0 =	vlt.u32 v9, $0x1400;
	v12 =	vsel vm1, v12, v5;
	[tilespmem:$0x2D0] =	vst v11  }
0x5f: {  	v11 =	vsub.s32 v15, v0;
	vm1 =	vlt.u32 v10, $0x1400;
	v9 =	vsel vm0, v9, v4;
	[tilespmem:$0x2C0] =	vst v12  }
0x60: {  	v12 =	vsub.s32 v16, v0;
	vm0 =	vlt.u32 v11, $0x1400;
	v10 =	vsel vm1, v10, v3;
	[tilespmem:$0x2B0] =	vst v9  }
0x61: {  	vm1 =	vlt.u32 v12, $0x1400;
	v9 =	vsel vm0, v11, v2;
	[tilespmem:$0x2A0] =	vst v10  }
0x62: {  	v10 =	vsel vm1, v12, v1;
	[tilespmem:$0x290] =	vst v9  }
0x63: {  	[tilespmem:$0x280] =	vst v10  }
0x64: {  	_ =	swait.ge [sflag:s29], $0x4000  }
0x65: {  	[sflag:s29] =	ssyncset.done $0x0  }
0x66: {  	s9 =	simm.s32 @!p1 $0x1;
	[sflag:s29] =	ssyncadd.s32 $0xFFFFC000  }
0x67: {  	_ =	swait.ge @!p1 [sflag:s9], $0x80  }
0x68: {  	[sflag:s9] =	ssyncset.done @!p1 $0x0  }
0x69: {  	[sflag:s9] =	ssyncadd.s32 @!p1 $0xFFFFFF80  }
0x6a: {  	_ =	swait.ge @!p1 [sflag:s9], $0x80  }
0x6b: {  	[sflag:s9] =	ssyncset.done @!p1 $0x0  }
0x6c: {  	s10 =	simm.s32 @!p1 $0x380;
	[sflag:s9] =	ssyncadd.s32 @!p1 $0xFFFFFF80;
	s9 =	simm.s32 @!p1 $0x80  }
0x6d: {  	[tilespmem:s10], [sflag:$0x3] =	stream.indirect.gather @!p1 [hbm4b:s4+s9], $0x80, s5, s9, $0xb8;
	[tilespmem:$0x1C780] =	vst v63  }
0x6e: {  	_ = 	snop  }
0x6f: {  	[tilespmem:s9], [sflag:$0x2] =	stream.linear.gather @!p1 [hbm4b:s7+s5], $0x80, $0x38;
	[tilespmem:$0x1C780] =	vst v63  }
0x70: {  	s7 =	simm.s32 @!p1 $0x180  }
0x71: {  	[tilespmem:s7], [sflag:$0x2] =	stream.linear.gather @!p1 [hbm4b:s8+s5], $0x80, $0x38;
	[tilespmem:$0x1C780] =	vst v63  }
0x72: {  	_ = 	snop  }
0x73: {  	[spmem:s2] =	stream.indirect.scatter.add.f32 [tilespmem:s25], [sflag:$0x5], $0x80, s30, s21, $0xb8;
	[tilespmem:$0x1C780] =	vst v63  }
0x74: {  	_ =	swait.ge [sflag:s18], $0x4000  }
0x75: {  	[sflag:s18] =	ssyncset.done $0x0  }
0x76: {  	[sflag:s18] =	ssyncadd.s32 $0xFFFFC000  }
0x77: {  	_ =	swait.ge [sflag:s24], $0x80  }
0x78: {  	[sflag:s24] =	ssyncset.done $0x0  }
0x79: {  	[sflag:s24] =	ssyncadd.s32 $0xFFFFFF80  }
0x7a: {  	_ =	swait.ge [sflag:s24], $0x80  }
0x7b: {  	[sflag:s24] =	ssyncset.done $0x0  }
0x7c: {  	[sflag:s24] =	ssyncadd.s32 $0xFFFFFF80  }
0x7d: {  	[tilespmem:s25], [sflag:$0x4] =	stream.indirect.gather [hbm4b:s4+s21], $0x80, s21, s21, $0xb8;
	[tilespmem:$0x1C780] =	vst v63  }
0x7e: {  	v9 =	vld [tilespmem:$0x150]  }
0x7f: {  	v10 =	vld [tilespmem:$0x160]  }
0x80: {  	v11 =	vld [tilespmem:$0x170]  }
0x81: {  	v12 =	vld [tilespmem:$0x110]  }
0x82: {  	v13 =	vld [tilespmem:$0x120]  }
0x83: {  	v14 =	vld [tilespmem:$0x140];
	v9 =	vsub.s32 v9, v0  }
0x84: {  	v15 =	vld [tilespmem:$0x130];
	vm0 =	vlt.u32 v9, $0x1400;
	v10 =	vsub.s32 v10, v0  }
0x85: {  	v16 =	vld [tilespmem:$0x100];
	v9 =	vsel vm0, v9, v6;
	vm0 =	vlt.u32 v10, $0x1400;
	v11 =	vsub.s32 v11, v0  }
0x86: {  	v12 =	vsub.s32 v12, v0;
	[tilespmem:$0x250] =	vst v9;
	v9 =	vsel vm0, v10, v7;
	vm0 =	vlt.u32 v11, $0x1400  }
0x87: {  	vm1 =	vlt.u32 v12, $0x1400;
	v10 =	vsub.s32 v13, v0;
	[tilespmem:$0x260] =	vst v9;
	v9 =	vsel vm0, v11, v8  }
0x88: {  	v11 =	vsel vm1, v12, v2;
	vm0 =	vlt.u32 v10, $0x1400;
	v12 =	vsub.s32 v14, v0;
	[tilespmem:$0x270] =	vst v9  }
0x89: {  	[tilespmem:$0x210] =	vst v11;
	v9 =	vsel vm0, v10, v3;
	v10 =	vsub.s32 v15, v0;
	vm0 =	vlt.u32 v12, $0x1400  }
0x8a: {  	v11 =	vsub.s32 v16, v0;
	[tilespmem:$0x220] =	vst v9;
	vm1 =	vlt.u32 v10, $0x1400;
	v9 =	vsel vm0, v12, v5  }
0x8b: {  	vm0 =	vlt.u32 v11, $0x1400;
	v10 =	vsel vm1, v10, v4;
	[tilespmem:$0x240] =	vst v9  }
0x8c: {  	v9 =	vsel vm0, v11, v1;
	[tilespmem:$0x230] =	vst v10  }
0x8d: {  	[tilespmem:$0x200] =	vst v9  }
0x8e: {  	_ =	swait.ge [sflag:s26], $0x4000  }
0x8f: {  	[sflag:s26] =	ssyncset.done $0x0  }
0x90: {  	p1 =	seq.s32 s0, $0x9A0;
	[sflag:s26] =	ssyncadd.s32 $0xFFFFC000  }
0x91: {  	[spmem:s2] =	stream.indirect.scatter.add.f32 [tilespmem:s22], [sflag:$0x5], $0x80, s28, s21, $0xb8;
	[tilespmem:$0x1C780] =	vst v63  }
0x92: {  	s7 =	sadd.s32 @!p1 s0, s14;
	_ =	swait.ge [sflag:s18], $0x4000  }
.Ltmp0:
0x93: {  	s0 =	sadd.s32 @!p1 s0, s13;
	[sflag:s18] =	ssyncset.done $0x0;
	(pc) =	sbr.rel @p0 .LBB2_2-.Ltmp0, $4  }
0x94: {  	s5 =	simm.s32 @!p1 $0x0;
	s8 =	sadd.s32 @!p1 $0x20, s7;
	[sflag:s18] =	ssyncadd.s32 $0xFFFFC000  }
0x95: {  	[tilespmem:s5], [sflag:$0x1] =	stream.linear.gather @!p1 [hbm4b:s8+s5], $0x80, $0x38;
	[tilespmem:$0x1C780] =	vst v63  }
0x96: {  	s9 =	simm.s32 @!p1 $0x100;
	s7 =	sadd.s32 @!p1 $0x30, s7;
	s8 =	sadd.s32 @!p1 $0x20, s0  }
0x97: {  	[tilespmem:s9], [sflag:$0x1] =	stream.linear.gather @!p1 [hbm4b:s8+s5], $0x80, $0x38;
	[tilespmem:$0x1C780] =	vst v63  }
0x98: {  	v9 =	vld [tilespmem:$0x1F0]  }
0x99: {  	v10 =	vld [tilespmem:$0x1E0]  }
0x9a: {  	v11 =	vld [tilespmem:$0x1D0]  }
0x9b: {  	v12 =	vld [tilespmem:$0x1C0]  }
0x9c: {  	v13 =	vld [tilespmem:$0x1B0]  }
0x9d: {  	v14 =	vld [tilespmem:$0x1A0];
	v9 =	vsub.s32 v9, v0  }
0x9e: {  	v15 =	vld [tilespmem:$0x190];
	v10 =	vsub.s32 v10, v0;
	vm0 =	vlt.u32 v9, $0x1400  }
0x9f: {  	v16 =	vld [tilespmem:$0x180];
	v11 =	vsub.s32 v11, v0;
	vm1 =	vlt.u32 v10, $0x1400;
	v9 =	vsel vm0, v9, v8  }
0xa0: {  	v12 =	vsub.s32 v12, v0;
	vm8 =	vlt.u32 v11, $0x1400;
	v10 =	vsel vm1, v10, v7;
	[tilespmem:$0x2F0] =	vst v9  }
0xa1: {  	vm9 =	vlt.u32 v12, $0x1400;
	v11 =	vsel vm8, v11, v6;
	v9 =	vsub.s32 v13, v0;
	[tilespmem:$0x2E0] =	vst v10  }
0xa2: {  	v12 =	vsel vm9, v12, v5;
	v10 =	vsub.s32 v14, v0;
	[tilespmem:$0x2D0] =	vst v11;
	vm10 =	vlt.u32 v9, $0x1400  }
0xa3: {  	v11 =	vsub.s32 v15, v0;
	[tilespmem:$0x2C0] =	vst v12;
	vm11 =	vlt.u32 v10, $0x1400;
	v9 =	vsel vm10, v9, v4  }
0xa4: {  	v63 =	vsub.s32 v16, v0;
	vm12 =	vlt.u32 v11, $0x1400;
	v10 =	vsel vm11, v10, v3;
	[tilespmem:$0x2B0] =	vst v9  }
0xa5: {  	vm13 =	vlt.u32 v63, $0x1400;
	v9 =	vsel vm12, v11, v2;
	[tilespmem:$0x2A0] =	vst v10  }
0xa6: {  	v10 =	vsel vm13, v63, v1;
	[tilespmem:$0x290] =	vst v9  }
0xa7: {  	[tilespmem:$0x280] =	vst v10  }
0xa8: {  	_ =	swait.ge [sflag:s29], $0x4000  }
0xa9: {  	[sflag:s29] =	ssyncset.done $0x0  }
0xaa: {  	s8 =	simm.s32 @!p1 $0x1;
	[sflag:s29] =	ssyncadd.s32 $0xFFFFC000  }
0xab: {  	_ =	swait.ge @!p1 [sflag:s8], $0x80  }
0xac: {  	[sflag:s8] =	ssyncset.done @!p1 $0x0  }
0xad: {  	[sflag:s8] =	ssyncadd.s32 @!p1 $0xFFFFFF80  }
0xae: {  	_ =	swait.ge @!p1 [sflag:s8], $0x80  }
0xaf: {  	[sflag:s8] =	ssyncset.done @!p1 $0x0  }
0xb0: {  	s9 =	simm.s32 @!p1 $0x380;
	[sflag:s8] =	ssyncadd.s32 @!p1 $0xFFFFFF80;
	s8 =	simm.s32 @!p1 $0x80  }
0xb1: {  	[tilespmem:s9], [sflag:$0x3] =	stream.indirect.gather @!p1 [hbm4b:s4+s8], $0x80, s5, s8, $0xb8;
	[tilespmem:$0x1C780] =	vst v63  }
0xb2: {  	_ = 	snop  }
0xb3: {  	[tilespmem:s8], [sflag:$0x2] =	stream.linear.gather @!p1 [hbm4b:s7+s5], $0x80, $0x38;
	[tilespmem:$0x1C780] =	vst v63  }
0xb4: {  	s0 =	sadd.s32 @!p1 $0x30, s0;
	s7 =	simm.s32 @!p1 $0x180  }
0xb5: {  	[tilespmem:s7], [sflag:$0x2] =	stream.linear.gather @!p1 [hbm4b:s0+s5], $0x80, $0x38;
	[tilespmem:$0x1C780] =	vst v63  }
0xb6: {  	_ = 	snop  }
0xb7: {  	[spmem:s2] =	stream.indirect.scatter.add.f32 [tilespmem:s25], [sflag:$0x5], $0x80, s30, s21, $0xb8;
	[tilespmem:$0x1C780] =	vst v63  }
0xb8: {  	_ =	swait.ge [sflag:s18], $0x4000  }
0xb9: {  	[sflag:s18] =	ssyncset.done $0x0  }
0xba: {  	[sflag:s18] =	ssyncadd.s32 $0xFFFFC000  }
0xbb: {  	[tilespmem:s3], [sflag:$0x5] =	stream.linear.gather [hbm4b:s11+s3], $0x20, $0x38;
	[tilespmem:$0x1C780] =	vst v63  }
0xbc: {  	_ =	swait.ge [sflag:s18], $0x20  }
0xbd: {  	[sflag:s18] =	ssyncset.done $0x0  }
0xbe: {  	[sflag:s18] =	ssyncadd.s32 $0xFFFFFFE0  }
0xbf: {  	[tilespmem:s19], [sflag:$0x5] =	stream.linear.gather [hbm4b:s12+s3], $0x20, $0x38;
	[tilespmem:$0x1C780] =	vst v63  }
0xc0: {  	_ =	swait.ge [sflag:s18], $0x20  }
0xc1: {  	[sflag:s18] =	ssyncset.done $0x0  }
0xc2: {  	[sflag:s18] =	ssyncadd.s32 $0xFFFFFFE0  }
0xc3: {  	v9 =	vld [tilespmem:$0x100]  }
0xc4: {  	v10 =	vld [tilespmem:$0x110];
	_ =	sdelay $0x3  }
0xc5: {  	v9 =	vsub.s32 v9, v0  }
0xc6: {  	v10 =	vsub.s32 v10, v0;
	vm14 =	vlt.u32 v9, $0x1400  }
0xc7: {  	vm15 =	vlt.u32 v10, $0x1400;
	v9 =	vsel vm14, v9, v1  }
0xc8: {  	[tilespmem:$0x300] =	vst v9;
	v9 =	vsel vm15, v10, v2  }
0xc9: {  	[tilespmem:$0x310] =	vst v9  }
0xca: {  	[tilespmem:s22], [sflag:$0x3] =	stream.indirect.gather [hbm4b:s4+s31], $0x80, s3, s31, $0xb8;
	[tilespmem:$0x1C780] =	vst v63  }
0xcb: {  	_ =	swait.ge [sflag:s26], $0x1000  }
0xcc: {  	[sflag:s26] =	ssyncset.done $0x0  }
0xcd: {  	s23 =	simm.s32 $0x300;
	[sflag:s26] =	ssyncadd.s32 $0xFFFFF000  }
0xce: {  	[spmem:s2] =	stream.indirect.scatter.add.f32 [tilespmem:s22], [sflag:$0x5], $0x80, s23, s31, $0xb8;
	[tilespmem:$0x1C780] =	vst v63  }
0xcf: {  	_ =	swait.ge [sflag:s18], $0x1000  }
0xd0: {  	[sflag:s18] =	ssyncset.done $0x0  }
0xd1: {  	[sflag:s18] =	ssyncadd.s32 $0xFFFFF000  }
0xd2: {  	[bflag:$0x0] =	sbarrier.arrive $0xFFFF  }
0xd3: {  	[tilespmem:s17], [sflag:$0x5] =	stream.linear.gather [spmem:s6], $0xA000, $0x38;
	[tilespmem:$0x1C780] =	vst v63  }
0xd4: {  	s1 =	sadd.s32 $0x1, s1;
	_ =	swait.ge [sflag:s18], $0xA000  }
0xd5: {  	p0 =	sne.s32 s1, s16;
	[sflag:s18] =	ssyncset.done $0x0  }
.Ltmp1:
0xd6: {  	[sflag:s18] =	ssyncadd.s32 $0xFFFF6000;
	(pc) =	sbr.rel @p0 .LBB2_1-.Ltmp1, $4  }
0xd7: {  	[hbm4b:s15+s3] =	stream.linear.scatter [tilespmem:s17], [sflag:$0x5], $0xA000, $0x38;
	[tilespmem:$0x1C780] =	vst v63  }
0xd8: {  	_ =	swait.ge [sflag:s18], $0xA000  }
0xd9: {  	[sflag:s18] =	ssyncset.done $0x0  }
0xda: {  	[sflag:s18] =	ssyncadd.s32 $0xFFFF6000  }
0xdb: {  	_ =	sfence.sel $0x180000  }
0xdc: {  	[bflag:$0x0] =	sbarrier.arrive $0xFFFF  }
0xdd: {  	_ =	strace $0x90000047  }
0xde: {  	s0 =	stileid.u32;
	[bflag:$0x2] =	sbarrier.arrive $0xFFFF  }
0xdf: {  	p0 =	sne.s32 s0, $0x0;
	s0 =	rddreg [dreg:$0x3]  }
0xe0: {  	s0 =	sadd.s32 @!p0 $0x100000, s0  }
0xe1: {  	[sflag:s0] =	ssyncadd.tile.s32 @!p0 $0x1;
	_ =	shalt  }
.Lfunc_end2:
_tile_overlayer_lowered:
.L_overlay_start_2:
0xe2: {  	(tag) =	ssettag $0x2  }
0xe3: {  	s0 =	rddreg [dreg:$0x0];
	s2 =	stileid.u32  }
0xe4: {  	s1 =	rddreg [dreg:$0x1];
	p0 =	sne.s32 s2, $0x0  }
0xe5: {  	s3 =	rddreg [dreg:$0x2];
	[bflag:$0x3] =	sbarrier.arrive $0xFFFF;
	s2 =	simm.s32 @!p0 $0x1C05  }
0xe6: {  	[timem:s3], [sflag:s2] =	dma.local @!p0 [hbm:s0], s1  }
0xe7: {  	s0 =	simm.s32 @!p0 $0x5  }
0xe8: {  	_ =	swait.ge @!p0 [sflag:s0], s1  }
0xe9: {  	s1 =	ssub.s32 @!p0 $0x0, s1;
	[sflag:s0] =	ssyncset.done @!p0 $0x0  }
0xea: {  	[sflag:s0] =	ssyncadd.s32 @!p0 s1  }
0xeb: {  	[bflag:$0x3] =	sbarrier.arrive $0xFFFF  }
0xec: {  	_ =	shalt  }

</sc_bundles>
